<compile_context>
chip_gen: v7x
topology: tpu7x:2x2x1
jax: 0.10.2.dev20260603
libtpu: 0.0.44.dev20260713+nightly
codegen_flags: <defaults>
</compile_context>

<pallas_src>
import jax
import jax.numpy as jnp
from jax import lax
from jax.experimental import pallas as pl
from jax.experimental.pallas import tpu as pltpu
from jax.experimental.pallas import tpu_sc as plsc

N = 10000
E = 320000
D = 128

NC = 2
NS = 16
AS = 15
C = 128
CHA = 107
CHB = 60
WCH = 40
CHA_PAD = 120
CHB_PAD = 80
E0 = AS * CHA * C
ROWS0 = AS * CHA_PAD
ROWS1 = AS * CHB_PAD
PKROWS = ROWS0 + ROWS1 + WCH
NP = 10112
RPT = NP // NS
PADV = N | (N << 16)

_mesh = plsc.VectorSubcoreMesh(
    core_axis_name="c", subcore_axis_name="s", num_cores=NC, num_subcores=NS
)

_ROW_PLAN = ((0, 128), (128, 128), (256, 128), (384, 128), (512, 120))


def _worker_plan(c, s):
    base = jnp.where(c == 0, s * CHA_PAD, ROWS0 + s * CHB_PAD)
    nch = jnp.where(c == 0, CHA, CHB)
    return base, nch


def _deg_body(pk2, degp, srcw, dstw, ones_v, wb_v, outdeg_s, indeg_s):
    c = lax.axis_index("c")
    s = lax.axis_index("s")
    base, nch = _worker_plan(c, s)

    @pl.when(s < AS)
    def _():
        @pl.loop(0, C // 16)
        def _(i):
            ones_v[pl.ds(i * 16, 16)] = jnp.full((16,), 1.0, jnp.float32)

    @pl.loop(0, 640 // 16)
    def _(i):
        wb_v[pl.ds(i * 16, 16)] = jnp.zeros((16,), jnp.float32)

    pltpu.sync_copy(wb_v.at[pl.ds(0, RPT)], outdeg_s.at[pl.ds(s * RPT, RPT)])
    pltpu.sync_copy(wb_v.at[pl.ds(0, RPT)], indeg_s.at[pl.ds(s * RPT, RPT)])
    plsc.subcore_barrier()

    @pl.when(s < AS)
    def _():
        @pl.loop(0, nch)
        def _(j):
            @pl.when(j % WCH == 0)
            def _():
                pltpu.sync_copy(
                    pk2.at[pl.ds(base + (j // WCH) * WCH, WCH)], dstw
                )

                @pl.loop(0, WCH)
                def _(k):
                    for cc in range(C // 16):
                        v = dstw[k, pl.ds(cc * 16, 16)]
                        srcw[k, pl.ds(cc * 16, 16)] = v & jnp.int32(0xFFFF)
                        dstw[k, pl.ds(cc * 16, 16)] = v >> 16

            jw = j % WCH
            pltpu.sync_copy(ones_v, outdeg_s.at[srcw.at[jw]], add=True)
            pltpu.sync_copy(ones_v, indeg_s.at[dstw.at[jw]], add=True)

    plsc.subcore_barrier()
    pltpu.sync_copy(outdeg_s.at[pl.ds(s * RPT, RPT)], wb_v.at[pl.ds(0, RPT)])
    pltpu.sync_copy(
        wb_v.at[pl.ds(0, RPT)], degp.at[pl.ds(c * 2 * NP + s * RPT, RPT)]
    )
    pltpu.sync_copy(indeg_s.at[pl.ds(s * RPT, RPT)], wb_v.at[pl.ds(0, RPT)])
    pltpu.sync_copy(
        wb_v.at[pl.ds(0, RPT)], degp.at[pl.ds((c * 2 + 1) * NP + s * RPT, RPT)]
    )


_deg = pl.kernel(
    _deg_body,
    out_type=jax.ShapeDtypeStruct((NC * 2 * NP,), jnp.float32),
    mesh=_mesh,
    scratch_types=[
        pltpu.VMEM((WCH, C), jnp.int32),
        pltpu.VMEM((WCH, C), jnp.int32),
        pltpu.VMEM((C,), jnp.float32),
        pltpu.VMEM((640,), jnp.float32),
        pltpu.VMEM_SHARED((NP,), jnp.float32),
        pltpu.VMEM_SHARED((NP,), jnp.float32),
    ],
)


def _fc_body(x_ref, w_ref, b_ref, degp_ref, h_ref):
    od = degp_ref[0, 0, :] + degp_ref[1, 0, :]
    os = lax.rsqrt(jnp.maximum(od, 1.0))[:, None]
    h = jnp.dot(x_ref[...], w_ref[...], preferred_element_type=jnp.float32)
    h_ref[...] = (h + b_ref[...][None, :]) * os


def _fc(x_pad, w, b, degp):
    return pl.pallas_call(
        _fc_body,
        out_shape=jax.ShapeDtypeStruct((NP, D), jnp.float32),
    )(x_pad, w, b, degp)


def _agg_body(h_hbm, pk2, pp, srcw, dstw, ebuf2, sems, acc_s):
    c = lax.axis_index("c")
    s = lax.axis_index("s")
    base, nch = _worker_plan(c, s)

    @pl.loop(0, C)
    def _(r):
        for cc in range(D // 16):
            ebuf2[0, r, pl.ds(cc * 16, 16)] = jnp.zeros((16,), jnp.float32)

    for off, sz in _ROW_PLAN:
        pltpu.sync_copy(
            ebuf2.at[0, pl.ds(0, sz)], acc_s.at[pl.ds(s * RPT + off, sz)]
        )
    plsc.subcore_barrier()

    @pl.when(s < AS)
    def _():
        @pl.loop(0, nch)
        def _(j):
            @pl.when(j % WCH == 0)
            def _():
                @pl.when(j > 0)
                def _():
                    pltpu.make_async_copy(
                        ebuf2.at[0], acc_s.at[dstw.at[0]], sems.at[0]
                    ).wait()
                    pltpu.make_async_copy(
                        ebuf2.at[1], acc_s.at[dstw.at[1]], sems.at[1]
                    ).wait()

                pltpu.sync_copy(
                    pk2.at[pl.ds(base + (j // WCH) * WCH, WCH)], dstw
                )

                @pl.loop(0, WCH)
                def _(k):
                    for cc in range(C // 16):
                        v = dstw[k, pl.ds(cc * 16, 16)]
                        srcw[k, pl.ds(cc * 16, 16)] = v & jnp.int32(0xFFFF)
                        dstw[k, pl.ds(cc * 16, 16)] = v >> 16

            jw = j % WCH
            b = j % 2

            @pl.when(jw > 1)
            def _():
                pltpu.make_async_copy(
                    ebuf2.at[b], acc_s.at[dstw.at[jw]], sems.at[b]
                ).wait()

            pltpu.sync_copy(h_hbm.at[srcw.at[jw]], ebuf2.at[b])
            pltpu.async_copy(
                ebuf2.at[b], acc_s.at[dstw.at[jw]], sems.at[b], add=True
            )

        pltpu.make_async_copy(
            ebuf2.at[0], acc_s.at[dstw.at[0]], sems.at[0]
        ).wait()
        pltpu.make_async_copy(
            ebuf2.at[1], acc_s.at[dstw.at[1]], sems.at[1]
        ).wait()

    plsc.subcore_barrier()
    for off, sz in _ROW_PLAN:
        pltpu.sync_copy(acc_s.at[pl.ds(s * RPT + off, sz)], ebuf2.at[0, pl.ds(0, sz)])
        pltpu.sync_copy(ebuf2.at[0, pl.ds(0, sz)], pp.at[c, pl.ds(s * RPT + off, sz)])


_agg = pl.kernel(
    _agg_body,
    out_type=jax.ShapeDtypeStruct((NC, NP, D), jnp.float32),
    mesh=_mesh,
    scratch_types=[
        pltpu.VMEM((WCH, C), jnp.int32),
        pltpu.VMEM((WCH, C), jnp.int32),
        pltpu.VMEM((2, C, D), jnp.float32),
        pltpu.SemaphoreType.DMA((2,)),
        pltpu.VMEM_SHARED((NP, D), jnp.float32),
    ],
)


def _comb_body(pp_ref, degp_ref, x_ref, out_ref):
    idg = degp_ref[0, 1, :] + degp_ref[1, 1, :]
    isc = lax.rsqrt(jnp.maximum(idg, 1.0))[:, None]
    out_ref[...] = (pp_ref[0] + pp_ref[1]) * isc + x_ref[...]


def _comb(pp, degp, x_pad):
    return pl.pallas_call(
        _comb_body,
        out_shape=jax.ShapeDtypeStruct((NP, D), jnp.float32),
    )(pp, degp, x_pad)


@jax.jit
def kernel(x, edge_index, W, b):
    packed = edge_index[0] | (edge_index[1] << 16)
    a = packed[:E0].reshape(AS, CHA, C)
    a = jnp.pad(a, ((0, 0), (0, CHA_PAD - CHA), (0, 0)), constant_values=PADV)
    nb = AS * CHB * C
    bpk = jnp.concatenate(
        [packed[E0:], jnp.full((nb - (E - E0),), PADV, dtype=jnp.int32)]
    ).reshape(AS, CHB, C)
    bpk = jnp.pad(
        bpk, ((0, 0), (0, CHB_PAD - CHB), (0, 0)), constant_values=PADV
    )
    pk2 = jnp.concatenate(
        [
            a.reshape(ROWS0, C),
            bpk.reshape(ROWS1, C),
            jnp.full((WCH, C), PADV, dtype=jnp.int32),
        ]
    )
    x_pad = jnp.pad(x, ((0, NP - N), (0, 0)))
    degp = _deg(pk2).reshape(NC, 2, NP)
    h = _fc(x_pad, W, b, degp)
    pp = _agg(h, pk2)
    rst = _comb(pp, degp, x_pad)
    return rst[:N]

# --- scband reference (transcript-rebuilt; emitter-appended) ---
"""Pipeline reference for scband-graph-conv-38001870635092 (READ-ONLY COPY).

The authoritative reference and input builder live on the scoring server;
editing this copy changes nothing except your own understanding.
"""

import jax, jax.numpy as jnp
import numpy as np

N = 10000
E = 320000
D_IN = 128
D_OUT = 128


def setup_inputs(seed: int = 0) -> dict:
    key = jax.random.key(seed)
    k1, k2, k3, k4 = jax.random.split(key, 4)
    x = jax.random.normal(k1, (N, D_IN), dtype=jnp.float32)
    edge_index = jax.random.randint(k2, (2, E), 0, N, dtype=jnp.int32)
    # nn.Linear(in_dim, out_dim) parameters (stored as [in, out] for x @ W + b)
    bound = 1.0 / np.sqrt(D_IN)
    W = jax.random.uniform(k3, (D_IN, D_OUT), dtype=jnp.float32, minval=-bound, maxval=bound)
    b = jax.random.uniform(k4, (D_OUT,), dtype=jnp.float32, minval=-bound, maxval=bound)
    return {"x": x, "edge_index": edge_index, "W": W, "b": b}


def reference(x, edge_index, W, b):
    # DGL GraphConv with copy_u/sum aggregation, symmetric-ish degree norm,
    # fc applied to src feats first (forward, not forward_old), identity residual
    # (in_dim == out_dim), no norm layer, no activation.
    src = edge_index[0]
    dst = edge_index[1]
    ones = jnp.ones((E,), dtype=jnp.float32)
    # out_degrees = number of edges with node as source
    out_deg = jnp.clip(jax.ops.segment_sum(ones, src, num_segments=N), 1.0)
    # in_degrees = number of edges with node as destination
    in_deg = jnp.clip(jax.ops.segment_sum(ones, dst, num_segments=N), 1.0)
    # feat_src = fc(feat)
    h = x @ W + b
    # feat_src = feat_src * out_deg^-0.5
    h = h * (out_deg ** -0.5)[:, None]
    # update_all(copy_u('h','m'), sum('m','h')) -> scatter-add messages by dst
    msgs = jnp.take(h, src, axis=0)
    rst = jax.ops.segment_sum(msgs, dst, num_segments=N)
    # rst = rst * in_deg^-0.5
    rst = rst * (in_deg ** -0.5)[:, None]
    # residual: res_fc is Identity since in_dim == out_dim
    rst = rst + x
    return rst

if __name__ == "__main__":
    import jax
    _d = setup_inputs()
    print(jax.jit(kernel)(*tuple(_d.values())))

</pallas_src>

<mosaic_0001>
#map = affine_map<(d0, d1) -> (0, 0)>
#map1 = affine_map<(d0, d1) -> (0, 0, 0)>
module attributes {stable_mosaic.version = 14 : i64} {
  func.func @_agg_body(%arg0: i32, %arg1: i32, %arg2: memref<10112x128xf32, #tpu.memory_space<hbm>>, %arg3: memref<3040x128xi32, #tpu.memory_space<hbm>>, %arg4: memref<2x10112x128xf32, #tpu.memory_space<hbm>>, %arg5: memref<40x128xi32, #tpu.memory_space<vmem>>, %arg6: memref<40x128xi32, #tpu.memory_space<vmem>>, %arg7: memref<2x128x128xf32, #tpu.memory_space<vmem>>, %arg8: memref<2x!tpu.dma_semaphore, #tpu.memory_space<semaphore_mem>>, %arg9: memref<10112x128xf32, #tpu.memory_space<vmem_shared>>) attributes {dimension_semantics = [#tpu.dimension_semantics<core_parallel>, #tpu.dimension_semantics<subcore_parallel>], iteration_bounds = array<i64: 2, 16>, scalar_prefetch = 0 : i64, scratch_operands = 5 : i64, tpu.core_type = #tpu.core_type<sc_vector_subcore>, window_params = [{transform_indices = #map}, {transform_indices = #map}, {transform_indices = #map1}]} {
    %eq3A = arith.constant 0 : i32
    %eq3A_0 = arith.cmpi eq, %arg0, %eq3A : i32
    %mul3A = arith.constant 120 : i32
    %mul3A_1 = arith.muli %arg1, %mul3A : i32
    %mul3A_2 = arith.constant 80 : i32
    %mul3A_3 = arith.muli %arg1, %mul3A_2 : i32
    %add3A = arith.constant 1800 : i32
    %add3A_4 = arith.addi %add3A, %mul3A_3 : i32
    %select_n3A = arith.select %eq3A_0, %mul3A_1, %add3A_4 : i32
    %eq3A_5 = arith.constant 0 : i32
    %eq3A_6 = arith.cmpi eq, %arg0, %eq3A_5 : i32
    %jit3A = arith.constant 107 : i32
    %jit3A_7 = arith.constant 60 : i32
    %select_n3A_8 = arith.select %eq3A_6, %jit3A, %jit3A_7 : i32
    %scan3A = arith.constant 0 : i32
    %scan3A_9 = arith.constant 128 : i32
    %scan3A_10 = arith.addi %scan3A, %scan3A_9 : i32
    %scan3A_11 = arith.constant 1 : i32
    scf.for %scan3A_90 = %scan3A to %scan3A_10 step %scan3A_11  : i32 {
      %mul3A_91 = arith.constant 1 : i32
      %mul3A_92 = arith.muli %scan3A_90, %mul3A_91 : i32
      %add3A_93 = arith.constant 0 : i32
      %add3A_94 = arith.addi %add3A_93, %mul3A_92 : i32
      %broadcast_in_dim3A = arith.constant 0.000000e+00 : f32
      %broadcast_in_dim3A_95 = vector.broadcast %broadcast_in_dim3A : f32 to vector<16xf32>
      %swap3A = arith.constant 0 : i32
      %swap3A_96 = arith.index_cast %swap3A : i32 to index
      %swap3A_97 = arith.index_cast %add3A_94 : i32 to index
      %swap3A_98 = arith.constant 0 : index
      %swap3A_99 = tpu.vector_load %arg7[%swap3A_96, %swap3A_97, %swap3A_98] {strides = array<i32>} : memref<2x128x128xf32, #tpu.memory_space<vmem>>, vector<1x1x16xf32>,
      %swap3A_100 = vector.shape_cast %swap3A_99 : vector<1x1x16xf32> to vector<16xf32>
      %swap3A_101 = vector.shape_cast %broadcast_in_dim3A_95 : vector<16xf32> to vector<1x1x16xf32>
      tpu.vector_store %arg7[%swap3A_96, %swap3A_97, %swap3A_98], %swap3A_101 {strides = array<i32>} : memref<2x128x128xf32, #tpu.memory_space<vmem>>, vector<1x1x16xf32>,
      %broadcast_in_dim3A_102 = arith.constant 0.000000e+00 : f32
      %broadcast_in_dim3A_103 = vector.broadcast %broadcast_in_dim3A_102 : f32 to vector<16xf32>
      %swap3A_104 = arith.constant 0 : i32
      %swap3A_105 = arith.index_cast %swap3A_104 : i32 to index
      %swap3A_106 = arith.index_cast %add3A_94 : i32 to index
      %swap3A_107 = arith.constant 16 : index
      %swap3A_108 = tpu.vector_load %arg7[%swap3A_105, %swap3A_106, %swap3A_107] {strides = array<i32>} : memref<2x128x128xf32, #tpu.memory_space<vmem>>, vector<1x1x16xf32>,
      %swap3A_109 = vector.shape_cast %swap3A_108 : vector<1x1x16xf32> to vector<16xf32>
      %swap3A_110 = vector.shape_cast %broadcast_in_dim3A_103 : vector<16xf32> to vector<1x1x16xf32>
      tpu.vector_store %arg7[%swap3A_105, %swap3A_106, %swap3A_107], %swap3A_110 {strides = array<i32>} : memref<2x128x128xf32, #tpu.memory_space<vmem>>, vector<1x1x16xf32>,
      %broadcast_in_dim3A_111 = arith.constant 0.000000e+00 : f32
      %broadcast_in_dim3A_112 = vector.broadcast %broadcast_in_dim3A_111 : f32 to vector<16xf32>
      %swap3A_113 = arith.constant 0 : i32
      %swap3A_114 = arith.index_cast %swap3A_113 : i32 to index
      %swap3A_115 = arith.index_cast %add3A_94 : i32 to index
      %swap3A_116 = arith.constant 32 : index
      %swap3A_117 = tpu.vector_load %arg7[%swap3A_114, %swap3A_115, %swap3A_116] {strides = array<i32>} : memref<2x128x128xf32, #tpu.memory_space<vmem>>, vector<1x1x16xf32>,
      %swap3A_118 = vector.shape_cast %swap3A_117 : vector<1x1x16xf32> to vector<16xf32>
      %swap3A_119 = vector.shape_cast %broadcast_in_dim3A_112 : vector<16xf32> to vector<1x1x16xf32>
      tpu.vector_store %arg7[%swap3A_114, %swap3A_115, %swap3A_116], %swap3A_119 {strides = array<i32>} : memref<2x128x128xf32, #tpu.memory_space<vmem>>, vector<1x1x16xf32>,
      %broadcast_in_dim3A_120 = arith.constant 0.000000e+00 : f32
      %broadcast_in_dim3A_121 = vector.broadcast %broadcast_in_dim3A_120 : f32 to vector<16xf32>
      %swap3A_122 = arith.constant 0 : i32
      %swap3A_123 = arith.index_cast %swap3A_122 : i32 to index
      %swap3A_124 = arith.index_cast %add3A_94 : i32 to index
      %swap3A_125 = arith.constant 48 : index
      %swap3A_126 = tpu.vector_load %arg7[%swap3A_123, %swap3A_124, %swap3A_125] {strides = array<i32>} : memref<2x128x128xf32, #tpu.memory_space<vmem>>, vector<1x1x16xf32>,
      %swap3A_127 = vector.shape_cast %swap3A_126 : vector<1x1x16xf32> to vector<16xf32>
      %swap3A_128 = vector.shape_cast %broadcast_in_dim3A_121 : vector<16xf32> to vector<1x1x16xf32>
      tpu.vector_store %arg7[%swap3A_123, %swap3A_124, %swap3A_125], %swap3A_128 {strides = array<i32>} : memref<2x128x128xf32, #tpu.memory_space<vmem>>, vector<1x1x16xf32>,
      %broadcast_in_dim3A_129 = arith.constant 0.000000e+00 : f32
      %broadcast_in_dim3A_130 = vector.broadcast %broadcast_in_dim3A_129 : f32 to vector<16xf32>
      %swap3A_131 = arith.constant 0 : i32
      %swap3A_132 = arith.index_cast %swap3A_131 : i32 to index
      %swap3A_133 = arith.index_cast %add3A_94 : i32 to index
      %swap3A_134 = arith.constant 64 : index
      %swap3A_135 = tpu.vector_load %arg7[%swap3A_132, %swap3A_133, %swap3A_134] {strides = array<i32>} : memref<2x128x128xf32, #tpu.memory_space<vmem>>, vector<1x1x16xf32>,
      %swap3A_136 = vector.shape_cast %swap3A_135 : vector<1x1x16xf32> to vector<16xf32>
      %swap3A_137 = vector.shape_cast %broadcast_in_dim3A_130 : vector<16xf32> to vector<1x1x16xf32>
      tpu.vector_store %arg7[%swap3A_132, %swap3A_133, %swap3A_134], %swap3A_137 {strides = array<i32>} : memref<2x128x128xf32, #tpu.memory_space<vmem>>, vector<1x1x16xf32>,
      %broadcast_in_dim3A_138 = arith.constant 0.000000e+00 : f32
      %broadcast_in_dim3A_139 = vector.broadcast %broadcast_in_dim3A_138 : f32 to vector<16xf32>
      %swap3A_140 = arith.constant 0 : i32
      %swap3A_141 = arith.index_cast %swap3A_140 : i32 to index
      %swap3A_142 = arith.index_cast %add3A_94 : i32 to index
      %swap3A_143 = arith.constant 80 : index
      %swap3A_144 = tpu.vector_load %arg7[%swap3A_141, %swap3A_142, %swap3A_143] {strides = array<i32>} : memref<2x128x128xf32, #tpu.memory_space<vmem>>, vector<1x1x16xf32>,
      %swap3A_145 = vector.shape_cast %swap3A_144 : vector<1x1x16xf32> to vector<16xf32>
      %swap3A_146 = vector.shape_cast %broadcast_in_dim3A_139 : vector<16xf32> to vector<1x1x16xf32>
      tpu.vector_store %arg7[%swap3A_141, %swap3A_142, %swap3A_143], %swap3A_146 {strides = array<i32>} : memref<2x128x128xf32, #tpu.memory_space<vmem>>, vector<1x1x16xf32>,
      %broadcast_in_dim3A_147 = arith.constant 0.000000e+00 : f32
      %broadcast_in_dim3A_148 = vector.broadcast %broadcast_in_dim3A_147 : f32 to vector<16xf32>
      %swap3A_149 = arith.constant 0 : i32
      %swap3A_150 = arith.index_cast %swap3A_149 : i32 to index
      %swap3A_151 = arith.index_cast %add3A_94 : i32 to index
      %swap3A_152 = arith.constant 96 : index
      %swap3A_153 = tpu.vector_load %arg7[%swap3A_150, %swap3A_151, %swap3A_152] {strides = array<i32>} : memref<2x128x128xf32, #tpu.memory_space<vmem>>, vector<1x1x16xf32>,
      %swap3A_154 = vector.shape_cast %swap3A_153 : vector<1x1x16xf32> to vector<16xf32>
      %swap3A_155 = vector.shape_cast %broadcast_in_dim3A_148 : vector<16xf32> to vector<1x1x16xf32>
      tpu.vector_store %arg7[%swap3A_150, %swap3A_151, %swap3A_152], %swap3A_155 {strides = array<i32>} : memref<2x128x128xf32, #tpu.memory_space<vmem>>, vector<1x1x16xf32>,
      %broadcast_in_dim3A_156 = arith.constant 0.000000e+00 : f32
      %broadcast_in_dim3A_157 = vector.broadcast %broadcast_in_dim3A_156 : f32 to vector<16xf32>
      %swap3A_158 = arith.constant 0 : i32
      %swap3A_159 = arith.index_cast %swap3A_158 : i32 to index
      %swap3A_160 = arith.index_cast %add3A_94 : i32 to index
      %swap3A_161 = arith.constant 112 : index
      %swap3A_162 = tpu.vector_load %arg7[%swap3A_159, %swap3A_160, %swap3A_161] {strides = array<i32>} : memref<2x128x128xf32, #tpu.memory_space<vmem>>, vector<1x1x16xf32>,
      %swap3A_163 = vector.shape_cast %swap3A_162 : vector<1x1x16xf32> to vector<16xf32>
      %swap3A_164 = vector.shape_cast %broadcast_in_dim3A_157 : vector<16xf32> to vector<1x1x16xf32>
      tpu.vector_store %arg7[%swap3A_159, %swap3A_160, %swap3A_161], %swap3A_164 {strides = array<i32>} : memref<2x128x128xf32, #tpu.memory_space<vmem>>, vector<1x1x16xf32>,
    }
    %scan3A_12 = arith.constant 128 : i32
    %mul3A_13 = arith.constant 632 : i32
    %mul3A_14 = arith.muli %arg1, %mul3A_13 : i32
    %add3A_15 = arith.constant 0 : i32
    %add3A_16 = arith.addi %mul3A_14, %add3A_15 : i32
    %run_scoped3A = arith.constant 0 : i32
    "tpu.region"() ({
      %run_scoped3A_90 = tpu.sem_alloc : memref<!tpu.dma_semaphore, #tpu.memory_space<semaphore_mem>>
      %dma_start3A = arith.constant 0 : i32
      %dma_start3A_91 = arith.constant 0 : i32
      %dma_start3A_92 = tpu.memref_slice %arg7[%run_scoped3A, %dma_start3A, %dma_start3A_91] : memref<2x128x128xf32, #tpu.memory_space<vmem>> -> memref<1x128x128xf32, #tpu.memory_space<vmem>>
      %dma_start3A_93 = tpu.memref_squeeze %dma_start3A_92 : memref<1x128x128xf32, #tpu.memory_space<vmem>> -> memref<128x128xf32, #tpu.memory_space<vmem>>
      %dma_start3A_94 = arith.constant 0 : i32
      %dma_start3A_95 = tpu.memref_slice %arg9[%add3A_16, %dma_start3A_94] : memref<10112x128xf32, #tpu.memory_space<vmem_shared>> -> memref<128x128xf32, #tpu.memory_space<vmem_shared>>
      %dma_start3A_96 = arith.constant 0 : i32
      %dma_start3A_97 = tpu.memref_slice %arg9[%add3A_16, %dma_start3A_96] : memref<10112x128xf32, #tpu.memory_space<vmem_shared>> -> memref<128x128xf32, #tpu.memory_space<vmem_shared>>
      %dma_start3A_98 = arith.constant 0 : i32
      %dma_start3A_99 = arith.constant 0 : i32
      %dma_start3A_100 = tpu.memref_slice %arg7[%run_scoped3A, %dma_start3A_98, %dma_start3A_99] : memref<2x128x128xf32, #tpu.memory_space<vmem>> -> memref<1x128x128xf32, #tpu.memory_space<vmem>>
      %dma_start3A_101 = tpu.memref_squeeze %dma_start3A_100 : memref<1x128x128xf32, #tpu.memory_space<vmem>> -> memref<128x128xf32, #tpu.memory_space<vmem>>
      tpu.enqueue_dma source(%dma_start3A_101 : memref<128x128xf32, #tpu.memory_space<vmem>>) target(%dma_start3A_97 : memref<128x128xf32, #tpu.memory_space<vmem_shared>>) target_semaphore(%run_scoped3A_90 : memref<!tpu.dma_semaphore, #tpu.memory_space<semaphore_mem>>)
      %dma_wait3A = arith.constant 0 : i32
      %dma_wait3A_102 = arith.constant 0 : i32
      %dma_wait3A_103 = tpu.memref_slice %arg7[%run_scoped3A, %dma_wait3A, %dma_wait3A_102] : memref<2x128x128xf32, #tpu.memory_space<vmem>> -> memref<1x128x128xf32, #tpu.memory_space<vmem>>
      %dma_wait3A_104 = tpu.memref_squeeze %dma_wait3A_103 : memref<1x128x128xf32, #tpu.memory_space<vmem>> -> memref<128x128xf32, #tpu.memory_space<vmem>>
      %dma_wait3A_105 = arith.constant 0 : i32
      %dma_wait3A_106 = tpu.memref_slice %arg9[%add3A_16, %dma_wait3A_105] : memref<10112x128xf32, #tpu.memory_space<vmem_shared>> -> memref<128x128xf32, #tpu.memory_space<vmem_shared>>
      %dma_wait3A_107 = arith.constant 0 : i32
      %dma_wait3A_108 = tpu.memref_slice %arg9[%add3A_16, %dma_wait3A_107] : memref<10112x128xf32, #tpu.memory_space<vmem_shared>> -> memref<128x128xf32, #tpu.memory_space<vmem_shared>>
      %dma_wait3A_109 = arith.constant 0 : i32
      %dma_wait3A_110 = arith.constant 0 : i32
      %dma_wait3A_111 = tpu.memref_slice %arg7[%run_scoped3A, %dma_wait3A_109, %dma_wait3A_110] : memref<2x128x128xf32, #tpu.memory_space<vmem>> -> memref<1x128x128xf32, #tpu.memory_space<vmem>>
      %dma_wait3A_112 = tpu.memref_squeeze %dma_wait3A_111 : memref<1x128x128xf32, #tpu.memory_space<vmem>> -> memref<128x128xf32, #tpu.memory_space<vmem>>
      tpu.wait_dma2 semaphore(%run_scoped3A_90 : memref<!tpu.dma_semaphore, #tpu.memory_space<semaphore_mem>>) src(%dma_wait3A_112 : memref<128x128xf32, #tpu.memory_space<vmem>>) dst(%dma_wait3A_108 : memref<128x128xf32, #tpu.memory_space<vmem_shared>>)
      tpu.yield
    }) : () -> ()
    %mul3A_17 = arith.constant 632 : i32
    %mul3A_18 = arith.muli %arg1, %mul3A_17 : i32
    %add3A_19 = arith.constant 128 : i32
    %add3A_20 = arith.addi %mul3A_18, %add3A_19 : i32
    %run_scoped3A_21 = arith.constant 0 : i32
    "tpu.region"() ({
      %run_scoped3A_90 = tpu.sem_alloc : memref<!tpu.dma_semaphore, #tpu.memory_space<semaphore_mem>>
      %dma_start3A = arith.constant 0 : i32
      %dma_start3A_91 = arith.constant 0 : i32
      %dma_start3A_92 = tpu.memref_slice %arg7[%run_scoped3A_21, %dma_start3A, %dma_start3A_91] : memref<2x128x128xf32, #tpu.memory_space<vmem>> -> memref<1x128x128xf32, #tpu.memory_space<vmem>>
      %dma_start3A_93 = tpu.memref_squeeze %dma_start3A_92 : memref<1x128x128xf32, #tpu.memory_space<vmem>> -> memref<128x128xf32, #tpu.memory_space<vmem>>
      %dma_start3A_94 = arith.constant 0 : i32
      %dma_start3A_95 = tpu.memref_slice %arg9[%add3A_20, %dma_start3A_94] : memref<10112x128xf32, #tpu.memory_space<vmem_shared>> -> memref<128x128xf32, #tpu.memory_space<vmem_shared>>
      %dma_start3A_96 = arith.constant 0 : i32
      %dma_start3A_97 = tpu.memref_slice %arg9[%add3A_20, %dma_start3A_96] : memref<10112x128xf32, #tpu.memory_space<vmem_shared>> -> memref<128x128xf32, #tpu.memory_space<vmem_shared>>
      %dma_start3A_98 = arith.constant 0 : i32
      %dma_start3A_99 = arith.constant 0 : i32
      %dma_start3A_100 = tpu.memref_slice %arg7[%run_scoped3A_21, %dma_start3A_98, %dma_start3A_99] : memref<2x128x128xf32, #tpu.memory_space<vmem>> -> memref<1x128x128xf32, #tpu.memory_space<vmem>>
      %dma_start3A_101 = tpu.memref_squeeze %dma_start3A_100 : memref<1x128x128xf32, #tpu.memory_space<vmem>> -> memref<128x128xf32, #tpu.memory_space<vmem>>
      tpu.enqueue_dma source(%dma_start3A_101 : memref<128x128xf32, #tpu.memory_space<vmem>>) target(%dma_start3A_97 : memref<128x128xf32, #tpu.memory_space<vmem_shared>>) target_semaphore(%run_scoped3A_90 : memref<!tpu.dma_semaphore, #tpu.memory_space<semaphore_mem>>)
      %dma_wait3A = arith.constant 0 : i32
      %dma_wait3A_102 = arith.constant 0 : i32
      %dma_wait3A_103 = tpu.memref_slice %arg7[%run_scoped3A_21, %dma_wait3A, %dma_wait3A_102] : memref<2x128x128xf32, #tpu.memory_space<vmem>> -> memref<1x128x128xf32, #tpu.memory_space<vmem>>
      %dma_wait3A_104 = tpu.memref_squeeze %dma_wait3A_103 : memref<1x128x128xf32, #tpu.memory_space<vmem>> -> memref<128x128xf32, #tpu.memory_space<vmem>>
      %dma_wait3A_105 = arith.constant 0 : i32
      %dma_wait3A_106 = tpu.memref_slice %arg9[%add3A_20, %dma_wait3A_105] : memref<10112x128xf32, #tpu.memory_space<vmem_shared>> -> memref<128x128xf32, #tpu.memory_space<vmem_shared>>
      %dma_wait3A_107 = arith.constant 0 : i32
      %dma_wait3A_108 = tpu.memref_slice %arg9[%add3A_20, %dma_wait3A_107] : memref<10112x128xf32, #tpu.memory_space<vmem_shared>> -> memref<128x128xf32, #tpu.memory_space<vmem_shared>>
      %dma_wait3A_109 = arith.constant 0 : i32
      %dma_wait3A_110 = arith.constant 0 : i32
      %dma_wait3A_111 = tpu.memref_slice %arg7[%run_scoped3A_21, %dma_wait3A_109, %dma_wait3A_110] : memref<2x128x128xf32, #tpu.memory_space<vmem>> -> memref<1x128x128xf32, #tpu.memory_space<vmem>>
      %dma_wait3A_112 = tpu.memref_squeeze %dma_wait3A_111 : memref<1x128x128xf32, #tpu.memory_space<vmem>> -> memref<128x128xf32, #tpu.memory_space<vmem>>
      tpu.wait_dma2 semaphore(%run_scoped3A_90 : memref<!tpu.dma_semaphore, #tpu.memory_space<semaphore_mem>>) src(%dma_wait3A_112 : memref<128x128xf32, #tpu.memory_space<vmem>>) dst(%dma_wait3A_108 : memref<128x128xf32, #tpu.memory_space<vmem_shared>>)
      tpu.yield
    }) : () -> ()
    %mul3A_22 = arith.constant 632 : i32
    %mul3A_23 = arith.muli %arg1, %mul3A_22 : i32
    %add3A_24 = arith.constant 256 : i32
    %add3A_25 = arith.addi %mul3A_23, %add3A_24 : i32
    %run_scoped3A_26 = arith.constant 0 : i32
    "tpu.region"() ({
      %run_scoped3A_90 = tpu.sem_alloc : memref<!tpu.dma_semaphore, #tpu.memory_space<semaphore_mem>>
      %dma_start3A = arith.constant 0 : i32
      %dma_start3A_91 = arith.constant 0 : i32
      %dma_start3A_92 = tpu.memref_slice %arg7[%run_scoped3A_26, %dma_start3A, %dma_start3A_91] : memref<2x128x128xf32, #tpu.memory_space<vmem>> -> memref<1x128x128xf32, #tpu.memory_space<vmem>>
      %dma_start3A_93 = tpu.memref_squeeze %dma_start3A_92 : memref<1x128x128xf32, #tpu.memory_space<vmem>> -> memref<128x128xf32, #tpu.memory_space<vmem>>
      %dma_start3A_94 = arith.constant 0 : i32
      %dma_start3A_95 = tpu.memref_slice %arg9[%add3A_25, %dma_start3A_94] : memref<10112x128xf32, #tpu.memory_space<vmem_shared>> -> memref<128x128xf32, #tpu.memory_space<vmem_shared>>
      %dma_start3A_96 = arith.constant 0 : i32
      %dma_start3A_97 = tpu.memref_slice %arg9[%add3A_25, %dma_start3A_96] : memref<10112x128xf32, #tpu.memory_space<vmem_shared>> -> memref<128x128xf32, #tpu.memory_space<vmem_shared>>
      %dma_start3A_98 = arith.constant 0 : i32
      %dma_start3A_99 = arith.constant 0 : i32
      %dma_start3A_100 = tpu.memref_slice %arg7[%run_scoped3A_26, %dma_start3A_98, %dma_start3A_99] : memref<2x128x128xf32, #tpu.memory_space<vmem>> -> memref<1x128x128xf32, #tpu.memory_space<vmem>>
      %dma_start3A_101 = tpu.memref_squeeze %dma_start3A_100 : memref<1x128x128xf32, #tpu.memory_space<vmem>> -> memref<128x128xf32, #tpu.memory_space<vmem>>
      tpu.enqueue_dma source(%dma_start3A_101 : memref<128x128xf32, #tpu.memory_space<vmem>>) target(%dma_start3A_97 : memref<128x128xf32, #tpu.memory_space<vmem_shared>>) target_semaphore(%run_scoped3A_90 : memref<!tpu.dma_semaphore, #tpu.memory_space<semaphore_mem>>)
      %dma_wait3A = arith.constant 0 : i32
      %dma_wait3A_102 = arith.constant 0 : i32
      %dma_wait3A_103 = tpu.memref_slice %arg7[%run_scoped3A_26, %dma_wait3A, %dma_wait3A_102] : memref<2x128x128xf32, #tpu.memory_space<vmem>> -> memref<1x128x128xf32, #tpu.memory_space<vmem>>
      %dma_wait3A_104 = tpu.memref_squeeze %dma_wait3A_103 : memref<1x128x128xf32, #tpu.memory_space<vmem>> -> memref<128x128xf32, #tpu.memory_space<vmem>>
      %dma_wait3A_105 = arith.constant 0 : i32
      %dma_wait3A_106 = tpu.memref_slice %arg9[%add3A_25, %dma_wait3A_105] : memref<10112x128xf32, #tpu.memory_space<vmem_shared>> -> memref<128x128xf32, #tpu.memory_space<vmem_shared>>
      %dma_wait3A_107 = arith.constant 0 : i32
      %dma_wait3A_108 = tpu.memref_slice %arg9[%add3A_25, %dma_wait3A_107] : memref<10112x128xf32, #tpu.memory_space<vmem_shared>> -> memref<128x128xf32, #tpu.memory_space<vmem_shared>>
      %dma_wait3A_109 = arith.constant 0 : i32
      %dma_wait3A_110 = arith.constant 0 : i32
      %dma_wait3A_111 = tpu.memref_slice %arg7[%run_scoped3A_26, %dma_wait3A_109, %dma_wait3A_110] : memref<2x128x128xf32, #tpu.memory_space<vmem>> -> memref<1x128x128xf32, #tpu.memory_space<vmem>>
      %dma_wait3A_112 = tpu.memref_squeeze %dma_wait3A_111 : memref<1x128x128xf32, #tpu.memory_space<vmem>> -> memref<128x128xf32, #tpu.memory_space<vmem>>
      tpu.wait_dma2 semaphore(%run_scoped3A_90 : memref<!tpu.dma_semaphore, #tpu.memory_space<semaphore_mem>>) src(%dma_wait3A_112 : memref<128x128xf32, #tpu.memory_space<vmem>>) dst(%dma_wait3A_108 : memref<128x128xf32, #tpu.memory_space<vmem_shared>>)
      tpu.yield
    }) : () -> ()
    %mul3A_27 = arith.constant 632 : i32
    %mul3A_28 = arith.muli %arg1, %mul3A_27 : i32
    %add3A_29 = arith.constant 384 : i32
    %add3A_30 = arith.addi %mul3A_28, %add3A_29 : i32
    %run_scoped3A_31 = arith.constant 0 : i32
    "tpu.region"() ({
      %run_scoped3A_90 = tpu.sem_alloc : memref<!tpu.dma_semaphore, #tpu.memory_space<semaphore_mem>>
      %dma_start3A = arith.constant 0 : i32
      %dma_start3A_91 = arith.constant 0 : i32
      %dma_start3A_92 = tpu.memref_slice %arg7[%run_scoped3A_31, %dma_start3A, %dma_start3A_91] : memref<2x128x128xf32, #tpu.memory_space<vmem>> -> memref<1x128x128xf32, #tpu.memory_space<vmem>>
      %dma_start3A_93 = tpu.memref_squeeze %dma_start3A_92 : memref<1x128x128xf32, #tpu.memory_space<vmem>> -> memref<128x128xf32, #tpu.memory_space<vmem>>
      %dma_start3A_94 = arith.constant 0 : i32
      %dma_start3A_95 = tpu.memref_slice %arg9[%add3A_30, %dma_start3A_94] : memref<10112x128xf32, #tpu.memory_space<vmem_shared>> -> memref<128x128xf32, #tpu.memory_space<vmem_shared>>
      %dma_start3A_96 = arith.constant 0 : i32
      %dma_start3A_97 = tpu.memref_slice %arg9[%add3A_30, %dma_start3A_96] : memref<10112x128xf32, #tpu.memory_space<vmem_shared>> -> memref<128x128xf32, #tpu.memory_space<vmem_shared>>
      %dma_start3A_98 = arith.constant 0 : i32
      %dma_start3A_99 = arith.constant 0 : i32
      %dma_start3A_100 = tpu.memref_slice %arg7[%run_scoped3A_31, %dma_start3A_98, %dma_start3A_99] : memref<2x128x128xf32, #tpu.memory_space<vmem>> -> memref<1x128x128xf32, #tpu.memory_space<vmem>>
      %dma_start3A_101 = tpu.memref_squeeze %dma_start3A_100 : memref<1x128x128xf32, #tpu.memory_space<vmem>> -> memref<128x128xf32, #tpu.memory_space<vmem>>
      tpu.enqueue_dma source(%dma_start3A_101 : memref<128x128xf32, #tpu.memory_space<vmem>>) target(%dma_start3A_97 : memref<128x128xf32, #tpu.memory_space<vmem_shared>>) target_semaphore(%run_scoped3A_90 : memref<!tpu.dma_semaphore, #tpu.memory_space<semaphore_mem>>)
      %dma_wait3A = arith.constant 0 : i32
      %dma_wait3A_102 = arith.constant 0 : i32
      %dma_wait3A_103 = tpu.memref_slice %arg7[%run_scoped3A_31, %dma_wait3A, %dma_wait3A_102] : memref<2x128x128xf32, #tpu.memory_space<vmem>> -> memref<1x128x128xf32, #tpu.memory_space<vmem>>
      %dma_wait3A_104 = tpu.memref_squeeze %dma_wait3A_103 : memref<1x128x128xf32, #tpu.memory_space<vmem>> -> memref<128x128xf32, #tpu.memory_space<vmem>>
      %dma_wait3A_105 = arith.constant 0 : i32
      %dma_wait3A_106 = tpu.memref_slice %arg9[%add3A_30, %dma_wait3A_105] : memref<10112x128xf32, #tpu.memory_space<vmem_shared>> -> memref<128x128xf32, #tpu.memory_space<vmem_shared>>
      %dma_wait3A_107 = arith.constant 0 : i32
      %dma_wait3A_108 = tpu.memref_slice %arg9[%add3A_30, %dma_wait3A_107] : memref<10112x128xf32, #tpu.memory_space<vmem_shared>> -> memref<128x128xf32, #tpu.memory_space<vmem_shared>>
      %dma_wait3A_109 = arith.constant 0 : i32
      %dma_wait3A_110 = arith.constant 0 : i32
      %dma_wait3A_111 = tpu.memref_slice %arg7[%run_scoped3A_31, %dma_wait3A_109, %dma_wait3A_110] : memref<2x128x128xf32, #tpu.memory_space<vmem>> -> memref<1x128x128xf32, #tpu.memory_space<vmem>>
      %dma_wait3A_112 = tpu.memref_squeeze %dma_wait3A_111 : memref<1x128x128xf32, #tpu.memory_space<vmem>> -> memref<128x128xf32, #tpu.memory_space<vmem>>
      tpu.wait_dma2 semaphore(%run_scoped3A_90 : memref<!tpu.dma_semaphore, #tpu.memory_space<semaphore_mem>>) src(%dma_wait3A_112 : memref<128x128xf32, #tpu.memory_space<vmem>>) dst(%dma_wait3A_108 : memref<128x128xf32, #tpu.memory_space<vmem_shared>>)
      tpu.yield
    }) : () -> ()
    %mul3A_32 = arith.constant 632 : i32
    %mul3A_33 = arith.muli %arg1, %mul3A_32 : i32
    %add3A_34 = arith.constant 512 : i32
    %add3A_35 = arith.addi %mul3A_33, %add3A_34 : i32
    %run_scoped3A_36 = arith.constant 0 : i32
    "tpu.region"() ({
      %run_scoped3A_90 = tpu.sem_alloc : memref<!tpu.dma_semaphore, #tpu.memory_space<semaphore_mem>>
      %dma_start3A = arith.constant 0 : i32
      %dma_start3A_91 = arith.constant 0 : i32
      %dma_start3A_92 = tpu.memref_slice %arg7[%run_scoped3A_36, %dma_start3A, %dma_start3A_91] : memref<2x128x128xf32, #tpu.memory_space<vmem>> -> memref<1x120x128xf32, #tpu.memory_space<vmem>>
      %dma_start3A_93 = tpu.memref_squeeze %dma_start3A_92 : memref<1x120x128xf32, #tpu.memory_space<vmem>> -> memref<120x128xf32, #tpu.memory_space<vmem>>
      %dma_start3A_94 = arith.constant 0 : i32
      %dma_start3A_95 = tpu.memref_slice %arg9[%add3A_35, %dma_start3A_94] : memref<10112x128xf32, #tpu.memory_space<vmem_shared>> -> memref<120x128xf32, #tpu.memory_space<vmem_shared>>
      %dma_start3A_96 = arith.constant 0 : i32
      %dma_start3A_97 = tpu.memref_slice %arg9[%add3A_35, %dma_start3A_96] : memref<10112x128xf32, #tpu.memory_space<vmem_shared>> -> memref<120x128xf32, #tpu.memory_space<vmem_shared>>
      %dma_start3A_98 = arith.constant 0 : i32
      %dma_start3A_99 = arith.constant 0 : i32
      %dma_start3A_100 = tpu.memref_slice %arg7[%run_scoped3A_36, %dma_start3A_98, %dma_start3A_99] : memref<2x128x128xf32, #tpu.memory_space<vmem>> -> memref<1x120x128xf32, #tpu.memory_space<vmem>>
      %dma_start3A_101 = tpu.memref_squeeze %dma_start3A_100 : memref<1x120x128xf32, #tpu.memory_space<vmem>> -> memref<120x128xf32, #tpu.memory_space<vmem>>
      tpu.enqueue_dma source(%dma_start3A_101 : memref<120x128xf32, #tpu.memory_space<vmem>>) target(%dma_start3A_97 : memref<120x128xf32, #tpu.memory_space<vmem_shared>>) target_semaphore(%run_scoped3A_90 : memref<!tpu.dma_semaphore, #tpu.memory_space<semaphore_mem>>)
      %dma_wait3A = arith.constant 0 : i32
      %dma_wait3A_102 = arith.constant 0 : i32
      %dma_wait3A_103 = tpu.memref_slice %arg7[%run_scoped3A_36, %dma_wait3A, %dma_wait3A_102] : memref<2x128x128xf32, #tpu.memory_space<vmem>> -> memref<1x120x128xf32, #tpu.memory_space<vmem>>
      %dma_wait3A_104 = tpu.memref_squeeze %dma_wait3A_103 : memref<1x120x128xf32, #tpu.memory_space<vmem>> -> memref<120x128xf32, #tpu.memory_space<vmem>>
      %dma_wait3A_105 = arith.constant 0 : i32
      %dma_wait3A_106 = tpu.memref_slice %arg9[%add3A_35, %dma_wait3A_105] : memref<10112x128xf32, #tpu.memory_space<vmem_shared>> -> memref<120x128xf32, #tpu.memory_space<vmem_shared>>
      %dma_wait3A_107 = arith.constant 0 : i32
      %dma_wait3A_108 = tpu.memref_slice %arg9[%add3A_35, %dma_wait3A_107] : memref<10112x128xf32, #tpu.memory_space<vmem_shared>> -> memref<120x128xf32, #tpu.memory_space<vmem_shared>>
      %dma_wait3A_109 = arith.constant 0 : i32
      %dma_wait3A_110 = arith.constant 0 : i32
      %dma_wait3A_111 = tpu.memref_slice %arg7[%run_scoped3A_36, %dma_wait3A_109, %dma_wait3A_110] : memref<2x128x128xf32, #tpu.memory_space<vmem>> -> memref<1x120x128xf32, #tpu.memory_space<vmem>>
      %dma_wait3A_112 = tpu.memref_squeeze %dma_wait3A_111 : memref<1x120x128xf32, #tpu.memory_space<vmem>> -> memref<120x128xf32, #tpu.memory_space<vmem>>
      tpu.wait_dma2 semaphore(%run_scoped3A_90 : memref<!tpu.dma_semaphore, #tpu.memory_space<semaphore_mem>>) src(%dma_wait3A_112 : memref<120x128xf32, #tpu.memory_space<vmem>>) dst(%dma_wait3A_108 : memref<120x128xf32, #tpu.memory_space<vmem_shared>>)
      tpu.yield
    }) : () -> ()
    %barrier3A = arith.constant 0 : index
    tpu.barrier barrier_id(%barrier3A)
    %lt3A = arith.constant 15 : i32
    %lt3A_37 = arith.cmpi slt, %arg1, %lt3A : i32
    %convert_element_type3A = arith.extui %lt3A_37 : i1 to i32
    %cond3A = arith.constant 0 : i32
    %cond3A_38 = arith.cmpi ne, %convert_element_type3A, %cond3A : i32
    scf.if %cond3A_38 {
      %sub3A = arith.constant 0 : i32
      %sub3A_90 = arith.subi %select_n3A_8, %sub3A : i32
      %sub3A_91 = arith.constant 1 : i32
      %sub3A_92 = arith.constant 1 : i32
      %sub3A_93 = arith.subi %sub3A_91, %sub3A_92 : i32
      %add3A_94 = arith.addi %sub3A_90, %sub3A_93 : i32
      %div3A = arith.constant 1 : i32
      %div3A_95 = arith.divsi %add3A_94, %div3A : i32
      %while3A = arith.constant 1 : i32
      %while3A_96 = arith.constant 0 : i32
      %while3A_97 = arith.constant 0 : i32
      %while3A_98 = arith.subi %div3A_95, %while3A_97 : i32
      %while3A_99 = arith.addi %while3A_97, %while3A_98 : i32
      %while3A_100 = arith.constant 1 : i32
      %while3A_101 = arith.divsi %while3A_98, %while3A_100 : i32
      %while3A_102 = arith.muli %while3A_101, %while3A_100 : i32
      %while3A_103 = arith.addi %while3A_97, %while3A_102 : i32
      %while3A_104 = arith.constant 1 : i32
      scf.for %while3A_135 = %while3A_97 to %while3A_103 step %while3A_104  : i32 {
        %mul3A_136 = arith.muli %while3A_135, %while3A : i32
        %add3A_137 = arith.addi %while3A_96, %mul3A_136 : i32
        %jit3A_138 = arith.constant 40 : i32
        %eq3A_139 = arith.constant 0 : i32
        %eq3A_140 = arith.cmpi eq, %jit3A_138, %eq3A_139 : i32
        %jit3A_141 = arith.constant 1 : i32
        %select_n3A_142 = arith.select %eq3A_140, %jit3A_141, %jit3A_138 : i32
        %rem3A = arith.remsi %add3A_137, %select_n3A_142 : i32
        %ne3A = arith.constant 0 : i32
        %ne3A_143 = arith.cmpi ne, %rem3A, %ne3A : i32
        %lt3A_144 = arith.constant 0 : i32
        %lt3A_145 = arith.cmpi slt, %rem3A, %lt3A_144 : i32
        %lt3A_146 = arith.constant 0 : i32
        %lt3A_147 = arith.cmpi slt, %select_n3A_142, %lt3A_146 : i32
        %ne3A_148 = arith.xori %lt3A_145, %lt3A_147 : i1
        %and3A = arith.andi %ne3A_148, %ne3A_143 : i1
        %add3A_149 = arith.addi %rem3A, %select_n3A_142 : i32
        %select_n3A_150 = arith.select %and3A, %add3A_149, %rem3A : i32
        %eq3A_151 = arith.constant 0 : i32
        %eq3A_152 = arith.cmpi eq, %select_n3A_150, %eq3A_151 : i32
        %convert_element_type3A_153 = arith.extui %eq3A_152 : i1 to i32
        %cond3A_154 = arith.constant 0 : i32
        %cond3A_155 = arith.cmpi ne, %convert_element_type3A_153, %cond3A_154 : i32
        scf.if %cond3A_155 {
          %gt3A_203 = arith.constant 0 : i32
          %gt3A_204 = arith.cmpi sgt, %add3A_137, %gt3A_203 : i32
          %convert_element_type3A_205 = arith.extui %gt3A_204 : i1 to i32
          %cond3A_206 = arith.constant 0 : i32
          %cond3A_207 = arith.cmpi ne, %convert_element_type3A_205, %cond3A_206 : i32
          scf.if %cond3A_207 {
            %dma_wait3A_239 = arith.constant 0 : i32
            %dma_wait3A_240 = arith.constant 0 : i32
            %dma_wait3A_241 = arith.constant 0 : i32
            %dma_wait3A_242 = arith.constant 0 : i32
            %dma_wait3A_243 = arith.constant 0 : i32
            %dma_wait3A_244 = tpu.memref_slice %arg7[%dma_wait3A_239, %dma_wait3A_242, %dma_wait3A_243] : memref<2x128x128xf32, #tpu.memory_space<vmem>> -> memref<1x128x128xf32, #tpu.memory_space<vmem>>
            %dma_wait3A_245 = tpu.memref_squeeze %dma_wait3A_244 : memref<1x128x128xf32, #tpu.memory_space<vmem>> -> memref<128x128xf32, #tpu.memory_space<vmem>>
            %dma_wait3A_246 = arith.constant 0 : i32
            %dma_wait3A_247 = tpu.memref_slice %arg6[%dma_wait3A_240, %dma_wait3A_246] : memref<40x128xi32, #tpu.memory_space<vmem>> -> memref<1x128xi32, #tpu.memory_space<vmem>>
            %dma_wait3A_248 = tpu.memref_squeeze %dma_wait3A_247 : memref<1x128xi32, #tpu.memory_space<vmem>> -> memref<128xi32, #tpu.memory_space<vmem>>
            %dma_wait3A_249 = arith.constant 0 : i32
            %dma_wait3A_250 = arith.constant 0 : i32
            %dma_wait3A_251 = tpu.memref_slice %arg9[%dma_wait3A_249, %dma_wait3A_250] : memref<10112x128xf32, #tpu.memory_space<vmem_shared>> -> memref<10112x128xf32, #tpu.memory_space<vmem_shared>>
            %dma_wait3A_252 = tpu.memref_slice %arg8[%dma_wait3A_241] : memref<2x!tpu.dma_semaphore, #tpu.memory_space<semaphore_mem>> -> memref<1x!tpu.dma_semaphore, #tpu.memory_space<semaphore_mem>>
            %dma_wait3A_253 = tpu.memref_squeeze %dma_wait3A_252 : memref<1x!tpu.dma_semaphore, #tpu.memory_space<semaphore_mem>> -> memref<!tpu.dma_semaphore, #tpu.memory_space<semaphore_mem>>
            tpu.wait_indirect_dma semaphore(%dma_wait3A_253 : memref<!tpu.dma_semaphore, #tpu.memory_space<semaphore_mem>>) src(%dma_wait3A_245 : memref<128x128xf32, #tpu.memory_space<vmem>>) dst(%dma_wait3A_251 : memref<10112x128xf32, #tpu.memory_space<vmem_shared>>)
            %dma_wait3A_254 = arith.constant 1 : i32
            %dma_wait3A_255 = arith.constant 1 : i32
            %dma_wait3A_256 = arith.constant 1 : i32
            %dma_wait3A_257 = arith.constant 0 : i32
            %dma_wait3A_258 = arith.constant 0 : i32
            %dma_wait3A_259 = tpu.memref_slice %arg7[%dma_wait3A_254, %dma_wait3A_257, %dma_wait3A_258] : memref<2x128x128xf32, #tpu.memory_space<vmem>> -> memref<1x128x128xf32, #tpu.memory_space<vmem>>
            %dma_wait3A_260 = tpu.memref_squeeze %dma_wait3A_259 : memref<1x128x128xf32, #tpu.memory_space<vmem>> -> memref<128x128xf32, #tpu.memory_space<vmem>>
            %dma_wait3A_261 = arith.constant 0 : i32
            %dma_wait3A_262 = tpu.memref_slice %arg6[%dma_wait3A_255, %dma_wait3A_261] : memref<40x128xi32, #tpu.memory_space<vmem>> -> memref<1x128xi32, #tpu.memory_space<vmem>>
            %dma_wait3A_263 = tpu.memref_squeeze %dma_wait3A_262 : memref<1x128xi32, #tpu.memory_space<vmem>> -> memref<128xi32, #tpu.memory_space<vmem>>
            %dma_wait3A_264 = arith.constant 0 : i32
            %dma_wait3A_265 = arith.constant 0 : i32
            %dma_wait3A_266 = tpu.memref_slice %arg9[%dma_wait3A_264, %dma_wait3A_265] : memref<10112x128xf32, #tpu.memory_space<vmem_shared>> -> memref<10112x128xf32, #tpu.memory_space<vmem_shared>>
            %dma_wait3A_267 = tpu.memref_slice %arg8[%dma_wait3A_256] : memref<2x!tpu.dma_semaphore, #tpu.memory_space<semaphore_mem>> -> memref<1x!tpu.dma_semaphore, #tpu.memory_space<semaphore_mem>>
            %dma_wait3A_268 = tpu.memref_squeeze %dma_wait3A_267 : memref<1x!tpu.dma_semaphore, #tpu.memory_space<semaphore_mem>> -> memref<!tpu.dma_semaphore, #tpu.memory_space<semaphore_mem>>
            tpu.wait_indirect_dma semaphore(%dma_wait3A_268 : memref<!tpu.dma_semaphore, #tpu.memory_space<semaphore_mem>>) src(%dma_wait3A_260 : memref<128x128xf32, #tpu.memory_space<vmem>>) dst(%dma_wait3A_266 : memref<10112x128xf32, #tpu.memory_space<vmem_shared>>)
          } else {
          }
          %jit3A_208 = arith.constant 40 : i32
          %div3A_209 = arith.divsi %add3A_137, %jit3A_208 : i32
          %sign3A = arith.constant 0 : i32
          %sign3A_210 = arith.cmpi sgt, %add3A_137, %sign3A : i32
          %sign3A_211 = arith.extui %sign3A_210 : i1 to i32
          %sign3A_212 = arith.constant 0 : i32
          %sign3A_213 = arith.cmpi slt, %add3A_137, %sign3A_212 : i32
          %sign3A_214 = arith.extui %sign3A_213 : i1 to i32
          %sign3A_215 = arith.subi %sign3A_211, %sign3A_214 : i32
          %sign3A_216 = arith.constant 0 : i32
          %sign3A_217 = arith.cmpi sgt, %jit3A_208, %sign3A_216 : i32
          %sign3A_218 = arith.extui %sign3A_217 : i1 to i32
          %sign3A_219 = arith.constant 0 : i32
          %sign3A_220 = arith.cmpi slt, %jit3A_208, %sign3A_219 : i32
          %sign3A_221 = arith.extui %sign3A_220 : i1 to i32
          %sign3A_222 = arith.subi %sign3A_218, %sign3A_221 : i32
          %ne3A_223 = arith.cmpi ne, %sign3A_215, %sign3A_222 : i32
          %rem3A_224 = arith.remsi %add3A_137, %jit3A_208 : i32
          %ne3A_225 = arith.constant 0 : i32
          %ne3A_226 = arith.cmpi ne, %rem3A_224, %ne3A_225 : i32
          %and3A_227 = arith.andi %ne3A_223, %ne3A_226 : i1
          %sub3A_228 = arith.constant 1 : i32
          %sub3A_229 = arith.subi %div3A_209, %sub3A_228 : i32
          %select_n3A_230 = arith.select %and3A_227, %sub3A_229, %div3A_209 : i32
          %mul3A_231 = arith.constant 40 : i32
          %mul3A_232 = arith.muli %select_n3A_230, %mul3A_231 : i32
          %add3A_233 = arith.addi %select_n3A, %mul3A_232 : i32
          "tpu.region"() ({
            %run_scoped3A_239 = tpu.sem_alloc : memref<!tpu.dma_semaphore, #tpu.memory_space<semaphore_mem>>
            %dma_start3A_240 = arith.constant 0 : i32
            %dma_start3A_241 = tpu.memref_slice %arg3[%add3A_233, %dma_start3A_240] : memref<3040x128xi32, #tpu.memory_space<hbm>> -> memref<40x128xi32, #tpu.memory_space<hbm>>
            %dma_start3A_242 = arith.constant 0 : i32
            %dma_start3A_243 = tpu.memref_slice %arg3[%add3A_233, %dma_start3A_242] : memref<3040x128xi32, #tpu.memory_space<hbm>> -> memref<40x128xi32, #tpu.memory_space<hbm>>
            tpu.enqueue_dma source(%dma_start3A_243 : memref<40x128xi32, #tpu.memory_space<hbm>>) target(%arg6 : memref<40x128xi32, #tpu.memory_space<vmem>>) target_semaphore(%run_scoped3A_239 : memref<!tpu.dma_semaphore, #tpu.memory_space<semaphore_mem>>)
            %dma_wait3A_244 = arith.constant 0 : i32
            %dma_wait3A_245 = tpu.memref_slice %arg3[%add3A_233, %dma_wait3A_244] : memref<3040x128xi32, #tpu.memory_space<hbm>> -> memref<40x128xi32, #tpu.memory_space<hbm>>
            %dma_wait3A_246 = arith.constant 0 : i32
            %dma_wait3A_247 = tpu.memref_slice %arg3[%add3A_233, %dma_wait3A_246] : memref<3040x128xi32, #tpu.memory_space<hbm>> -> memref<40x128xi32, #tpu.memory_space<hbm>>
            tpu.wait_dma2 semaphore(%run_scoped3A_239 : memref<!tpu.dma_semaphore, #tpu.memory_space<semaphore_mem>>) src(%dma_wait3A_247 : memref<40x128xi32, #tpu.memory_space<hbm>>) dst(%arg6 : memref<40x128xi32, #tpu.memory_space<vmem>>)
            tpu.yield
          }) : () -> ()
          %scan3A_234 = arith.constant 0 : i32
          %scan3A_235 = arith.constant 40 : i32
          %scan3A_236 = arith.addi %scan3A_234, %scan3A_235 : i32
          %scan3A_237 = arith.constant 1 : i32
          scf.for %scan3A_239 = %scan3A_234 to %scan3A_236 step %scan3A_237  : i32 {
            %mul3A_240 = arith.constant 1 : i32
            %mul3A_241 = arith.muli %scan3A_239, %mul3A_240 : i32
            %add3A_242 = arith.constant 0 : i32
            %add3A_243 = arith.addi %add3A_242, %mul3A_241 : i32
            %get3A = arith.index_cast %add3A_243 : i32 to index
            %get3A_244 = arith.constant 0 : index
            %get3A_245 = tpu.vector_load %arg6[%get3A, %get3A_244] {strides = array<i32>} : memref<40x128xi32, #tpu.memory_space<vmem>>, vector<1x16xi32>,
            %get3A_246 = vector.shape_cast %get3A_245 : vector<1x16xi32> to vector<16xi32>
            %and3A_247 = arith.constant 65535 : i32
            %and3A_248 = vector.broadcast %and3A_247 : i32 to vector<16xi32>
            %and3A_249 = arith.andi %get3A_246, %and3A_248 : vector<16xi32>
            %swap3A = arith.index_cast %add3A_243 : i32 to index
            %swap3A_250 = arith.constant 0 : index
            %swap3A_251 = tpu.vector_load %arg5[%swap3A, %swap3A_250] {strides = array<i32>} : memref<40x128xi32, #tpu.memory_space<vmem>>, vector<1x16xi32>,
            %swap3A_252 = vector.shape_cast %swap3A_251 : vector<1x16xi32> to vector<16xi32>
            %swap3A_253 = vector.shape_cast %and3A_249 : vector<16xi32> to vector<1x16xi32>
            tpu.vector_store %arg5[%swap3A, %swap3A_250], %swap3A_253 {strides = array<i32>} : memref<40x128xi32, #tpu.memory_space<vmem>>, vector<1x16xi32>,
            %shift_right_arithmetic3A = arith.constant 16 : i32
            %shift_right_arithmetic3A_254 = vector.broadcast %shift_right_arithmetic3A : i32 to vector<16xi32>
            %shift_right_arithmetic3A_255 = arith.shrsi %get3A_246, %shift_right_arithmetic3A_254 : vector<16xi32>
            %swap3A_256 = arith.index_cast %add3A_243 : i32 to index
            %swap3A_257 = arith.constant 0 : index
            %swap3A_258 = tpu.vector_load %arg6[%swap3A_256, %swap3A_257] {strides = array<i32>} : memref<40x128xi32, #tpu.memory_space<vmem>>, vector<1x16xi32>,
            %swap3A_259 = vector.shape_cast %swap3A_258 : vector<1x16xi32> to vector<16xi32>
            %swap3A_260 = vector.shape_cast %shift_right_arithmetic3A_255 : vector<16xi32> to vector<1x16xi32>
            tpu.vector_store %arg6[%swap3A_256, %swap3A_257], %swap3A_260 {strides = array<i32>} : memref<40x128xi32, #tpu.memory_space<vmem>>, vector<1x16xi32>,
            %get3A_261 = arith.index_cast %add3A_243 : i32 to index
            %get3A_262 = arith.constant 16 : index
            %get3A_263 = tpu.vector_load %arg6[%get3A_261, %get3A_262] {strides = array<i32>} : memref<40x128xi32, #tpu.memory_space<vmem>>, vector<1x16xi32>,
            %get3A_264 = vector.shape_cast %get3A_263 : vector<1x16xi32> to vector<16xi32>
            %and3A_265 = arith.constant 65535 : i32
            %and3A_266 = vector.broadcast %and3A_265 : i32 to vector<16xi32>
            %and3A_267 = arith.andi %get3A_264, %and3A_266 : vector<16xi32>
            %swap3A_268 = arith.index_cast %add3A_243 : i32 to index
            %swap3A_269 = arith.constant 16 : index
            %swap3A_270 = tpu.vector_load %arg5[%swap3A_268, %swap3A_269] {strides = array<i32>} : memref<40x128xi32, #tpu.memory_space<vmem>>, vector<1x16xi32>,
            %swap3A_271 = vector.shape_cast %swap3A_270 : vector<1x16xi32> to vector<16xi32>
            %swap3A_272 = vector.shape_cast %and3A_267 : vector<16xi32> to vector<1x16xi32>
            tpu.vector_store %arg5[%swap3A_268, %swap3A_269], %swap3A_272 {strides = array<i32>} : memref<40x128xi32, #tpu.memory_space<vmem>>, vector<1x16xi32>,
            %shift_right_arithmetic3A_273 = arith.constant 16 : i32
            %shift_right_arithmetic3A_274 = vector.broadcast %shift_right_arithmetic3A_273 : i32 to vector<16xi32>
            %shift_right_arithmetic3A_275 = arith.shrsi %get3A_264, %shift_right_arithmetic3A_274 : vector<16xi32>
            %swap3A_276 = arith.index_cast %add3A_243 : i32 to index
            %swap3A_277 = arith.constant 16 : index
            %swap3A_278 = tpu.vector_load %arg6[%swap3A_276, %swap3A_277] {strides = array<i32>} : memref<40x128xi32, #tpu.memory_space<vmem>>, vector<1x16xi32>,
            %swap3A_279 = vector.shape_cast %swap3A_278 : vector<1x16xi32> to vector<16xi32>
            %swap3A_280 = vector.shape_cast %shift_right_arithmetic3A_275 : vector<16xi32> to vector<1x16xi32>
            tpu.vector_store %arg6[%swap3A_276, %swap3A_277], %swap3A_280 {strides = array<i32>} : memref<40x128xi32, #tpu.memory_space<vmem>>, vector<1x16xi32>,
            %get3A_281 = arith.index_cast %add3A_243 : i32 to index
            %get3A_282 = arith.constant 32 : index
            %get3A_283 = tpu.vector_load %arg6[%get3A_281, %get3A_282] {strides = array<i32>} : memref<40x128xi32, #tpu.memory_space<vmem>>, vector<1x16xi32>,
            %get3A_284 = vector.shape_cast %get3A_283 : vector<1x16xi32> to vector<16xi32>
            %and3A_285 = arith.constant 65535 : i32
            %and3A_286 = vector.broadcast %and3A_285 : i32 to vector<16xi32>
            %and3A_287 = arith.andi %get3A_284, %and3A_286 : vector<16xi32>
            %swap3A_288 = arith.index_cast %add3A_243 : i32 to index
            %swap3A_289 = arith.constant 32 : index
            %swap3A_290 = tpu.vector_load %arg5[%swap3A_288, %swap3A_289] {strides = array<i32>} : memref<40x128xi32, #tpu.memory_space<vmem>>, vector<1x16xi32>,
            %swap3A_291 = vector.shape_cast %swap3A_290 : vector<1x16xi32> to vector<16xi32>
            %swap3A_292 = vector.shape_cast %and3A_287 : vector<16xi32> to vector<1x16xi32>
            tpu.vector_store %arg5[%swap3A_288, %swap3A_289], %swap3A_292 {strides = array<i32>} : memref<40x128xi32, #tpu.memory_space<vmem>>, vector<1x16xi32>,
            %shift_right_arithmetic3A_293 = arith.constant 16 : i32
            %shift_right_arithmetic3A_294 = vector.broadcast %shift_right_arithmetic3A_293 : i32 to vector<16xi32>
            %shift_right_arithmetic3A_295 = arith.shrsi %get3A_284, %shift_right_arithmetic3A_294 : vector<16xi32>
            %swap3A_296 = arith.index_cast %add3A_243 : i32 to index
            %swap3A_297 = arith.constant 32 : index
            %swap3A_298 = tpu.vector_load %arg6[%swap3A_296, %swap3A_297] {strides = array<i32>} : memref<40x128xi32, #tpu.memory_space<vmem>>, vector<1x16xi32>,
            %swap3A_299 = vector.shape_cast %swap3A_298 : vector<1x16xi32> to vector<16xi32>
            %swap3A_300 = vector.shape_cast %shift_right_arithmetic3A_295 : vector<16xi32> to vector<1x16xi32>
            tpu.vector_store %arg6[%swap3A_296, %swap3A_297], %swap3A_300 {strides = array<i32>} : memref<40x128xi32, #tpu.memory_space<vmem>>, vector<1x16xi32>,
            %get3A_301 = arith.index_cast %add3A_243 : i32 to index
            %get3A_302 = arith.constant 48 : index
            %get3A_303 = tpu.vector_load %arg6[%get3A_301, %get3A_302] {strides = array<i32>} : memref<40x128xi32, #tpu.memory_space<vmem>>, vector<1x16xi32>,
            %get3A_304 = vector.shape_cast %get3A_303 : vector<1x16xi32> to vector<16xi32>
            %and3A_305 = arith.constant 65535 : i32
            %and3A_306 = vector.broadcast %and3A_305 : i32 to vector<16xi32>
            %and3A_307 = arith.andi %get3A_304, %and3A_306 : vector<16xi32>
            %swap3A_308 = arith.index_cast %add3A_243 : i32 to index
            %swap3A_309 = arith.constant 48 : index
            %swap3A_310 = tpu.vector_load %arg5[%swap3A_308, %swap3A_309] {strides = array<i32>} : memref<40x128xi32, #tpu.memory_space<vmem>>, vector<1x16xi32>,
            %swap3A_311 = vector.shape_cast %swap3A_310 : vector<1x16xi32> to vector<16xi32>
            %swap3A_312 = vector.shape_cast %and3A_307 : vector<16xi32> to vector<1x16xi32>
            tpu.vector_store %arg5[%swap3A_308, %swap3A_309], %swap3A_312 {strides = array<i32>} : memref<40x128xi32, #tpu.memory_space<vmem>>, vector<1x16xi32>,
            %shift_right_arithmetic3A_313 = arith.constant 16 : i32
            %shift_right_arithmetic3A_314 = vector.broadcast %shift_right_arithmetic3A_313 : i32 to vector<16xi32>
            %shift_right_arithmetic3A_315 = arith.shrsi %get3A_304, %shift_right_arithmetic3A_314 : vector<16xi32>
            %swap3A_316 = arith.index_cast %add3A_243 : i32 to index
            %swap3A_317 = arith.constant 48 : index
            %swap3A_318 = tpu.vector_load %arg6[%swap3A_316, %swap3A_317] {strides = array<i32>} : memref<40x128xi32, #tpu.memory_space<vmem>>, vector<1x16xi32>,
            %swap3A_319 = vector.shape_cast %swap3A_318 : vector<1x16xi32> to vector<16xi32>
            %swap3A_320 = vector.shape_cast %shift_right_arithmetic3A_315 : vector<16xi32> to vector<1x16xi32>
            tpu.vector_store %arg6[%swap3A_316, %swap3A_317], %swap3A_320 {strides = array<i32>} : memref<40x128xi32, #tpu.memory_space<vmem>>, vector<1x16xi32>,
            %get3A_321 = arith.index_cast %add3A_243 : i32 to index
            %get3A_322 = arith.constant 64 : index
            %get3A_323 = tpu.vector_load %arg6[%get3A_321, %get3A_322] {strides = array<i32>} : memref<40x128xi32, #tpu.memory_space<vmem>>, vector<1x16xi32>,
            %get3A_324 = vector.shape_cast %get3A_323 : vector<1x16xi32> to vector<16xi32>
            %and3A_325 = arith.constant 65535 : i32
            %and3A_326 = vector.broadcast %and3A_325 : i32 to vector<16xi32>
            %and3A_327 = arith.andi %get3A_324, %and3A_326 : vector<16xi32>
            %swap3A_328 = arith.index_cast %add3A_243 : i32 to index
            %swap3A_329 = arith.constant 64 : index
            %swap3A_330 = tpu.vector_load %arg5[%swap3A_328, %swap3A_329] {strides = array<i32>} : memref<40x128xi32, #tpu.memory_space<vmem>>, vector<1x16xi32>,
            %swap3A_331 = vector.shape_cast %swap3A_330 : vector<1x16xi32> to vector<16xi32>
            %swap3A_332 = vector.shape_cast %and3A_327 : vector<16xi32> to vector<1x16xi32>
            tpu.vector_store %arg5[%swap3A_328, %swap3A_329], %swap3A_332 {strides = array<i32>} : memref<40x128xi32, #tpu.memory_space<vmem>>, vector<1x16xi32>,
            %shift_right_arithmetic3A_333 = arith.constant 16 : i32
            %shift_right_arithmetic3A_334 = vector.broadcast %shift_right_arithmetic3A_333 : i32 to vector<16xi32>
            %shift_right_arithmetic3A_335 = arith.shrsi %get3A_324, %shift_right_arithmetic3A_334 : vector<16xi32>
            %swap3A_336 = arith.index_cast %add3A_243 : i32 to index
            %swap3A_337 = arith.constant 64 : index
            %swap3A_338 = tpu.vector_load %arg6[%swap3A_336, %swap3A_337] {strides = array<i32>} : memref<40x128xi32, #tpu.memory_space<vmem>>, vector<1x16xi32>,
            %swap3A_339 = vector.shape_cast %swap3A_338 : vector<1x16xi32> to vector<16xi32>
            %swap3A_340 = vector.shape_cast %shift_right_arithmetic3A_335 : vector<16xi32> to vector<1x16xi32>
            tpu.vector_store %arg6[%swap3A_336, %swap3A_337], %swap3A_340 {strides = array<i32>} : memref<40x128xi32, #tpu.memory_space<vmem>>, vector<1x16xi32>,
            %get3A_341 = arith.index_cast %add3A_243 : i32 to index
            %get3A_342 = arith.constant 80 : index
            %get3A_343 = tpu.vector_load %arg6[%get3A_341, %get3A_342] {strides = array<i32>} : memref<40x128xi32, #tpu.memory_space<vmem>>, vector<1x16xi32>,
            %get3A_344 = vector.shape_cast %get3A_343 : vector<1x16xi32> to vector<16xi32>
            %and3A_345 = arith.constant 65535 : i32
            %and3A_346 = vector.broadcast %and3A_345 : i32 to vector<16xi32>
            %and3A_347 = arith.andi %get3A_344, %and3A_346 : vector<16xi32>
            %swap3A_348 = arith.index_cast %add3A_243 : i32 to index
            %swap3A_349 = arith.constant 80 : index
            %swap3A_350 = tpu.vector_load %arg5[%swap3A_348, %swap3A_349] {strides = array<i32>} : memref<40x128xi32, #tpu.memory_space<vmem>>, vector<1x16xi32>,
            %swap3A_351 = vector.shape_cast %swap3A_350 : vector<1x16xi32> to vector<16xi32>
            %swap3A_352 = vector.shape_cast %and3A_347 : vector<16xi32> to vector<1x16xi32>
            tpu.vector_store %arg5[%swap3A_348, %swap3A_349], %swap3A_352 {strides = array<i32>} : memref<40x128xi32, #tpu.memory_space<vmem>>, vector<1x16xi32>,
            %shift_right_arithmetic3A_353 = arith.constant 16 : i32
            %shift_right_arithmetic3A_354 = vector.broadcast %shift_right_arithmetic3A_353 : i32 to vector<16xi32>
            %shift_right_arithmetic3A_355 = arith.shrsi %get3A_344, %shift_right_arithmetic3A_354 : vector<16xi32>
            %swap3A_356 = arith.index_cast %add3A_243 : i32 to index
            %swap3A_357 = arith.constant 80 : index
            %swap3A_358 = tpu.vector_load %arg6[%swap3A_356, %swap3A_357] {strides = array<i32>} : memref<40x128xi32, #tpu.memory_space<vmem>>, vector<1x16xi32>,
            %swap3A_359 = vector.shape_cast %swap3A_358 : vector<1x16xi32> to vector<16xi32>
            %swap3A_360 = vector.shape_cast %shift_right_arithmetic3A_355 : vector<16xi32> to vector<1x16xi32>
            tpu.vector_store %arg6[%swap3A_356, %swap3A_357], %swap3A_360 {strides = array<i32>} : memref<40x128xi32, #tpu.memory_space<vmem>>, vector<1x16xi32>,
            %get3A_361 = arith.index_cast %add3A_243 : i32 to index
            %get3A_362 = arith.constant 96 : index
            %get3A_363 = tpu.vector_load %arg6[%get3A_361, %get3A_362] {strides = array<i32>} : memref<40x128xi32, #tpu.memory_space<vmem>>, vector<1x16xi32>,
            %get3A_364 = vector.shape_cast %get3A_363 : vector<1x16xi32> to vector<16xi32>
            %and3A_365 = arith.constant 65535 : i32
            %and3A_366 = vector.broadcast %and3A_365 : i32 to vector<16xi32>
            %and3A_367 = arith.andi %get3A_364, %and3A_366 : vector<16xi32>
            %swap3A_368 = arith.index_cast %add3A_243 : i32 to index
            %swap3A_369 = arith.constant 96 : index
            %swap3A_370 = tpu.vector_load %arg5[%swap3A_368, %swap3A_369] {strides = array<i32>} : memref<40x128xi32, #tpu.memory_space<vmem>>, vector<1x16xi32>,
            %swap3A_371 = vector.shape_cast %swap3A_370 : vector<1x16xi32> to vector<16xi32>
            %swap3A_372 = vector.shape_cast %and3A_367 : vector<16xi32> to vector<1x16xi32>
            tpu.vector_store %arg5[%swap3A_368, %swap3A_369], %swap3A_372 {strides = array<i32>} : memref<40x128xi32, #tpu.memory_space<vmem>>, vector<1x16xi32>,
            %shift_right_arithmetic3A_373 = arith.constant 16 : i32
            %shift_right_arithmetic3A_374 = vector.broadcast %shift_right_arithmetic3A_373 : i32 to vector<16xi32>
            %shift_right_arithmetic3A_375 = arith.shrsi %get3A_364, %shift_right_arithmetic3A_374 : vector<16xi32>
            %swap3A_376 = arith.index_cast %add3A_243 : i32 to index
            %swap3A_377 = arith.constant 96 : index
            %swap3A_378 = tpu.vector_load %arg6[%swap3A_376, %swap3A_377] {strides = array<i32>} : memref<40x128xi32, #tpu.memory_space<vmem>>, vector<1x16xi32>,
            %swap3A_379 = vector.shape_cast %swap3A_378 : vector<1x16xi32> to vector<16xi32>
            %swap3A_380 = vector.shape_cast %shift_right_arithmetic3A_375 : vector<16xi32> to vector<1x16xi32>
            tpu.vector_store %arg6[%swap3A_376, %swap3A_377], %swap3A_380 {strides = array<i32>} : memref<40x128xi32, #tpu.memory_space<vmem>>, vector<1x16xi32>,
            %get3A_381 = arith.index_cast %add3A_243 : i32 to index
            %get3A_382 = arith.constant 112 : index
            %get3A_383 = tpu.vector_load %arg6[%get3A_381, %get3A_382] {strides = array<i32>} : memref<40x128xi32, #tpu.memory_space<vmem>>, vector<1x16xi32>,
            %get3A_384 = vector.shape_cast %get3A_383 : vector<1x16xi32> to vector<16xi32>
            %and3A_385 = arith.constant 65535 : i32
            %and3A_386 = vector.broadcast %and3A_385 : i32 to vector<16xi32>
            %and3A_387 = arith.andi %get3A_384, %and3A_386 : vector<16xi32>
            %swap3A_388 = arith.index_cast %add3A_243 : i32 to index
            %swap3A_389 = arith.constant 112 : index
            %swap3A_390 = tpu.vector_load %arg5[%swap3A_388, %swap3A_389] {strides = array<i32>} : memref<40x128xi32, #tpu.memory_space<vmem>>, vector<1x16xi32>,
            %swap3A_391 = vector.shape_cast %swap3A_390 : vector<1x16xi32> to vector<16xi32>
            %swap3A_392 = vector.shape_cast %and3A_387 : vector<16xi32> to vector<1x16xi32>
            tpu.vector_store %arg5[%swap3A_388, %swap3A_389], %swap3A_392 {strides = array<i32>} : memref<40x128xi32, #tpu.memory_space<vmem>>, vector<1x16xi32>,
            %shift_right_arithmetic3A_393 = arith.constant 16 : i32
            %shift_right_arithmetic3A_394 = vector.broadcast %shift_right_arithmetic3A_393 : i32 to vector<16xi32>
            %shift_right_arithmetic3A_395 = arith.shrsi %get3A_384, %shift_right_arithmetic3A_394 : vector<16xi32>
            %swap3A_396 = arith.index_cast %add3A_243 : i32 to index
            %swap3A_397 = arith.constant 112 : index
            %swap3A_398 = tpu.vector_load %arg6[%swap3A_396, %swap3A_397] {strides = array<i32>} : memref<40x128xi32, #tpu.memory_space<vmem>>, vector<1x16xi32>,
            %swap3A_399 = vector.shape_cast %swap3A_398 : vector<1x16xi32> to vector<16xi32>
            %swap3A_400 = vector.shape_cast %shift_right_arithmetic3A_395 : vector<16xi32> to vector<1x16xi32>
            tpu.vector_store %arg6[%swap3A_396, %swap3A_397], %swap3A_400 {strides = array<i32>} : memref<40x128xi32, #tpu.memory_space<vmem>>, vector<1x16xi32>,
          }
          %scan3A_238 = arith.constant 40 : i32
        } else {
        }
        %jit3A_156 = arith.constant 40 : i32
        %eq3A_157 = arith.constant 0 : i32
        %eq3A_158 = arith.cmpi eq, %jit3A_156, %eq3A_157 : i32
        %jit3A_159 = arith.constant 1 : i32
        %select_n3A_160 = arith.select %eq3A_158, %jit3A_159, %jit3A_156 : i32
        %rem3A_161 = arith.remsi %add3A_137, %select_n3A_160 : i32
        %ne3A_162 = arith.constant 0 : i32
        %ne3A_163 = arith.cmpi ne, %rem3A_161, %ne3A_162 : i32
        %lt3A_164 = arith.constant 0 : i32
        %lt3A_165 = arith.cmpi slt, %rem3A_161, %lt3A_164 : i32
        %lt3A_166 = arith.constant 0 : i32
        %lt3A_167 = arith.cmpi slt, %select_n3A_160, %lt3A_166 : i32
        %ne3A_168 = arith.xori %lt3A_165, %lt3A_167 : i1
        %and3A_169 = arith.andi %ne3A_168, %ne3A_163 : i1
        %add3A_170 = arith.addi %rem3A_161, %select_n3A_160 : i32
        %select_n3A_171 = arith.select %and3A_169, %add3A_170, %rem3A_161 : i32
        %jit3A_172 = arith.constant 2 : i32
        %eq3A_173 = arith.constant 0 : i32
        %eq3A_174 = arith.cmpi eq, %jit3A_172, %eq3A_173 : i32
        %jit3A_175 = arith.constant 1 : i32
        %select_n3A_176 = arith.select %eq3A_174, %jit3A_175, %jit3A_172 : i32
        %rem3A_177 = arith.remsi %add3A_137, %select_n3A_176 : i32
        %ne3A_178 = arith.constant 0 : i32
        %ne3A_179 = arith.cmpi ne, %rem3A_177, %ne3A_178 : i32
        %lt3A_180 = arith.constant 0 : i32
        %lt3A_181 = arith.cmpi slt, %rem3A_177, %lt3A_180 : i32
        %lt3A_182 = arith.constant 0 : i32
        %lt3A_183 = arith.cmpi slt, %select_n3A_176, %lt3A_182 : i32
        %ne3A_184 = arith.xori %lt3A_181, %lt3A_183 : i1
        %and3A_185 = arith.andi %ne3A_184, %ne3A_179 : i1
        %add3A_186 = arith.addi %rem3A_177, %select_n3A_176 : i32
        %select_n3A_187 = arith.select %and3A_185, %add3A_186, %rem3A_177 : i32
        %gt3A = arith.constant 1 : i32
        %gt3A_188 = arith.cmpi sgt, %select_n3A_171, %gt3A : i32
        %convert_element_type3A_189 = arith.extui %gt3A_188 : i1 to i32
        %cond3A_190 = arith.constant 0 : i32
        %cond3A_191 = arith.cmpi ne, %convert_element_type3A_189, %cond3A_190 : i32
        scf.if %cond3A_191 {
          %dma_wait3A_203 = arith.constant 0 : i32
          %dma_wait3A_204 = arith.constant 0 : i32
          %dma_wait3A_205 = tpu.memref_slice %arg7[%select_n3A_187, %dma_wait3A_203, %dma_wait3A_204] : memref<2x128x128xf32, #tpu.memory_space<vmem>> -> memref<1x128x128xf32, #tpu.memory_space<vmem>>
          %dma_wait3A_206 = tpu.memref_squeeze %dma_wait3A_205 : memref<1x128x128xf32, #tpu.memory_space<vmem>> -> memref<128x128xf32, #tpu.memory_space<vmem>>
          %dma_wait3A_207 = arith.constant 0 : i32
          %dma_wait3A_208 = tpu.memref_slice %arg6[%select_n3A_171, %dma_wait3A_207] : memref<40x128xi32, #tpu.memory_space<vmem>> -> memref<1x128xi32, #tpu.memory_space<vmem>>
          %dma_wait3A_209 = tpu.memref_squeeze %dma_wait3A_208 : memref<1x128xi32, #tpu.memory_space<vmem>> -> memref<128xi32, #tpu.memory_space<vmem>>
          %dma_wait3A_210 = arith.constant 0 : i32
          %dma_wait3A_211 = arith.constant 0 : i32
          %dma_wait3A_212 = tpu.memref_slice %arg9[%dma_wait3A_210, %dma_wait3A_211] : memref<10112x128xf32, #tpu.memory_space<vmem_shared>> -> memref<10112x128xf32, #tpu.memory_space<vmem_shared>>
          %dma_wait3A_213 = tpu.memref_slice %arg8[%select_n3A_187] : memref<2x!tpu.dma_semaphore, #tpu.memory_space<semaphore_mem>> -> memref<1x!tpu.dma_semaphore, #tpu.memory_space<semaphore_mem>>
          %dma_wait3A_214 = tpu.memref_squeeze %dma_wait3A_213 : memref<1x!tpu.dma_semaphore, #tpu.memory_space<semaphore_mem>> -> memref<!tpu.dma_semaphore, #tpu.memory_space<semaphore_mem>>
          tpu.wait_indirect_dma semaphore(%dma_wait3A_214 : memref<!tpu.dma_semaphore, #tpu.memory_space<semaphore_mem>>) src(%dma_wait3A_206 : memref<128x128xf32, #tpu.memory_space<vmem>>) dst(%dma_wait3A_212 : memref<10112x128xf32, #tpu.memory_space<vmem_shared>>)
        } else {
        }
        "tpu.region"() ({
          %run_scoped3A_203 = tpu.sem_alloc : memref<!tpu.dma_semaphore, #tpu.memory_space<semaphore_mem>>
          %dma_start3A_204 = arith.constant 0 : i32
          %dma_start3A_205 = arith.constant 0 : i32
          %dma_start3A_206 = tpu.memref_slice %arg7[%select_n3A_187, %dma_start3A_204, %dma_start3A_205] : memref<2x128x128xf32, #tpu.memory_space<vmem>> -> memref<1x128x128xf32, #tpu.memory_space<vmem>>
          %dma_start3A_207 = tpu.memref_squeeze %dma_start3A_206 : memref<1x128x128xf32, #tpu.memory_space<vmem>> -> memref<128x128xf32, #tpu.memory_space<vmem>>
          %dma_start3A_208 = arith.constant 0 : i32
          %dma_start3A_209 = tpu.memref_slice %arg5[%select_n3A_171, %dma_start3A_208] : memref<40x128xi32, #tpu.memory_space<vmem>> -> memref<1x128xi32, #tpu.memory_space<vmem>>
          %dma_start3A_210 = tpu.memref_squeeze %dma_start3A_209 : memref<1x128xi32, #tpu.memory_space<vmem>> -> memref<128xi32, #tpu.memory_space<vmem>>
          %dma_start3A_211 = arith.constant 0 : i32
          %dma_start3A_212 = arith.constant 0 : i32
          %dma_start3A_213 = tpu.memref_slice %arg2[%dma_start3A_211, %dma_start3A_212] : memref<10112x128xf32, #tpu.memory_space<hbm>> -> memref<10112x128xf32, #tpu.memory_space<hbm>>
          tpu.enqueue_indirect_dma source(%dma_start3A_213 : memref<10112x128xf32, #tpu.memory_space<hbm>>) target(%dma_start3A_207 : memref<128x128xf32, #tpu.memory_space<vmem>>) offsets(%dma_start3A_210 : memref<128xi32, #tpu.memory_space<vmem>>) semaphore(%run_scoped3A_203 : memref<!tpu.dma_semaphore, #tpu.memory_space<semaphore_mem>>)
          %dma_wait3A_214 = arith.constant 0 : i32
          %dma_wait3A_215 = arith.constant 0 : i32
          %dma_wait3A_216 = tpu.memref_slice %arg7[%select_n3A_187, %dma_wait3A_214, %dma_wait3A_215] : memref<2x128x128xf32, #tpu.memory_space<vmem>> -> memref<1x128x128xf32, #tpu.memory_space<vmem>>
          %dma_wait3A_217 = tpu.memref_squeeze %dma_wait3A_216 : memref<1x128x128xf32, #tpu.memory_space<vmem>> -> memref<128x128xf32, #tpu.memory_space<vmem>>
          %dma_wait3A_218 = arith.constant 0 : i32
          %dma_wait3A_219 = tpu.memref_slice %arg5[%select_n3A_171, %dma_wait3A_218] : memref<40x128xi32, #tpu.memory_space<vmem>> -> memref<1x128xi32, #tpu.memory_space<vmem>>
          %dma_wait3A_220 = tpu.memref_squeeze %dma_wait3A_219 : memref<1x128xi32, #tpu.memory_space<vmem>> -> memref<128xi32, #tpu.memory_space<vmem>>
          %dma_wait3A_221 = arith.constant 0 : i32
          %dma_wait3A_222 = arith.constant 0 : i32
          %dma_wait3A_223 = tpu.memref_slice %arg2[%dma_wait3A_221, %dma_wait3A_222] : memref<10112x128xf32, #tpu.memory_space<hbm>> -> memref<10112x128xf32, #tpu.memory_space<hbm>>
          tpu.wait_indirect_dma semaphore(%run_scoped3A_203 : memref<!tpu.dma_semaphore, #tpu.memory_space<semaphore_mem>>) src(%dma_wait3A_223 : memref<10112x128xf32, #tpu.memory_space<hbm>>) dst(%dma_wait3A_217 : memref<128x128xf32, #tpu.memory_space<vmem>>)
          tpu.yield
        }) : () -> ()
        %dma_start3A = arith.constant 0 : i32
        %dma_start3A_192 = arith.constant 0 : i32
        %dma_start3A_193 = tpu.memref_slice %arg7[%select_n3A_187, %dma_start3A, %dma_start3A_192] : memref<2x128x128xf32, #tpu.memory_space<vmem>> -> memref<1x128x128xf32, #tpu.memory_space<vmem>>
        %dma_start3A_194 = tpu.memref_squeeze %dma_start3A_193 : memref<1x128x128xf32, #tpu.memory_space<vmem>> -> memref<128x128xf32, #tpu.memory_space<vmem>>
        %dma_start3A_195 = arith.constant 0 : i32
        %dma_start3A_196 = tpu.memref_slice %arg6[%select_n3A_171, %dma_start3A_195] : memref<40x128xi32, #tpu.memory_space<vmem>> -> memref<1x128xi32, #tpu.memory_space<vmem>>
        %dma_start3A_197 = tpu.memref_squeeze %dma_start3A_196 : memref<1x128xi32, #tpu.memory_space<vmem>> -> memref<128xi32, #tpu.memory_space<vmem>>
        %dma_start3A_198 = arith.constant 0 : i32
        %dma_start3A_199 = arith.constant 0 : i32
        %dma_start3A_200 = tpu.memref_slice %arg9[%dma_start3A_198, %dma_start3A_199] : memref<10112x128xf32, #tpu.memory_space<vmem_shared>> -> memref<10112x128xf32, #tpu.memory_space<vmem_shared>>
        %dma_start3A_201 = tpu.memref_slice %arg8[%select_n3A_187] : memref<2x!tpu.dma_semaphore, #tpu.memory_space<semaphore_mem>> -> memref<1x!tpu.dma_semaphore, #tpu.memory_space<semaphore_mem>>
        %dma_start3A_202 = tpu.memref_squeeze %dma_start3A_201 : memref<1x!tpu.dma_semaphore, #tpu.memory_space<semaphore_mem>> -> memref<!tpu.dma_semaphore, #tpu.memory_space<semaphore_mem>>
        tpu.enqueue_indirect_dma source(%dma_start3A_194 : memref<128x128xf32, #tpu.memory_space<vmem>>) target(%dma_start3A_200 : memref<10112x128xf32, #tpu.memory_space<vmem_shared>>) offsets(%dma_start3A_197 : memref<128xi32, #tpu.memory_space<vmem>>) semaphore(%dma_start3A_202 : memref<!tpu.dma_semaphore, #tpu.memory_space<semaphore_mem>>) {add = true}
      }
      %while3A_105 = arith.constant 1 : i32
      scf.for %while3A_135 = %while3A_103 to %while3A_99 step %while3A_105  : i32 {
        %mul3A_136 = arith.muli %while3A_135, %while3A : i32
        %add3A_137 = arith.addi %while3A_96, %mul3A_136 : i32
        %jit3A_138 = arith.constant 40 : i32
        %eq3A_139 = arith.constant 0 : i32
        %eq3A_140 = arith.cmpi eq, %jit3A_138, %eq3A_139 : i32
        %jit3A_141 = arith.constant 1 : i32
        %select_n3A_142 = arith.select %eq3A_140, %jit3A_141, %jit3A_138 : i32
        %rem3A = arith.remsi %add3A_137, %select_n3A_142 : i32
        %ne3A = arith.constant 0 : i32
        %ne3A_143 = arith.cmpi ne, %rem3A, %ne3A : i32
        %lt3A_144 = arith.constant 0 : i32
        %lt3A_145 = arith.cmpi slt, %rem3A, %lt3A_144 : i32
        %lt3A_146 = arith.constant 0 : i32
        %lt3A_147 = arith.cmpi slt, %select_n3A_142, %lt3A_146 : i32
        %ne3A_148 = arith.xori %lt3A_145, %lt3A_147 : i1
        %and3A = arith.andi %ne3A_148, %ne3A_143 : i1
        %add3A_149 = arith.addi %rem3A, %select_n3A_142 : i32
        %select_n3A_150 = arith.select %and3A, %add3A_149, %rem3A : i32
        %eq3A_151 = arith.constant 0 : i32
        %eq3A_152 = arith.cmpi eq, %select_n3A_150, %eq3A_151 : i32
        %convert_element_type3A_153 = arith.extui %eq3A_152 : i1 to i32
        %cond3A_154 = arith.constant 0 : i32
        %cond3A_155 = arith.cmpi ne, %convert_element_type3A_153, %cond3A_154 : i32
        scf.if %cond3A_155 {
          %gt3A_203 = arith.constant 0 : i32
          %gt3A_204 = arith.cmpi sgt, %add3A_137, %gt3A_203 : i32
          %convert_element_type3A_205 = arith.extui %gt3A_204 : i1 to i32
          %cond3A_206 = arith.constant 0 : i32
          %cond3A_207 = arith.cmpi ne, %convert_element_type3A_205, %cond3A_206 : i32
          scf.if %cond3A_207 {
            %dma_wait3A_239 = arith.constant 0 : i32
            %dma_wait3A_240 = arith.constant 0 : i32
            %dma_wait3A_241 = arith.constant 0 : i32
            %dma_wait3A_242 = arith.constant 0 : i32
            %dma_wait3A_243 = arith.constant 0 : i32
            %dma_wait3A_244 = tpu.memref_slice %arg7[%dma_wait3A_239, %dma_wait3A_242, %dma_wait3A_243] : memref<2x128x128xf32, #tpu.memory_space<vmem>> -> memref<1x128x128xf32, #tpu.memory_space<vmem>>
            %dma_wait3A_245 = tpu.memref_squeeze %dma_wait3A_244 : memref<1x128x128xf32, #tpu.memory_space<vmem>> -> memref<128x128xf32, #tpu.memory_space<vmem>>
            %dma_wait3A_246 = arith.constant 0 : i32
            %dma_wait3A_247 = tpu.memref_slice %arg6[%dma_wait3A_240, %dma_wait3A_246] : memref<40x128xi32, #tpu.memory_space<vmem>> -> memref<1x128xi32, #tpu.memory_space<vmem>>
            %dma_wait3A_248 = tpu.memref_squeeze %dma_wait3A_247 : memref<1x128xi32, #tpu.memory_space<vmem>> -> memref<128xi32, #tpu.memory_space<vmem>>
            %dma_wait3A_249 = arith.constant 0 : i32
            %dma_wait3A_250 = arith.constant 0 : i32
            %dma_wait3A_251 = tpu.memref_slice %arg9[%dma_wait3A_249, %dma_wait3A_250] : memref<10112x128xf32, #tpu.memory_space<vmem_shared>> -> memref<10112x128xf32, #tpu.memory_space<vmem_shared>>
            %dma_wait3A_252 = tpu.memref_slice %arg8[%dma_wait3A_241] : memref<2x!tpu.dma_semaphore, #tpu.memory_space<semaphore_mem>> -> memref<1x!tpu.dma_semaphore, #tpu.memory_space<semaphore_mem>>
            %dma_wait3A_253 = tpu.memref_squeeze %dma_wait3A_252 : memref<1x!tpu.dma_semaphore, #tpu.memory_space<semaphore_mem>> -> memref<!tpu.dma_semaphore, #tpu.memory_space<semaphore_mem>>
            tpu.wait_indirect_dma semaphore(%dma_wait3A_253 : memref<!tpu.dma_semaphore, #tpu.memory_space<semaphore_mem>>) src(%dma_wait3A_245 : memref<128x128xf32, #tpu.memory_space<vmem>>) dst(%dma_wait3A_251 : memref<10112x128xf32, #tpu.memory_space<vmem_shared>>)
            %dma_wait3A_254 = arith.constant 1 : i32
            %dma_wait3A_255 = arith.constant 1 : i32
            %dma_wait3A_256 = arith.constant 1 : i32
            %dma_wait3A_257 = arith.constant 0 : i32
            %dma_wait3A_258 = arith.constant 0 : i32
            %dma_wait3A_259 = tpu.memref_slice %arg7[%dma_wait3A_254, %dma_wait3A_257, %dma_wait3A_258] : memref<2x128x128xf32, #tpu.memory_space<vmem>> -> memref<1x128x128xf32, #tpu.memory_space<vmem>>
            %dma_wait3A_260 = tpu.memref_squeeze %dma_wait3A_259 : memref<1x128x128xf32, #tpu.memory_space<vmem>> -> memref<128x128xf32, #tpu.memory_space<vmem>>
            %dma_wait3A_261 = arith.constant 0 : i32
            %dma_wait3A_262 = tpu.memref_slice %arg6[%dma_wait3A_255, %dma_wait3A_261] : memref<40x128xi32, #tpu.memory_space<vmem>> -> memref<1x128xi32, #tpu.memory_space<vmem>>
            %dma_wait3A_263 = tpu.memref_squeeze %dma_wait3A_262 : memref<1x128xi32, #tpu.memory_space<vmem>> -> memref<128xi32, #tpu.memory_space<vmem>>
            %dma_wait3A_264 = arith.constant 0 : i32
            %dma_wait3A_265 = arith.constant 0 : i32
            %dma_wait3A_266 = tpu.memref_slice %arg9[%dma_wait3A_264, %dma_wait3A_265] : memref<10112x128xf32, #tpu.memory_space<vmem_shared>> -> memref<10112x128xf32, #tpu.memory_space<vmem_shared>>
            %dma_wait3A_267 = tpu.memref_slice %arg8[%dma_wait3A_256] : memref<2x!tpu.dma_semaphore, #tpu.memory_space<semaphore_mem>> -> memref<1x!tpu.dma_semaphore, #tpu.memory_space<semaphore_mem>>
            %dma_wait3A_268 = tpu.memref_squeeze %dma_wait3A_267 : memref<1x!tpu.dma_semaphore, #tpu.memory_space<semaphore_mem>> -> memref<!tpu.dma_semaphore, #tpu.memory_space<semaphore_mem>>
            tpu.wait_indirect_dma semaphore(%dma_wait3A_268 : memref<!tpu.dma_semaphore, #tpu.memory_space<semaphore_mem>>) src(%dma_wait3A_260 : memref<128x128xf32, #tpu.memory_space<vmem>>) dst(%dma_wait3A_266 : memref<10112x128xf32, #tpu.memory_space<vmem_shared>>)
          } else {
          }
          %jit3A_208 = arith.constant 40 : i32
          %div3A_209 = arith.divsi %add3A_137, %jit3A_208 : i32
          %sign3A = arith.constant 0 : i32
          %sign3A_210 = arith.cmpi sgt, %add3A_137, %sign3A : i32
          %sign3A_211 = arith.extui %sign3A_210 : i1 to i32
          %sign3A_212 = arith.constant 0 : i32
          %sign3A_213 = arith.cmpi slt, %add3A_137, %sign3A_212 : i32
          %sign3A_214 = arith.extui %sign3A_213 : i1 to i32
          %sign3A_215 = arith.subi %sign3A_211, %sign3A_214 : i32
          %sign3A_216 = arith.constant 0 : i32
          %sign3A_217 = arith.cmpi sgt, %jit3A_208, %sign3A_216 : i32
          %sign3A_218 = arith.extui %sign3A_217 : i1 to i32
          %sign3A_219 = arith.constant 0 : i32
          %sign3A_220 = arith.cmpi slt, %jit3A_208, %sign3A_219 : i32
          %sign3A_221 = arith.extui %sign3A_220 : i1 to i32
          %sign3A_222 = arith.subi %sign3A_218, %sign3A_221 : i32
          %ne3A_223 = arith.cmpi ne, %sign3A_215, %sign3A_222 : i32
          %rem3A_224 = arith.remsi %add3A_137, %jit3A_208 : i32
          %ne3A_225 = arith.constant 0 : i32
          %ne3A_226 = arith.cmpi ne, %rem3A_224, %ne3A_225 : i32
          %and3A_227 = arith.andi %ne3A_223, %ne3A_226 : i1
          %sub3A_228 = arith.constant 1 : i32
          %sub3A_229 = arith.subi %div3A_209, %sub3A_228 : i32
          %select_n3A_230 = arith.select %and3A_227, %sub3A_229, %div3A_209 : i32
          %mul3A_231 = arith.constant 40 : i32
          %mul3A_232 = arith.muli %select_n3A_230, %mul3A_231 : i32
          %add3A_233 = arith.addi %select_n3A, %mul3A_232 : i32
          "tpu.region"() ({
            %run_scoped3A_239 = tpu.sem_alloc : memref<!tpu.dma_semaphore, #tpu.memory_space<semaphore_mem>>
            %dma_start3A_240 = arith.constant 0 : i32
            %dma_start3A_241 = tpu.memref_slice %arg3[%add3A_233, %dma_start3A_240] : memref<3040x128xi32, #tpu.memory_space<hbm>> -> memref<40x128xi32, #tpu.memory_space<hbm>>
            %dma_start3A_242 = arith.constant 0 : i32
            %dma_start3A_243 = tpu.memref_slice %arg3[%add3A_233, %dma_start3A_242] : memref<3040x128xi32, #tpu.memory_space<hbm>> -> memref<40x128xi32, #tpu.memory_space<hbm>>
            tpu.enqueue_dma source(%dma_start3A_243 : memref<40x128xi32, #tpu.memory_space<hbm>>) target(%arg6 : memref<40x128xi32, #tpu.memory_space<vmem>>) target_semaphore(%run_scoped3A_239 : memref<!tpu.dma_semaphore, #tpu.memory_space<semaphore_mem>>)
            %dma_wait3A_244 = arith.constant 0 : i32
            %dma_wait3A_245 = tpu.memref_slice %arg3[%add3A_233, %dma_wait3A_244] : memref<3040x128xi32, #tpu.memory_space<hbm>> -> memref<40x128xi32, #tpu.memory_space<hbm>>
            %dma_wait3A_246 = arith.constant 0 : i32
            %dma_wait3A_247 = tpu.memref_slice %arg3[%add3A_233, %dma_wait3A_246] : memref<3040x128xi32, #tpu.memory_space<hbm>> -> memref<40x128xi32, #tpu.memory_space<hbm>>
            tpu.wait_dma2 semaphore(%run_scoped3A_239 : memref<!tpu.dma_semaphore, #tpu.memory_space<semaphore_mem>>) src(%dma_wait3A_247 : memref<40x128xi32, #tpu.memory_space<hbm>>) dst(%arg6 : memref<40x128xi32, #tpu.memory_space<vmem>>)
            tpu.yield
          }) : () -> ()
          %scan3A_234 = arith.constant 0 : i32
          %scan3A_235 = arith.constant 40 : i32
          %scan3A_236 = arith.addi %scan3A_234, %scan3A_235 : i32
          %scan3A_237 = arith.constant 1 : i32
          scf.for %scan3A_239 = %scan3A_234 to %scan3A_236 step %scan3A_237  : i32 {
            %mul3A_240 = arith.constant 1 : i32
            %mul3A_241 = arith.muli %scan3A_239, %mul3A_240 : i32
            %add3A_242 = arith.constant 0 : i32
            %add3A_243 = arith.addi %add3A_242, %mul3A_241 : i32
            %get3A = arith.index_cast %add3A_243 : i32 to index
            %get3A_244 = arith.constant 0 : index
            %get3A_245 = tpu.vector_load %arg6[%get3A, %get3A_244] {strides = array<i32>} : memref<40x128xi32, #tpu.memory_space<vmem>>, vector<1x16xi32>,
            %get3A_246 = vector.shape_cast %get3A_245 : vector<1x16xi32> to vector<16xi32>
            %and3A_247 = arith.constant 65535 : i32
            %and3A_248 = vector.broadcast %and3A_247 : i32 to vector<16xi32>
            %and3A_249 = arith.andi %get3A_246, %and3A_248 : vector<16xi32>
            %swap3A = arith.index_cast %add3A_243 : i32 to index
            %swap3A_250 = arith.constant 0 : index
            %swap3A_251 = tpu.vector_load %arg5[%swap3A, %swap3A_250] {strides = array<i32>} : memref<40x128xi32, #tpu.memory_space<vmem>>, vector<1x16xi32>,
            %swap3A_252 = vector.shape_cast %swap3A_251 : vector<1x16xi32> to vector<16xi32>
            %swap3A_253 = vector.shape_cast %and3A_249 : vector<16xi32> to vector<1x16xi32>
            tpu.vector_store %arg5[%swap3A, %swap3A_250], %swap3A_253 {strides = array<i32>} : memref<40x128xi32, #tpu.memory_space<vmem>>, vector<1x16xi32>,
            %shift_right_arithmetic3A = arith.constant 16 : i32
            %shift_right_arithmetic3A_254 = vector.broadcast %shift_right_arithmetic3A : i32 to vector<16xi32>
            %shift_right_arithmetic3A_255 = arith.shrsi %get3A_246, %shift_right_arithmetic3A_254 : vector<16xi32>
            %swap3A_256 = arith.index_cast %add3A_243 : i32 to index
            %swap3A_257 = arith.constant 0 : index
            %swap3A_258 = tpu.vector_load %arg6[%swap3A_256, %swap3A_257] {strides = array<i32>} : memref<40x128xi32, #tpu.memory_space<vmem>>, vector<1x16xi32>,
            %swap3A_259 = vector.shape_cast %swap3A_258 : vector<1x16xi32> to vector<16xi32>
            %swap3A_260 = vector.shape_cast %shift_right_arithmetic3A_255 : vector<16xi32> to vector<1x16xi32>
            tpu.vector_store %arg6[%swap3A_256, %swap3A_257], %swap3A_260 {strides = array<i32>} : memref<40x128xi32, #tpu.memory_space<vmem>>, vector<1x16xi32>,
            %get3A_261 = arith.index_cast %add3A_243 : i32 to index
            %get3A_262 = arith.constant 16 : index
            %get3A_263 = tpu.vector_load %arg6[%get3A_261, %get3A_262] {strides = array<i32>} : memref<40x128xi32, #tpu.memory_space<vmem>>, vector<1x16xi32>,
            %get3A_264 = vector.shape_cast %get3A_263 : vector<1x16xi32> to vector<16xi32>
            %and3A_265 = arith.constant 65535 : i32
            %and3A_266 = vector.broadcast %and3A_265 : i32 to vector<16xi32>
            %and3A_267 = arith.andi %get3A_264, %and3A_266 : vector<16xi32>
            %swap3A_268 = arith.index_cast %add3A_243 : i32 to index
            %swap3A_269 = arith.constant 16 : index
            %swap3A_270 = tpu.vector_load %arg5[%swap3A_268, %swap3A_269] {strides = array<i32>} : memref<40x128xi32, #tpu.memory_space<vmem>>, vector<1x16xi32>,
            %swap3A_271 = vector.shape_cast %swap3A_270 : vector<1x16xi32> to vector<16xi32>
            %swap3A_272 = vector.shape_cast %and3A_267 : vector<16xi32> to vector<1x16xi32>
            tpu.vector_store %arg5[%swap3A_268, %swap3A_269], %swap3A_272 {strides = array<i32>} : memref<40x128xi32, #tpu.memory_space<vmem>>, vector<1x16xi32>,
            %shift_right_arithmetic3A_273 = arith.constant 16 : i32
            %shift_right_arithmetic3A_274 = vector.broadcast %shift_right_arithmetic3A_273 : i32 to vector<16xi32>
            %shift_right_arithmetic3A_275 = arith.shrsi %get3A_264, %shift_right_arithmetic3A_274 : vector<16xi32>
            %swap3A_276 = arith.index_cast %add3A_243 : i32 to index
            %swap3A_277 = arith.constant 16 : index
            %swap3A_278 = tpu.vector_load %arg6[%swap3A_276, %swap3A_277] {strides = array<i32>} : memref<40x128xi32, #tpu.memory_space<vmem>>, vector<1x16xi32>,
            %swap3A_279 = vector.shape_cast %swap3A_278 : vector<1x16xi32> to vector<16xi32>
            %swap3A_280 = vector.shape_cast %shift_right_arithmetic3A_275 : vector<16xi32> to vector<1x16xi32>
            tpu.vector_store %arg6[%swap3A_276, %swap3A_277], %swap3A_280 {strides = array<i32>} : memref<40x128xi32, #tpu.memory_space<vmem>>, vector<1x16xi32>,
            %get3A_281 = arith.index_cast %add3A_243 : i32 to index
            %get3A_282 = arith.constant 32 : index
            %get3A_283 = tpu.vector_load %arg6[%get3A_281, %get3A_282] {strides = array<i32>} : memref<40x128xi32, #tpu.memory_space<vmem>>, vector<1x16xi32>,
            %get3A_284 = vector.shape_cast %get3A_283 : vector<1x16xi32> to vector<16xi32>
            %and3A_285 = arith.constant 65535 : i32
            %and3A_286 = vector.broadcast %and3A_285 : i32 to vector<16xi32>
            %and3A_287 = arith.andi %get3A_284, %and3A_286 : vector<16xi32>
            %swap3A_288 = arith.index_cast %add3A_243 : i32 to index
            %swap3A_289 = arith.constant 32 : index
            %swap3A_290 = tpu.vector_load %arg5[%swap3A_288, %swap3A_289] {strides = array<i32>} : memref<40x128xi32, #tpu.memory_space<vmem>>, vector<1x16xi32>,
            %swap3A_291 = vector.shape_cast %swap3A_290 : vector<1x16xi32> to vector<16xi32>
            %swap3A_292 = vector.shape_cast %and3A_287 : vector<16xi32> to vector<1x16xi32>
            tpu.vector_store %arg5[%swap3A_288, %swap3A_289], %swap3A_292 {strides = array<i32>} : memref<40x128xi32, #tpu.memory_space<vmem>>, vector<1x16xi32>,
            %shift_right_arithmetic3A_293 = arith.constant 16 : i32
            %shift_right_arithmetic3A_294 = vector.broadcast %shift_right_arithmetic3A_293 : i32 to vector<16xi32>
            %shift_right_arithmetic3A_295 = arith.shrsi %get3A_284, %shift_right_arithmetic3A_294 : vector<16xi32>
            %swap3A_296 = arith.index_cast %add3A_243 : i32 to index
            %swap3A_297 = arith.constant 32 : index
            %swap3A_298 = tpu.vector_load %arg6[%swap3A_296, %swap3A_297] {strides = array<i32>} : memref<40x128xi32, #tpu.memory_space<vmem>>, vector<1x16xi32>,
            %swap3A_299 = vector.shape_cast %swap3A_298 : vector<1x16xi32> to vector<16xi32>
            %swap3A_300 = vector.shape_cast %shift_right_arithmetic3A_295 : vector<16xi32> to vector<1x16xi32>
            tpu.vector_store %arg6[%swap3A_296, %swap3A_297], %swap3A_300 {strides = array<i32>} : memref<40x128xi32, #tpu.memory_space<vmem>>, vector<1x16xi32>,
            %get3A_301 = arith.index_cast %add3A_243 : i32 to index
            %get3A_302 = arith.constant 48 : index
            %get3A_303 = tpu.vector_load %arg6[%get3A_301, %get3A_302] {strides = array<i32>} : memref<40x128xi32, #tpu.memory_space<vmem>>, vector<1x16xi32>,
            %get3A_304 = vector.shape_cast %get3A_303 : vector<1x16xi32> to vector<16xi32>
            %and3A_305 = arith.constant 65535 : i32
            %and3A_306 = vector.broadcast %and3A_305 : i32 to vector<16xi32>
            %and3A_307 = arith.andi %get3A_304, %and3A_306 : vector<16xi32>
            %swap3A_308 = arith.index_cast %add3A_243 : i32 to index
            %swap3A_309 = arith.constant 48 : index
            %swap3A_310 = tpu.vector_load %arg5[%swap3A_308, %swap3A_309] {strides = array<i32>} : memref<40x128xi32, #tpu.memory_space<vmem>>, vector<1x16xi32>,
            %swap3A_311 = vector.shape_cast %swap3A_310 : vector<1x16xi32> to vector<16xi32>
            %swap3A_312 = vector.shape_cast %and3A_307 : vector<16xi32> to vector<1x16xi32>
            tpu.vector_store %arg5[%swap3A_308, %swap3A_309], %swap3A_312 {strides = array<i32>} : memref<40x128xi32, #tpu.memory_space<vmem>>, vector<1x16xi32>,
            %shift_right_arithmetic3A_313 = arith.constant 16 : i32
            %shift_right_arithmetic3A_314 = vector.broadcast %shift_right_arithmetic3A_313 : i32 to vector<16xi32>
            %shift_right_arithmetic3A_315 = arith.shrsi %get3A_304, %shift_right_arithmetic3A_314 : vector<16xi32>
            %swap3A_316 = arith.index_cast %add3A_243 : i32 to index
            %swap3A_317 = arith.constant 48 : index
            %swap3A_318 = tpu.vector_load %arg6[%swap3A_316, %swap3A_317] {strides = array<i32>} : memref<40x128xi32, #tpu.memory_space<vmem>>, vector<1x16xi32>,
            %swap3A_319 = vector.shape_cast %swap3A_318 : vector<1x16xi32> to vector<16xi32>
            %swap3A_320 = vector.shape_cast %shift_right_arithmetic3A_315 : vector<16xi32> to vector<1x16xi32>
            tpu.vector_store %arg6[%swap3A_316, %swap3A_317], %swap3A_320 {strides = array<i32>} : memref<40x128xi32, #tpu.memory_space<vmem>>, vector<1x16xi32>,
            %get3A_321 = arith.index_cast %add3A_243 : i32 to index
            %get3A_322 = arith.constant 64 : index
            %get3A_323 = tpu.vector_load %arg6[%get3A_321, %get3A_322] {strides = array<i32>} : memref<40x128xi32, #tpu.memory_space<vmem>>, vector<1x16xi32>,
            %get3A_324 = vector.shape_cast %get3A_323 : vector<1x16xi32> to vector<16xi32>
            %and3A_325 = arith.constant 65535 : i32
            %and3A_326 = vector.broadcast %and3A_325 : i32 to vector<16xi32>
            %and3A_327 = arith.andi %get3A_324, %and3A_326 : vector<16xi32>
            %swap3A_328 = arith.index_cast %add3A_243 : i32 to index
            %swap3A_329 = arith.constant 64 : index
            %swap3A_330 = tpu.vector_load %arg5[%swap3A_328, %swap3A_329] {strides = array<i32>} : memref<40x128xi32, #tpu.memory_space<vmem>>, vector<1x16xi32>,
            %swap3A_331 = vector.shape_cast %swap3A_330 : vector<1x16xi32> to vector<16xi32>
            %swap3A_332 = vector.shape_cast %and3A_327 : vector<16xi32> to vector<1x16xi32>
            tpu.vector_store %arg5[%swap3A_328, %swap3A_329], %swap3A_332 {strides = array<i32>} : memref<40x128xi32, #tpu.memory_space<vmem>>, vector<1x16xi32>,
            %shift_right_arithmetic3A_333 = arith.constant 16 : i32
            %shift_right_arithmetic3A_334 = vector.broadcast %shift_right_arithmetic3A_333 : i32 to vector<16xi32>
            %shift_right_arithmetic3A_335 = arith.shrsi %get3A_324, %shift_right_arithmetic3A_334 : vector<16xi32>
            %swap3A_336 = arith.index_cast %add3A_243 : i32 to index
            %swap3A_337 = arith.constant 64 : index
            %swap3A_338 = tpu.vector_load %arg6[%swap3A_336, %swap3A_337] {strides = array<i32>} : memref<40x128xi32, #tpu.memory_space<vmem>>, vector<1x16xi32>,
            %swap3A_339 = vector.shape_cast %swap3A_338 : vector<1x16xi32> to vector<16xi32>
            %swap3A_340 = vector.shape_cast %shift_right_arithmetic3A_335 : vector<16xi32> to vector<1x16xi32>
            tpu.vector_store %arg6[%swap3A_336, %swap3A_337], %swap3A_340 {strides = array<i32>} : memref<40x128xi32, #tpu.memory_space<vmem>>, vector<1x16xi32>,
            %get3A_341 = arith.index_cast %add3A_243 : i32 to index
            %get3A_342 = arith.constant 80 : index
            %get3A_343 = tpu.vector_load %arg6[%get3A_341, %get3A_342] {strides = array<i32>} : memref<40x128xi32, #tpu.memory_space<vmem>>, vector<1x16xi32>,
            %get3A_344 = vector.shape_cast %get3A_343 : vector<1x16xi32> to vector<16xi32>
            %and3A_345 = arith.constant 65535 : i32
            %and3A_346 = vector.broadcast %and3A_345 : i32 to vector<16xi32>
            %and3A_347 = arith.andi %get3A_344, %and3A_346 : vector<16xi32>
            %swap3A_348 = arith.index_cast %add3A_243 : i32 to index
            %swap3A_349 = arith.constant 80 : index
            %swap3A_350 = tpu.vector_load %arg5[%swap3A_348, %swap3A_349] {strides = array<i32>} : memref<40x128xi32, #tpu.memory_space<vmem>>, vector<1x16xi32>,
            %swap3A_351 = vector.shape_cast %swap3A_350 : vector<1x16xi32> to vector<16xi32>
            %swap3A_352 = vector.shape_cast %and3A_347 : vector<16xi32> to vector<1x16xi32>
            tpu.vector_store %arg5[%swap3A_348, %swap3A_349], %swap3A_352 {strides = array<i32>} : memref<40x128xi32, #tpu.memory_space<vmem>>, vector<1x16xi32>,
            %shift_right_arithmetic3A_353 = arith.constant 16 : i32
            %shift_right_arithmetic3A_354 = vector.broadcast %shift_right_arithmetic3A_353 : i32 to vector<16xi32>
            %shift_right_arithmetic3A_355 = arith.shrsi %get3A_344, %shift_right_arithmetic3A_354 : vector<16xi32>
            %swap3A_356 = arith.index_cast %add3A_243 : i32 to index
            %swap3A_357 = arith.constant 80 : index
            %swap3A_358 = tpu.vector_load %arg6[%swap3A_356, %swap3A_357] {strides = array<i32>} : memref<40x128xi32, #tpu.memory_space<vmem>>, vector<1x16xi32>,
            %swap3A_359 = vector.shape_cast %swap3A_358 : vector<1x16xi32> to vector<16xi32>
            %swap3A_360 = vector.shape_cast %shift_right_arithmetic3A_355 : vector<16xi32> to vector<1x16xi32>
            tpu.vector_store %arg6[%swap3A_356, %swap3A_357], %swap3A_360 {strides = array<i32>} : memref<40x128xi32, #tpu.memory_space<vmem>>, vector<1x16xi32>,
            %get3A_361 = arith.index_cast %add3A_243 : i32 to index
            %get3A_362 = arith.constant 96 : index
            %get3A_363 = tpu.vector_load %arg6[%get3A_361, %get3A_362] {strides = array<i32>} : memref<40x128xi32, #tpu.memory_space<vmem>>, vector<1x16xi32>,
            %get3A_364 = vector.shape_cast %get3A_363 : vector<1x16xi32> to vector<16xi32>
            %and3A_365 = arith.constant 65535 : i32
            %and3A_366 = vector.broadcast %and3A_365 : i32 to vector<16xi32>
            %and3A_367 = arith.andi %get3A_364, %and3A_366 : vector<16xi32>
            %swap3A_368 = arith.index_cast %add3A_243 : i32 to index
            %swap3A_369 = arith.constant 96 : index
            %swap3A_370 = tpu.vector_load %arg5[%swap3A_368, %swap3A_369] {strides = array<i32>} : memref<40x128xi32, #tpu.memory_space<vmem>>, vector<1x16xi32>,
            %swap3A_371 = vector.shape_cast %swap3A_370 : vector<1x16xi32> to vector<16xi32>
            %swap3A_372 = vector.shape_cast %and3A_367 : vector<16xi32> to vector<1x16xi32>
            tpu.vector_store %arg5[%swap3A_368, %swap3A_369], %swap3A_372 {strides = array<i32>} : memref<40x128xi32, #tpu.memory_space<vmem>>, vector<1x16xi32>,
            %shift_right_arithmetic3A_373 = arith.constant 16 : i32
            %shift_right_arithmetic3A_374 = vector.broadcast %shift_right_arithmetic3A_373 : i32 to vector<16xi32>
            %shift_right_arithmetic3A_375 = arith.shrsi %get3A_364, %shift_right_arithmetic3A_374 : vector<16xi32>
            %swap3A_376 = arith.index_cast %add3A_243 : i32 to index
            %swap3A_377 = arith.constant 96 : index
            %swap3A_378 = tpu.vector_load %arg6[%swap3A_376, %swap3A_377] {strides = array<i32>} : memref<40x128xi32, #tpu.memory_space<vmem>>, vector<1x16xi32>,
            %swap3A_379 = vector.shape_cast %swap3A_378 : vector<1x16xi32> to vector<16xi32>
            %swap3A_380 = vector.shape_cast %shift_right_arithmetic3A_375 : vector<16xi32> to vector<1x16xi32>
            tpu.vector_store %arg6[%swap3A_376, %swap3A_377], %swap3A_380 {strides = array<i32>} : memref<40x128xi32, #tpu.memory_space<vmem>>, vector<1x16xi32>,
            %get3A_381 = arith.index_cast %add3A_243 : i32 to index
            %get3A_382 = arith.constant 112 : index
            %get3A_383 = tpu.vector_load %arg6[%get3A_381, %get3A_382] {strides = array<i32>} : memref<40x128xi32, #tpu.memory_space<vmem>>, vector<1x16xi32>,
            %get3A_384 = vector.shape_cast %get3A_383 : vector<1x16xi32> to vector<16xi32>
            %and3A_385 = arith.constant 65535 : i32
            %and3A_386 = vector.broadcast %and3A_385 : i32 to vector<16xi32>
            %and3A_387 = arith.andi %get3A_384, %and3A_386 : vector<16xi32>
            %swap3A_388 = arith.index_cast %add3A_243 : i32 to index
            %swap3A_389 = arith.constant 112 : index
            %swap3A_390 = tpu.vector_load %arg5[%swap3A_388, %swap3A_389] {strides = array<i32>} : memref<40x128xi32, #tpu.memory_space<vmem>>, vector<1x16xi32>,
            %swap3A_391 = vector.shape_cast %swap3A_390 : vector<1x16xi32> to vector<16xi32>
            %swap3A_392 = vector.shape_cast %and3A_387 : vector<16xi32> to vector<1x16xi32>
            tpu.vector_store %arg5[%swap3A_388, %swap3A_389], %swap3A_392 {strides = array<i32>} : memref<40x128xi32, #tpu.memory_space<vmem>>, vector<1x16xi32>,
            %shift_right_arithmetic3A_393 = arith.constant 16 : i32
            %shift_right_arithmetic3A_394 = vector.broadcast %shift_right_arithmetic3A_393 : i32 to vector<16xi32>
            %shift_right_arithmetic3A_395 = arith.shrsi %get3A_384, %shift_right_arithmetic3A_394 : vector<16xi32>
            %swap3A_396 = arith.index_cast %add3A_243 : i32 to index
            %swap3A_397 = arith.constant 112 : index
            %swap3A_398 = tpu.vector_load %arg6[%swap3A_396, %swap3A_397] {strides = array<i32>} : memref<40x128xi32, #tpu.memory_space<vmem>>, vector<1x16xi32>,
            %swap3A_399 = vector.shape_cast %swap3A_398 : vector<1x16xi32> to vector<16xi32>
            %swap3A_400 = vector.shape_cast %shift_right_arithmetic3A_395 : vector<16xi32> to vector<1x16xi32>
            tpu.vector_store %arg6[%swap3A_396, %swap3A_397], %swap3A_400 {strides = array<i32>} : memref<40x128xi32, #tpu.memory_space<vmem>>, vector<1x16xi32>,
          }
          %scan3A_238 = arith.constant 40 : i32
        } else {
        }
        %jit3A_156 = arith.constant 40 : i32
        %eq3A_157 = arith.constant 0 : i32
        %eq3A_158 = arith.cmpi eq, %jit3A_156, %eq3A_157 : i32
        %jit3A_159 = arith.constant 1 : i32
        %select_n3A_160 = arith.select %eq3A_158, %jit3A_159, %jit3A_156 : i32
        %rem3A_161 = arith.remsi %add3A_137, %select_n3A_160 : i32
        %ne3A_162 = arith.constant 0 : i32
        %ne3A_163 = arith.cmpi ne, %rem3A_161, %ne3A_162 : i32
        %lt3A_164 = arith.constant 0 : i32
        %lt3A_165 = arith.cmpi slt, %rem3A_161, %lt3A_164 : i32
        %lt3A_166 = arith.constant 0 : i32
        %lt3A_167 = arith.cmpi slt, %select_n3A_160, %lt3A_166 : i32
        %ne3A_168 = arith.xori %lt3A_165, %lt3A_167 : i1
        %and3A_169 = arith.andi %ne3A_168, %ne3A_163 : i1
        %add3A_170 = arith.addi %rem3A_161, %select_n3A_160 : i32
        %select_n3A_171 = arith.select %and3A_169, %add3A_170, %rem3A_161 : i32
        %jit3A_172 = arith.constant 2 : i32
        %eq3A_173 = arith.constant 0 : i32
        %eq3A_174 = arith.cmpi eq, %jit3A_172, %eq3A_173 : i32
        %jit3A_175 = arith.constant 1 : i32
        %select_n3A_176 = arith.select %eq3A_174, %jit3A_175, %jit3A_172 : i32
        %rem3A_177 = arith.remsi %add3A_137, %select_n3A_176 : i32
        %ne3A_178 = arith.constant 0 : i32
        %ne3A_179 = arith.cmpi ne, %rem3A_177, %ne3A_178 : i32
        %lt3A_180 = arith.constant 0 : i32
        %lt3A_181 = arith.cmpi slt, %rem3A_177, %lt3A_180 : i32
        %lt3A_182 = arith.constant 0 : i32
        %lt3A_183 = arith.cmpi slt, %select_n3A_176, %lt3A_182 : i32
        %ne3A_184 = arith.xori %lt3A_181, %lt3A_183 : i1
        %and3A_185 = arith.andi %ne3A_184, %ne3A_179 : i1
        %add3A_186 = arith.addi %rem3A_177, %select_n3A_176 : i32
        %select_n3A_187 = arith.select %and3A_185, %add3A_186, %rem3A_177 : i32
        %gt3A = arith.constant 1 : i32
        %gt3A_188 = arith.cmpi sgt, %select_n3A_171, %gt3A : i32
        %convert_element_type3A_189 = arith.extui %gt3A_188 : i1 to i32
        %cond3A_190 = arith.constant 0 : i32
        %cond3A_191 = arith.cmpi ne, %convert_element_type3A_189, %cond3A_190 : i32
        scf.if %cond3A_191 {
          %dma_wait3A_203 = arith.constant 0 : i32
          %dma_wait3A_204 = arith.constant 0 : i32
          %dma_wait3A_205 = tpu.memref_slice %arg7[%select_n3A_187, %dma_wait3A_203, %dma_wait3A_204] : memref<2x128x128xf32, #tpu.memory_space<vmem>> -> memref<1x128x128xf32, #tpu.memory_space<vmem>>
          %dma_wait3A_206 = tpu.memref_squeeze %dma_wait3A_205 : memref<1x128x128xf32, #tpu.memory_space<vmem>> -> memref<128x128xf32, #tpu.memory_space<vmem>>
          %dma_wait3A_207 = arith.constant 0 : i32
          %dma_wait3A_208 = tpu.memref_slice %arg6[%select_n3A_171, %dma_wait3A_207] : memref<40x128xi32, #tpu.memory_space<vmem>> -> memref<1x128xi32, #tpu.memory_space<vmem>>
          %dma_wait3A_209 = tpu.memref_squeeze %dma_wait3A_208 : memref<1x128xi32, #tpu.memory_space<vmem>> -> memref<128xi32, #tpu.memory_space<vmem>>
          %dma_wait3A_210 = arith.constant 0 : i32
          %dma_wait3A_211 = arith.constant 0 : i32
          %dma_wait3A_212 = tpu.memref_slice %arg9[%dma_wait3A_210, %dma_wait3A_211] : memref<10112x128xf32, #tpu.memory_space<vmem_shared>> -> memref<10112x128xf32, #tpu.memory_space<vmem_shared>>
          %dma_wait3A_213 = tpu.memref_slice %arg8[%select_n3A_187] : memref<2x!tpu.dma_semaphore, #tpu.memory_space<semaphore_mem>> -> memref<1x!tpu.dma_semaphore, #tpu.memory_space<semaphore_mem>>
          %dma_wait3A_214 = tpu.memref_squeeze %dma_wait3A_213 : memref<1x!tpu.dma_semaphore, #tpu.memory_space<semaphore_mem>> -> memref<!tpu.dma_semaphore, #tpu.memory_space<semaphore_mem>>
          tpu.wait_indirect_dma semaphore(%dma_wait3A_214 : memref<!tpu.dma_semaphore, #tpu.memory_space<semaphore_mem>>) src(%dma_wait3A_206 : memref<128x128xf32, #tpu.memory_space<vmem>>) dst(%dma_wait3A_212 : memref<10112x128xf32, #tpu.memory_space<vmem_shared>>)
        } else {
        }
        "tpu.region"() ({
          %run_scoped3A_203 = tpu.sem_alloc : memref<!tpu.dma_semaphore, #tpu.memory_space<semaphore_mem>>
          %dma_start3A_204 = arith.constant 0 : i32
          %dma_start3A_205 = arith.constant 0 : i32
          %dma_start3A_206 = tpu.memref_slice %arg7[%select_n3A_187, %dma_start3A_204, %dma_start3A_205] : memref<2x128x128xf32, #tpu.memory_space<vmem>> -> memref<1x128x128xf32, #tpu.memory_space<vmem>>
          %dma_start3A_207 = tpu.memref_squeeze %dma_start3A_206 : memref<1x128x128xf32, #tpu.memory_space<vmem>> -> memref<128x128xf32, #tpu.memory_space<vmem>>
          %dma_start3A_208 = arith.constant 0 : i32
          %dma_start3A_209 = tpu.memref_slice %arg5[%select_n3A_171, %dma_start3A_208] : memref<40x128xi32, #tpu.memory_space<vmem>> -> memref<1x128xi32, #tpu.memory_space<vmem>>
          %dma_start3A_210 = tpu.memref_squeeze %dma_start3A_209 : memref<1x128xi32, #tpu.memory_space<vmem>> -> memref<128xi32, #tpu.memory_space<vmem>>
          %dma_start3A_211 = arith.constant 0 : i32
          %dma_start3A_212 = arith.constant 0 : i32
          %dma_start3A_213 = tpu.memref_slice %arg2[%dma_start3A_211, %dma_start3A_212] : memref<10112x128xf32, #tpu.memory_space<hbm>> -> memref<10112x128xf32, #tpu.memory_space<hbm>>
          tpu.enqueue_indirect_dma source(%dma_start3A_213 : memref<10112x128xf32, #tpu.memory_space<hbm>>) target(%dma_start3A_207 : memref<128x128xf32, #tpu.memory_space<vmem>>) offsets(%dma_start3A_210 : memref<128xi32, #tpu.memory_space<vmem>>) semaphore(%run_scoped3A_203 : memref<!tpu.dma_semaphore, #tpu.memory_space<semaphore_mem>>)
          %dma_wait3A_214 = arith.constant 0 : i32
          %dma_wait3A_215 = arith.constant 0 : i32
          %dma_wait3A_216 = tpu.memref_slice %arg7[%select_n3A_187, %dma_wait3A_214, %dma_wait3A_215] : memref<2x128x128xf32, #tpu.memory_space<vmem>> -> memref<1x128x128xf32, #tpu.memory_space<vmem>>
          %dma_wait3A_217 = tpu.memref_squeeze %dma_wait3A_216 : memref<1x128x128xf32, #tpu.memory_space<vmem>> -> memref<128x128xf32, #tpu.memory_space<vmem>>
          %dma_wait3A_218 = arith.constant 0 : i32
          %dma_wait3A_219 = tpu.memref_slice %arg5[%select_n3A_171, %dma_wait3A_218] : memref<40x128xi32, #tpu.memory_space<vmem>> -> memref<1x128xi32, #tpu.memory_space<vmem>>
          %dma_wait3A_220 = tpu.memref_squeeze %dma_wait3A_219 : memref<1x128xi32, #tpu.memory_space<vmem>> -> memref<128xi32, #tpu.memory_space<vmem>>
          %dma_wait3A_221 = arith.constant 0 : i32
          %dma_wait3A_222 = arith.constant 0 : i32
          %dma_wait3A_223 = tpu.memref_slice %arg2[%dma_wait3A_221, %dma_wait3A_222] : memref<10112x128xf32, #tpu.memory_space<hbm>> -> memref<10112x128xf32, #tpu.memory_space<hbm>>
          tpu.wait_indirect_dma semaphore(%run_scoped3A_203 : memref<!tpu.dma_semaphore, #tpu.memory_space<semaphore_mem>>) src(%dma_wait3A_223 : memref<10112x128xf32, #tpu.memory_space<hbm>>) dst(%dma_wait3A_217 : memref<128x128xf32, #tpu.memory_space<vmem>>)
          tpu.yield
        }) : () -> ()
        %dma_start3A = arith.constant 0 : i32
        %dma_start3A_192 = arith.constant 0 : i32
        %dma_start3A_193 = tpu.memref_slice %arg7[%select_n3A_187, %dma_start3A, %dma_start3A_192] : memref<2x128x128xf32, #tpu.memory_space<vmem>> -> memref<1x128x128xf32, #tpu.memory_space<vmem>>
        %dma_start3A_194 = tpu.memref_squeeze %dma_start3A_193 : memref<1x128x128xf32, #tpu.memory_space<vmem>> -> memref<128x128xf32, #tpu.memory_space<vmem>>
        %dma_start3A_195 = arith.constant 0 : i32
        %dma_start3A_196 = tpu.memref_slice %arg6[%select_n3A_171, %dma_start3A_195] : memref<40x128xi32, #tpu.memory_space<vmem>> -> memref<1x128xi32, #tpu.memory_space<vmem>>
        %dma_start3A_197 = tpu.memref_squeeze %dma_start3A_196 : memref<1x128xi32, #tpu.memory_space<vmem>> -> memref<128xi32, #tpu.memory_space<vmem>>
        %dma_start3A_198 = arith.constant 0 : i32
        %dma_start3A_199 = arith.constant 0 : i32
        %dma_start3A_200 = tpu.memref_slice %arg9[%dma_start3A_198, %dma_start3A_199] : memref<10112x128xf32, #tpu.memory_space<vmem_shared>> -> memref<10112x128xf32, #tpu.memory_space<vmem_shared>>
        %dma_start3A_201 = tpu.memref_slice %arg8[%select_n3A_187] : memref<2x!tpu.dma_semaphore, #tpu.memory_space<semaphore_mem>> -> memref<1x!tpu.dma_semaphore, #tpu.memory_space<semaphore_mem>>
        %dma_start3A_202 = tpu.memref_squeeze %dma_start3A_201 : memref<1x!tpu.dma_semaphore, #tpu.memory_space<semaphore_mem>> -> memref<!tpu.dma_semaphore, #tpu.memory_space<semaphore_mem>>
        tpu.enqueue_indirect_dma source(%dma_start3A_194 : memref<128x128xf32, #tpu.memory_space<vmem>>) target(%dma_start3A_200 : memref<10112x128xf32, #tpu.memory_space<vmem_shared>>) offsets(%dma_start3A_197 : memref<128xi32, #tpu.memory_space<vmem>>) semaphore(%dma_start3A_202 : memref<!tpu.dma_semaphore, #tpu.memory_space<semaphore_mem>>) {add = true}
      }
      %dma_wait3A = arith.constant 0 : i32
      %dma_wait3A_106 = arith.constant 0 : i32
      %dma_wait3A_107 = arith.constant 0 : i32
      %dma_wait3A_108 = arith.constant 0 : i32
      %dma_wait3A_109 = arith.constant 0 : i32
      %dma_wait3A_110 = tpu.memref_slice %arg7[%dma_wait3A, %dma_wait3A_108, %dma_wait3A_109] : memref<2x128x128xf32, #tpu.memory_space<vmem>> -> memref<1x128x128xf32, #tpu.memory_space<vmem>>
      %dma_wait3A_111 = tpu.memref_squeeze %dma_wait3A_110 : memref<1x128x128xf32, #tpu.memory_space<vmem>> -> memref<128x128xf32, #tpu.memory_space<vmem>>
      %dma_wait3A_112 = arith.constant 0 : i32
      %dma_wait3A_113 = tpu.memref_slice %arg6[%dma_wait3A_106, %dma_wait3A_112] : memref<40x128xi32, #tpu.memory_space<vmem>> -> memref<1x128xi32, #tpu.memory_space<vmem>>
      %dma_wait3A_114 = tpu.memref_squeeze %dma_wait3A_113 : memref<1x128xi32, #tpu.memory_space<vmem>> -> memref<128xi32, #tpu.memory_space<vmem>>
      %dma_wait3A_115 = arith.constant 0 : i32
      %dma_wait3A_116 = arith.constant 0 : i32
      %dma_wait3A_117 = tpu.memref_slice %arg9[%dma_wait3A_115, %dma_wait3A_116] : memref<10112x128xf32, #tpu.memory_space<vmem_shared>> -> memref<10112x128xf32, #tpu.memory_space<vmem_shared>>
      %dma_wait3A_118 = tpu.memref_slice %arg8[%dma_wait3A_107] : memref<2x!tpu.dma_semaphore, #tpu.memory_space<semaphore_mem>> -> memref<1x!tpu.dma_semaphore, #tpu.memory_space<semaphore_mem>>
      %dma_wait3A_119 = tpu.memref_squeeze %dma_wait3A_118 : memref<1x!tpu.dma_semaphore, #tpu.memory_space<semaphore_mem>> -> memref<!tpu.dma_semaphore, #tpu.memory_space<semaphore_mem>>
      tpu.wait_indirect_dma semaphore(%dma_wait3A_119 : memref<!tpu.dma_semaphore, #tpu.memory_space<semaphore_mem>>) src(%dma_wait3A_111 : memref<128x128xf32, #tpu.memory_space<vmem>>) dst(%dma_wait3A_117 : memref<10112x128xf32, #tpu.memory_space<vmem_shared>>)
      %dma_wait3A_120 = arith.constant 1 : i32
      %dma_wait3A_121 = arith.constant 1 : i32
      %dma_wait3A_122 = arith.constant 1 : i32
      %dma_wait3A_123 = arith.constant 0 : i32
      %dma_wait3A_124 = arith.constant 0 : i32
      %dma_wait3A_125 = tpu.memref_slice %arg7[%dma_wait3A_120, %dma_wait3A_123, %dma_wait3A_124] : memref<2x128x128xf32, #tpu.memory_space<vmem>> -> memref<1x128x128xf32, #tpu.memory_space<vmem>>
      %dma_wait3A_126 = tpu.memref_squeeze %dma_wait3A_125 : memref<1x128x128xf32, #tpu.memory_space<vmem>> -> memref<128x128xf32, #tpu.memory_space<vmem>>
      %dma_wait3A_127 = arith.constant 0 : i32
      %dma_wait3A_128 = tpu.memref_slice %arg6[%dma_wait3A_121, %dma_wait3A_127] : memref<40x128xi32, #tpu.memory_space<vmem>> -> memref<1x128xi32, #tpu.memory_space<vmem>>
      %dma_wait3A_129 = tpu.memref_squeeze %dma_wait3A_128 : memref<1x128xi32, #tpu.memory_space<vmem>> -> memref<128xi32, #tpu.memory_space<vmem>>
      %dma_wait3A_130 = arith.constant 0 : i32
      %dma_wait3A_131 = arith.constant 0 : i32
      %dma_wait3A_132 = tpu.memref_slice %arg9[%dma_wait3A_130, %dma_wait3A_131] : memref<10112x128xf32, #tpu.memory_space<vmem_shared>> -> memref<10112x128xf32, #tpu.memory_space<vmem_shared>>
      %dma_wait3A_133 = tpu.memref_slice %arg8[%dma_wait3A_122] : memref<2x!tpu.dma_semaphore, #tpu.memory_space<semaphore_mem>> -> memref<1x!tpu.dma_semaphore, #tpu.memory_space<semaphore_mem>>
      %dma_wait3A_134 = tpu.memref_squeeze %dma_wait3A_133 : memref<1x!tpu.dma_semaphore, #tpu.memory_space<semaphore_mem>> -> memref<!tpu.dma_semaphore, #tpu.memory_space<semaphore_mem>>
      tpu.wait_indirect_dma semaphore(%dma_wait3A_134 : memref<!tpu.dma_semaphore, #tpu.memory_space<semaphore_mem>>) src(%dma_wait3A_126 : memref<128x128xf32, #tpu.memory_space<vmem>>) dst(%dma_wait3A_132 : memref<10112x128xf32, #tpu.memory_space<vmem_shared>>)
    } else {
    }
    %barrier3A_39 = arith.constant 0 : index
    tpu.barrier barrier_id(%barrier3A_39)
    %mul3A_40 = arith.constant 632 : i32
    %mul3A_41 = arith.muli %arg1, %mul3A_40 : i32
    %add3A_42 = arith.constant 0 : i32
    %add3A_43 = arith.addi %mul3A_41, %add3A_42 : i32
    %run_scoped3A_44 = arith.constant 0 : i32
    "tpu.region"() ({
      %run_scoped3A_90 = tpu.sem_alloc : memref<!tpu.dma_semaphore, #tpu.memory_space<semaphore_mem>>
      %dma_start3A = arith.constant 0 : i32
      %dma_start3A_91 = arith.constant 0 : i32
      %dma_start3A_92 = tpu.memref_slice %arg7[%run_scoped3A_44, %dma_start3A, %dma_start3A_91] : memref<2x128x128xf32, #tpu.memory_space<vmem>> -> memref<1x128x128xf32, #tpu.memory_space<vmem>>
      %dma_start3A_93 = tpu.memref_squeeze %dma_start3A_92 : memref<1x128x128xf32, #tpu.memory_space<vmem>> -> memref<128x128xf32, #tpu.memory_space<vmem>>
      %dma_start3A_94 = arith.constant 0 : i32
      %dma_start3A_95 = tpu.memref_slice %arg9[%add3A_43, %dma_start3A_94] : memref<10112x128xf32, #tpu.memory_space<vmem_shared>> -> memref<128x128xf32, #tpu.memory_space<vmem_shared>>
      %dma_start3A_96 = arith.constant 0 : i32
      %dma_start3A_97 = arith.constant 0 : i32
      %dma_start3A_98 = tpu.memref_slice %arg7[%run_scoped3A_44, %dma_start3A_96, %dma_start3A_97] : memref<2x128x128xf32, #tpu.memory_space<vmem>> -> memref<1x128x128xf32, #tpu.memory_space<vmem>>
      %dma_start3A_99 = tpu.memref_squeeze %dma_start3A_98 : memref<1x128x128xf32, #tpu.memory_space<vmem>> -> memref<128x128xf32, #tpu.memory_space<vmem>>
      %dma_start3A_100 = arith.constant 0 : i32
      %dma_start3A_101 = tpu.memref_slice %arg9[%add3A_43, %dma_start3A_100] : memref<10112x128xf32, #tpu.memory_space<vmem_shared>> -> memref<128x128xf32, #tpu.memory_space<vmem_shared>>
      tpu.enqueue_dma source(%dma_start3A_101 : memref<128x128xf32, #tpu.memory_space<vmem_shared>>) target(%dma_start3A_99 : memref<128x128xf32, #tpu.memory_space<vmem>>) target_semaphore(%run_scoped3A_90 : memref<!tpu.dma_semaphore, #tpu.memory_space<semaphore_mem>>)
      %dma_wait3A = arith.constant 0 : i32
      %dma_wait3A_102 = arith.constant 0 : i32
      %dma_wait3A_103 = tpu.memref_slice %arg7[%run_scoped3A_44, %dma_wait3A, %dma_wait3A_102] : memref<2x128x128xf32, #tpu.memory_space<vmem>> -> memref<1x128x128xf32, #tpu.memory_space<vmem>>
      %dma_wait3A_104 = tpu.memref_squeeze %dma_wait3A_103 : memref<1x128x128xf32, #tpu.memory_space<vmem>> -> memref<128x128xf32, #tpu.memory_space<vmem>>
      %dma_wait3A_105 = arith.constant 0 : i32
      %dma_wait3A_106 = tpu.memref_slice %arg9[%add3A_43, %dma_wait3A_105] : memref<10112x128xf32, #tpu.memory_space<vmem_shared>> -> memref<128x128xf32, #tpu.memory_space<vmem_shared>>
      %dma_wait3A_107 = arith.constant 0 : i32
      %dma_wait3A_108 = arith.constant 0 : i32
      %dma_wait3A_109 = tpu.memref_slice %arg7[%run_scoped3A_44, %dma_wait3A_107, %dma_wait3A_108] : memref<2x128x128xf32, #tpu.memory_space<vmem>> -> memref<1x128x128xf32, #tpu.memory_space<vmem>>
      %dma_wait3A_110 = tpu.memref_squeeze %dma_wait3A_109 : memref<1x128x128xf32, #tpu.memory_space<vmem>> -> memref<128x128xf32, #tpu.memory_space<vmem>>
      %dma_wait3A_111 = arith.constant 0 : i32
      %dma_wait3A_112 = tpu.memref_slice %arg9[%add3A_43, %dma_wait3A_111] : memref<10112x128xf32, #tpu.memory_space<vmem_shared>> -> memref<128x128xf32, #tpu.memory_space<vmem_shared>>
      tpu.wait_dma2 semaphore(%run_scoped3A_90 : memref<!tpu.dma_semaphore, #tpu.memory_space<semaphore_mem>>) src(%dma_wait3A_112 : memref<128x128xf32, #tpu.memory_space<vmem_shared>>) dst(%dma_wait3A_110 : memref<128x128xf32, #tpu.memory_space<vmem>>)
      tpu.yield
    }) : () -> ()
    %mul3A_45 = arith.constant 632 : i32
    %mul3A_46 = arith.muli %arg1, %mul3A_45 : i32
    %add3A_47 = arith.constant 0 : i32
    %add3A_48 = arith.addi %mul3A_46, %add3A_47 : i32
    %run_scoped3A_49 = arith.constant 0 : i32
    "tpu.region"() ({
      %run_scoped3A_90 = tpu.sem_alloc : memref<!tpu.dma_semaphore, #tpu.memory_space<semaphore_mem>>
      %dma_start3A = arith.constant 0 : i32
      %dma_start3A_91 = arith.constant 0 : i32
      %dma_start3A_92 = tpu.memref_slice %arg7[%run_scoped3A_49, %dma_start3A, %dma_start3A_91] : memref<2x128x128xf32, #tpu.memory_space<vmem>> -> memref<1x128x128xf32, #tpu.memory_space<vmem>>
      %dma_start3A_93 = tpu.memref_squeeze %dma_start3A_92 : memref<1x128x128xf32, #tpu.memory_space<vmem>> -> memref<128x128xf32, #tpu.memory_space<vmem>>
      %dma_start3A_94 = arith.constant 0 : i32
      %dma_start3A_95 = tpu.memref_slice %arg4[%arg0, %add3A_48, %dma_start3A_94] : memref<2x10112x128xf32, #tpu.memory_space<hbm>> -> memref<1x128x128xf32, #tpu.memory_space<hbm>>
      %dma_start3A_96 = tpu.memref_squeeze %dma_start3A_95 : memref<1x128x128xf32, #tpu.memory_space<hbm>> -> memref<128x128xf32, #tpu.memory_space<hbm>>
      %dma_start3A_97 = arith.constant 0 : i32
      %dma_start3A_98 = tpu.memref_slice %arg4[%arg0, %add3A_48, %dma_start3A_97] : memref<2x10112x128xf32, #tpu.memory_space<hbm>> -> memref<1x128x128xf32, #tpu.memory_space<hbm>>
      %dma_start3A_99 = tpu.memref_squeeze %dma_start3A_98 : memref<1x128x128xf32, #tpu.memory_space<hbm>> -> memref<128x128xf32, #tpu.memory_space<hbm>>
      %dma_start3A_100 = arith.constant 0 : i32
      %dma_start3A_101 = arith.constant 0 : i32
      %dma_start3A_102 = tpu.memref_slice %arg7[%run_scoped3A_49, %dma_start3A_100, %dma_start3A_101] : memref<2x128x128xf32, #tpu.memory_space<vmem>> -> memref<1x128x128xf32, #tpu.memory_space<vmem>>
      %dma_start3A_103 = tpu.memref_squeeze %dma_start3A_102 : memref<1x128x128xf32, #tpu.memory_space<vmem>> -> memref<128x128xf32, #tpu.memory_space<vmem>>
      tpu.enqueue_dma source(%dma_start3A_103 : memref<128x128xf32, #tpu.memory_space<vmem>>) target(%dma_start3A_99 : memref<128x128xf32, #tpu.memory_space<hbm>>) target_semaphore(%run_scoped3A_90 : memref<!tpu.dma_semaphore, #tpu.memory_space<semaphore_mem>>)
      %dma_wait3A = arith.constant 0 : i32
      %dma_wait3A_104 = arith.constant 0 : i32
      %dma_wait3A_105 = tpu.memref_slice %arg7[%run_scoped3A_49, %dma_wait3A, %dma_wait3A_104] : memref<2x128x128xf32, #tpu.memory_space<vmem>> -> memref<1x128x128xf32, #tpu.memory_space<vmem>>
      %dma_wait3A_106 = tpu.memref_squeeze %dma_wait3A_105 : memref<1x128x128xf32, #tpu.memory_space<vmem>> -> memref<128x128xf32, #tpu.memory_space<vmem>>
      %dma_wait3A_107 = arith.constant 0 : i32
      %dma_wait3A_108 = tpu.memref_slice %arg4[%arg0, %add3A_48, %dma_wait3A_107] : memref<2x10112x128xf32, #tpu.memory_space<hbm>> -> memref<1x128x128xf32, #tpu.memory_space<hbm>>
      %dma_wait3A_109 = tpu.memref_squeeze %dma_wait3A_108 : memref<1x128x128xf32, #tpu.memory_space<hbm>> -> memref<128x128xf32, #tpu.memory_space<hbm>>
      %dma_wait3A_110 = arith.constant 0 : i32
      %dma_wait3A_111 = tpu.memref_slice %arg4[%arg0, %add3A_48, %dma_wait3A_110] : memref<2x10112x128xf32, #tpu.memory_space<hbm>> -> memref<1x128x128xf32, #tpu.memory_space<hbm>>
      %dma_wait3A_112 = tpu.memref_squeeze %dma_wait3A_111 : memref<1x128x128xf32, #tpu.memory_space<hbm>> -> memref<128x128xf32, #tpu.memory_space<hbm>>
      %dma_wait3A_113 = arith.constant 0 : i32
      %dma_wait3A_114 = arith.constant 0 : i32
      %dma_wait3A_115 = tpu.memref_slice %arg7[%run_scoped3A_49, %dma_wait3A_113, %dma_wait3A_114] : memref<2x128x128xf32, #tpu.memory_space<vmem>> -> memref<1x128x128xf32, #tpu.memory_space<vmem>>
      %dma_wait3A_116 = tpu.memref_squeeze %dma_wait3A_115 : memref<1x128x128xf32, #tpu.memory_space<vmem>> -> memref<128x128xf32, #tpu.memory_space<vmem>>
      tpu.wait_dma2 semaphore(%run_scoped3A_90 : memref<!tpu.dma_semaphore, #tpu.memory_space<semaphore_mem>>) src(%dma_wait3A_116 : memref<128x128xf32, #tpu.memory_space<vmem>>) dst(%dma_wait3A_112 : memref<128x128xf32, #tpu.memory_space<hbm>>)
      tpu.yield
    }) : () -> ()
    %mul3A_50 = arith.constant 632 : i32
    %mul3A_51 = arith.muli %arg1, %mul3A_50 : i32
    %add3A_52 = arith.constant 128 : i32
    %add3A_53 = arith.addi %mul3A_51, %add3A_52 : i32
    %run_scoped3A_54 = arith.constant 0 : i32
    "tpu.region"() ({
      %run_scoped3A_90 = tpu.sem_alloc : memref<!tpu.dma_semaphore, #tpu.memory_space<semaphore_mem>>
      %dma_start3A = arith.constant 0 : i32
      %dma_start3A_91 = arith.constant 0 : i32
      %dma_start3A_92 = tpu.memref_slice %arg7[%run_scoped3A_54, %dma_start3A, %dma_start3A_91] : memref<2x128x128xf32, #tpu.memory_space<vmem>> -> memref<1x128x128xf32, #tpu.memory_space<vmem>>
      %dma_start3A_93 = tpu.memref_squeeze %dma_start3A_92 : memref<1x128x128xf32, #tpu.memory_space<vmem>> -> memref<128x128xf32, #tpu.memory_space<vmem>>
      %dma_start3A_94 = arith.constant 0 : i32
      %dma_start3A_95 = tpu.memref_slice %arg9[%add3A_53, %dma_start3A_94] : memref<10112x128xf32, #tpu.memory_space<vmem_shared>> -> memref<128x128xf32, #tpu.memory_space<vmem_shared>>
      %dma_start3A_96 = arith.constant 0 : i32
      %dma_start3A_97 = arith.constant 0 : i32
      %dma_start3A_98 = tpu.memref_slice %arg7[%run_scoped3A_54, %dma_start3A_96, %dma_start3A_97] : memref<2x128x128xf32, #tpu.memory_space<vmem>> -> memref<1x128x128xf32, #tpu.memory_space<vmem>>
      %dma_start3A_99 = tpu.memref_squeeze %dma_start3A_98 : memref<1x128x128xf32, #tpu.memory_space<vmem>> -> memref<128x128xf32, #tpu.memory_space<vmem>>
      %dma_start3A_100 = arith.constant 0 : i32
      %dma_start3A_101 = tpu.memref_slice %arg9[%add3A_53, %dma_start3A_100] : memref<10112x128xf32, #tpu.memory_space<vmem_shared>> -> memref<128x128xf32, #tpu.memory_space<vmem_shared>>
      tpu.enqueue_dma source(%dma_start3A_101 : memref<128x128xf32, #tpu.memory_space<vmem_shared>>) target(%dma_start3A_99 : memref<128x128xf32, #tpu.memory_space<vmem>>) target_semaphore(%run_scoped3A_90 : memref<!tpu.dma_semaphore, #tpu.memory_space<semaphore_mem>>)
      %dma_wait3A = arith.constant 0 : i32
      %dma_wait3A_102 = arith.constant 0 : i32
      %dma_wait3A_103 = tpu.memref_slice %arg7[%run_scoped3A_54, %dma_wait3A, %dma_wait3A_102] : memref<2x128x128xf32, #tpu.memory_space<vmem>> -> memref<1x128x128xf32, #tpu.memory_space<vmem>>
      %dma_wait3A_104 = tpu.memref_squeeze %dma_wait3A_103 : memref<1x128x128xf32, #tpu.memory_space<vmem>> -> memref<128x128xf32, #tpu.memory_space<vmem>>
      %dma_wait3A_105 = arith.constant 0 : i32
      %dma_wait3A_106 = tpu.memref_slice %arg9[%add3A_53, %dma_wait3A_105] : memref<10112x128xf32, #tpu.memory_space<vmem_shared>> -> memref<128x128xf32, #tpu.memory_space<vmem_shared>>
      %dma_wait3A_107 = arith.constant 0 : i32
      %dma_wait3A_108 = arith.constant 0 : i32
      %dma_wait3A_109 = tpu.memref_slice %arg7[%run_scoped3A_54, %dma_wait3A_107, %dma_wait3A_108] : memref<2x128x128xf32, #tpu.memory_space<vmem>> -> memref<1x128x128xf32, #tpu.memory_space<vmem>>
      %dma_wait3A_110 = tpu.memref_squeeze %dma_wait3A_109 : memref<1x128x128xf32, #tpu.memory_space<vmem>> -> memref<128x128xf32, #tpu.memory_space<vmem>>
      %dma_wait3A_111 = arith.constant 0 : i32
      %dma_wait3A_112 = tpu.memref_slice %arg9[%add3A_53, %dma_wait3A_111] : memref<10112x128xf32, #tpu.memory_space<vmem_shared>> -> memref<128x128xf32, #tpu.memory_space<vmem_shared>>
      tpu.wait_dma2 semaphore(%run_scoped3A_90 : memref<!tpu.dma_semaphore, #tpu.memory_space<semaphore_mem>>) src(%dma_wait3A_112 : memref<128x128xf32, #tpu.memory_space<vmem_shared>>) dst(%dma_wait3A_110 : memref<128x128xf32, #tpu.memory_space<vmem>>)
      tpu.yield
    }) : () -> ()
    %mul3A_55 = arith.constant 632 : i32
    %mul3A_56 = arith.muli %arg1, %mul3A_55 : i32
    %add3A_57 = arith.constant 128 : i32
    %add3A_58 = arith.addi %mul3A_56, %add3A_57 : i32
    %run_scoped3A_59 = arith.constant 0 : i32
    "tpu.region"() ({
      %run_scoped3A_90 = tpu.sem_alloc : memref<!tpu.dma_semaphore, #tpu.memory_space<semaphore_mem>>
      %dma_start3A = arith.constant 0 : i32
      %dma_start3A_91 = arith.constant 0 : i32
      %dma_start3A_92 = tpu.memref_slice %arg7[%run_scoped3A_59, %dma_start3A, %dma_start3A_91] : memref<2x128x128xf32, #tpu.memory_space<vmem>> -> memref<1x128x128xf32, #tpu.memory_space<vmem>>
      %dma_start3A_93 = tpu.memref_squeeze %dma_start3A_92 : memref<1x128x128xf32, #tpu.memory_space<vmem>> -> memref<128x128xf32, #tpu.memory_space<vmem>>
      %dma_start3A_94 = arith.constant 0 : i32
      %dma_start3A_95 = tpu.memref_slice %arg4[%arg0, %add3A_58, %dma_start3A_94] : memref<2x10112x128xf32, #tpu.memory_space<hbm>> -> memref<1x128x128xf32, #tpu.memory_space<hbm>>
      %dma_start3A_96 = tpu.memref_squeeze %dma_start3A_95 : memref<1x128x128xf32, #tpu.memory_space<hbm>> -> memref<128x128xf32, #tpu.memory_space<hbm>>
      %dma_start3A_97 = arith.constant 0 : i32
      %dma_start3A_98 = tpu.memref_slice %arg4[%arg0, %add3A_58, %dma_start3A_97] : memref<2x10112x128xf32, #tpu.memory_space<hbm>> -> memref<1x128x128xf32, #tpu.memory_space<hbm>>
      %dma_start3A_99 = tpu.memref_squeeze %dma_start3A_98 : memref<1x128x128xf32, #tpu.memory_space<hbm>> -> memref<128x128xf32, #tpu.memory_space<hbm>>
      %dma_start3A_100 = arith.constant 0 : i32
      %dma_start3A_101 = arith.constant 0 : i32
      %dma_start3A_102 = tpu.memref_slice %arg7[%run_scoped3A_59, %dma_start3A_100, %dma_start3A_101] : memref<2x128x128xf32, #tpu.memory_space<vmem>> -> memref<1x128x128xf32, #tpu.memory_space<vmem>>
      %dma_start3A_103 = tpu.memref_squeeze %dma_start3A_102 : memref<1x128x128xf32, #tpu.memory_space<vmem>> -> memref<128x128xf32, #tpu.memory_space<vmem>>
      tpu.enqueue_dma source(%dma_start3A_103 : memref<128x128xf32, #tpu.memory_space<vmem>>) target(%dma_start3A_99 : memref<128x128xf32, #tpu.memory_space<hbm>>) target_semaphore(%run_scoped3A_90 : memref<!tpu.dma_semaphore, #tpu.memory_space<semaphore_mem>>)
      %dma_wait3A = arith.constant 0 : i32
      %dma_wait3A_104 = arith.constant 0 : i32
      %dma_wait3A_105 = tpu.memref_slice %arg7[%run_scoped3A_59, %dma_wait3A, %dma_wait3A_104] : memref<2x128x128xf32, #tpu.memory_space<vmem>> -> memref<1x128x128xf32, #tpu.memory_space<vmem>>
      %dma_wait3A_106 = tpu.memref_squeeze %dma_wait3A_105 : memref<1x128x128xf32, #tpu.memory_space<vmem>> -> memref<128x128xf32, #tpu.memory_space<vmem>>
      %dma_wait3A_107 = arith.constant 0 : i32
      %dma_wait3A_108 = tpu.memref_slice %arg4[%arg0, %add3A_58, %dma_wait3A_107] : memref<2x10112x128xf32, #tpu.memory_space<hbm>> -> memref<1x128x128xf32, #tpu.memory_space<hbm>>
      %dma_wait3A_109 = tpu.memref_squeeze %dma_wait3A_108 : memref<1x128x128xf32, #tpu.memory_space<hbm>> -> memref<128x128xf32, #tpu.memory_space<hbm>>
      %dma_wait3A_110 = arith.constant 0 : i32
      %dma_wait3A_111 = tpu.memref_slice %arg4[%arg0, %add3A_58, %dma_wait3A_110] : memref<2x10112x128xf32, #tpu.memory_space<hbm>> -> memref<1x128x128xf32, #tpu.memory_space<hbm>>
      %dma_wait3A_112 = tpu.memref_squeeze %dma_wait3A_111 : memref<1x128x128xf32, #tpu.memory_space<hbm>> -> memref<128x128xf32, #tpu.memory_space<hbm>>
      %dma_wait3A_113 = arith.constant 0 : i32
      %dma_wait3A_114 = arith.constant 0 : i32
      %dma_wait3A_115 = tpu.memref_slice %arg7[%run_scoped3A_59, %dma_wait3A_113, %dma_wait3A_114] : memref<2x128x128xf32, #tpu.memory_space<vmem>> -> memref<1x128x128xf32, #tpu.memory_space<vmem>>
      %dma_wait3A_116 = tpu.memref_squeeze %dma_wait3A_115 : memref<1x128x128xf32, #tpu.memory_space<vmem>> -> memref<128x128xf32, #tpu.memory_space<vmem>>
      tpu.wait_dma2 semaphore(%run_scoped3A_90 : memref<!tpu.dma_semaphore, #tpu.memory_space<semaphore_mem>>) src(%dma_wait3A_116 : memref<128x128xf32, #tpu.memory_space<vmem>>) dst(%dma_wait3A_112 : memref<128x128xf32, #tpu.memory_space<hbm>>)
      tpu.yield
    }) : () -> ()
    %mul3A_60 = arith.constant 632 : i32
    %mul3A_61 = arith.muli %arg1, %mul3A_60 : i32
    %add3A_62 = arith.constant 256 : i32
    %add3A_63 = arith.addi %mul3A_61, %add3A_62 : i32
    %run_scoped3A_64 = arith.constant 0 : i32
    "tpu.region"() ({
      %run_scoped3A_90 = tpu.sem_alloc : memref<!tpu.dma_semaphore, #tpu.memory_space<semaphore_mem>>
      %dma_start3A = arith.constant 0 : i32
      %dma_start3A_91 = arith.constant 0 : i32
      %dma_start3A_92 = tpu.memref_slice %arg7[%run_scoped3A_64, %dma_start3A, %dma_start3A_91] : memref<2x128x128xf32, #tpu.memory_space<vmem>> -> memref<1x128x128xf32, #tpu.memory_space<vmem>>
      %dma_start3A_93 = tpu.memref_squeeze %dma_start3A_92 : memref<1x128x128xf32, #tpu.memory_space<vmem>> -> memref<128x128xf32, #tpu.memory_space<vmem>>
      %dma_start3A_94 = arith.constant 0 : i32
      %dma_start3A_95 = tpu.memref_slice %arg9[%add3A_63, %dma_start3A_94] : memref<10112x128xf32, #tpu.memory_space<vmem_shared>> -> memref<128x128xf32, #tpu.memory_space<vmem_shared>>
      %dma_start3A_96 = arith.constant 0 : i32
      %dma_start3A_97 = arith.constant 0 : i32
      %dma_start3A_98 = tpu.memref_slice %arg7[%run_scoped3A_64, %dma_start3A_96, %dma_start3A_97] : memref<2x128x128xf32, #tpu.memory_space<vmem>> -> memref<1x128x128xf32, #tpu.memory_space<vmem>>
      %dma_start3A_99 = tpu.memref_squeeze %dma_start3A_98 : memref<1x128x128xf32, #tpu.memory_space<vmem>> -> memref<128x128xf32, #tpu.memory_space<vmem>>
      %dma_start3A_100 = arith.constant 0 : i32
      %dma_start3A_101 = tpu.memref_slice %arg9[%add3A_63, %dma_start3A_100] : memref<10112x128xf32, #tpu.memory_space<vmem_shared>> -> memref<128x128xf32, #tpu.memory_space<vmem_shared>>
      tpu.enqueue_dma source(%dma_start3A_101 : memref<128x128xf32, #tpu.memory_space<vmem_shared>>) target(%dma_start3A_99 : memref<128x128xf32, #tpu.memory_space<vmem>>) target_semaphore(%run_scoped3A_90 : memref<!tpu.dma_semaphore, #tpu.memory_space<semaphore_mem>>)
      %dma_wait3A = arith.constant 0 : i32
      %dma_wait3A_102 = arith.constant 0 : i32
      %dma_wait3A_103 = tpu.memref_slice %arg7[%run_scoped3A_64, %dma_wait3A, %dma_wait3A_102] : memref<2x128x128xf32, #tpu.memory_space<vmem>> -> memref<1x128x128xf32, #tpu.memory_space<vmem>>
      %dma_wait3A_104 = tpu.memref_squeeze %dma_wait3A_103 : memref<1x128x128xf32, #tpu.memory_space<vmem>> -> memref<128x128xf32, #tpu.memory_space<vmem>>
      %dma_wait3A_105 = arith.constant 0 : i32
      %dma_wait3A_106 = tpu.memref_slice %arg9[%add3A_63, %dma_wait3A_105] : memref<10112x128xf32, #tpu.memory_space<vmem_shared>> -> memref<128x128xf32, #tpu.memory_space<vmem_shared>>
      %dma_wait3A_107 = arith.constant 0 : i32
      %dma_wait3A_108 = arith.constant 0 : i32
      %dma_wait3A_109 = tpu.memref_slice %arg7[%run_scoped3A_64, %dma_wait3A_107, %dma_wait3A_108] : memref<2x128x128xf32, #tpu.memory_space<vmem>> -> memref<1x128x128xf32, #tpu.memory_space<vmem>>
      %dma_wait3A_110 = tpu.memref_squeeze %dma_wait3A_109 : memref<1x128x128xf32, #tpu.memory_space<vmem>> -> memref<128x128xf32, #tpu.memory_space<vmem>>
      %dma_wait3A_111 = arith.constant 0 : i32
      %dma_wait3A_112 = tpu.memref_slice %arg9[%add3A_63, %dma_wait3A_111] : memref<10112x128xf32, #tpu.memory_space<vmem_shared>> -> memref<128x128xf32, #tpu.memory_space<vmem_shared>>
      tpu.wait_dma2 semaphore(%run_scoped3A_90 : memref<!tpu.dma_semaphore, #tpu.memory_space<semaphore_mem>>) src(%dma_wait3A_112 : memref<128x128xf32, #tpu.memory_space<vmem_shared>>) dst(%dma_wait3A_110 : memref<128x128xf32, #tpu.memory_space<vmem>>)
      tpu.yield
    }) : () -> ()
    %mul3A_65 = arith.constant 632 : i32
    %mul3A_66 = arith.muli %arg1, %mul3A_65 : i32
    %add3A_67 = arith.constant 256 : i32
    %add3A_68 = arith.addi %mul3A_66, %add3A_67 : i32
    %run_scoped3A_69 = arith.constant 0 : i32
    "tpu.region"() ({
      %run_scoped3A_90 = tpu.sem_alloc : memref<!tpu.dma_semaphore, #tpu.memory_space<semaphore_mem>>
      %dma_start3A = arith.constant 0 : i32
      %dma_start3A_91 = arith.constant 0 : i32
      %dma_start3A_92 = tpu.memref_slice %arg7[%run_scoped3A_69, %dma_start3A, %dma_start3A_91] : memref<2x128x128xf32, #tpu.memory_space<vmem>> -> memref<1x128x128xf32, #tpu.memory_space<vmem>>
      %dma_start3A_93 = tpu.memref_squeeze %dma_start3A_92 : memref<1x128x128xf32, #tpu.memory_space<vmem>> -> memref<128x128xf32, #tpu.memory_space<vmem>>
      %dma_start3A_94 = arith.constant 0 : i32
      %dma_start3A_95 = tpu.memref_slice %arg4[%arg0, %add3A_68, %dma_start3A_94] : memref<2x10112x128xf32, #tpu.memory_space<hbm>> -> memref<1x128x128xf32, #tpu.memory_space<hbm>>
      %dma_start3A_96 = tpu.memref_squeeze %dma_start3A_95 : memref<1x128x128xf32, #tpu.memory_space<hbm>> -> memref<128x128xf32, #tpu.memory_space<hbm>>
      %dma_start3A_97 = arith.constant 0 : i32
      %dma_start3A_98 = tpu.memref_slice %arg4[%arg0, %add3A_68, %dma_start3A_97] : memref<2x10112x128xf32, #tpu.memory_space<hbm>> -> memref<1x128x128xf32, #tpu.memory_space<hbm>>
      %dma_start3A_99 = tpu.memref_squeeze %dma_start3A_98 : memref<1x128x128xf32, #tpu.memory_space<hbm>> -> memref<128x128xf32, #tpu.memory_space<hbm>>
      %dma_start3A_100 = arith.constant 0 : i32
      %dma_start3A_101 = arith.constant 0 : i32
      %dma_start3A_102 = tpu.memref_slice %arg7[%run_scoped3A_69, %dma_start3A_100, %dma_start3A_101] : memref<2x128x128xf32, #tpu.memory_space<vmem>> -> memref<1x128x128xf32, #tpu.memory_space<vmem>>
      %dma_start3A_103 = tpu.memref_squeeze %dma_start3A_102 : memref<1x128x128xf32, #tpu.memory_space<vmem>> -> memref<128x128xf32, #tpu.memory_space<vmem>>
      tpu.enqueue_dma source(%dma_start3A_103 : memref<128x128xf32, #tpu.memory_space<vmem>>) target(%dma_start3A_99 : memref<128x128xf32, #tpu.memory_space<hbm>>) target_semaphore(%run_scoped3A_90 : memref<!tpu.dma_semaphore, #tpu.memory_space<semaphore_mem>>)
      %dma_wait3A = arith.constant 0 : i32
      %dma_wait3A_104 = arith.constant 0 : i32
      %dma_wait3A_105 = tpu.memref_slice %arg7[%run_scoped3A_69, %dma_wait3A, %dma_wait3A_104] : memref<2x128x128xf32, #tpu.memory_space<vmem>> -> memref<1x128x128xf32, #tpu.memory_space<vmem>>
      %dma_wait3A_106 = tpu.memref_squeeze %dma_wait3A_105 : memref<1x128x128xf32, #tpu.memory_space<vmem>> -> memref<128x128xf32, #tpu.memory_space<vmem>>
      %dma_wait3A_107 = arith.constant 0 : i32
      %dma_wait3A_108 = tpu.memref_slice %arg4[%arg0, %add3A_68, %dma_wait3A_107] : memref<2x10112x128xf32, #tpu.memory_space<hbm>> -> memref<1x128x128xf32, #tpu.memory_space<hbm>>
      %dma_wait3A_109 = tpu.memref_squeeze %dma_wait3A_108 : memref<1x128x128xf32, #tpu.memory_space<hbm>> -> memref<128x128xf32, #tpu.memory_space<hbm>>
      %dma_wait3A_110 = arith.constant 0 : i32
      %dma_wait3A_111 = tpu.memref_slice %arg4[%arg0, %add3A_68, %dma_wait3A_110] : memref<2x10112x128xf32, #tpu.memory_space<hbm>> -> memref<1x128x128xf32, #tpu.memory_space<hbm>>
      %dma_wait3A_112 = tpu.memref_squeeze %dma_wait3A_111 : memref<1x128x128xf32, #tpu.memory_space<hbm>> -> memref<128x128xf32, #tpu.memory_space<hbm>>
      %dma_wait3A_113 = arith.constant 0 : i32
      %dma_wait3A_114 = arith.constant 0 : i32
      %dma_wait3A_115 = tpu.memref_slice %arg7[%run_scoped3A_69, %dma_wait3A_113, %dma_wait3A_114] : memref<2x128x128xf32, #tpu.memory_space<vmem>> -> memref<1x128x128xf32, #tpu.memory_space<vmem>>
      %dma_wait3A_116 = tpu.memref_squeeze %dma_wait3A_115 : memref<1x128x128xf32, #tpu.memory_space<vmem>> -> memref<128x128xf32, #tpu.memory_space<vmem>>
      tpu.wait_dma2 semaphore(%run_scoped3A_90 : memref<!tpu.dma_semaphore, #tpu.memory_space<semaphore_mem>>) src(%dma_wait3A_116 : memref<128x128xf32, #tpu.memory_space<vmem>>) dst(%dma_wait3A_112 : memref<128x128xf32, #tpu.memory_space<hbm>>)
      tpu.yield
    }) : () -> ()
    %mul3A_70 = arith.constant 632 : i32
    %mul3A_71 = arith.muli %arg1, %mul3A_70 : i32
    %add3A_72 = arith.constant 384 : i32
    %add3A_73 = arith.addi %mul3A_71, %add3A_72 : i32
    %run_scoped3A_74 = arith.constant 0 : i32
    "tpu.region"() ({
      %run_scoped3A_90 = tpu.sem_alloc : memref<!tpu.dma_semaphore, #tpu.memory_space<semaphore_mem>>
      %dma_start3A = arith.constant 0 : i32
      %dma_start3A_91 = arith.constant 0 : i32
      %dma_start3A_92 = tpu.memref_slice %arg7[%run_scoped3A_74, %dma_start3A, %dma_start3A_91] : memref<2x128x128xf32, #tpu.memory_space<vmem>> -> memref<1x128x128xf32, #tpu.memory_space<vmem>>
      %dma_start3A_93 = tpu.memref_squeeze %dma_start3A_92 : memref<1x128x128xf32, #tpu.memory_space<vmem>> -> memref<128x128xf32, #tpu.memory_space<vmem>>
      %dma_start3A_94 = arith.constant 0 : i32
      %dma_start3A_95 = tpu.memref_slice %arg9[%add3A_73, %dma_start3A_94] : memref<10112x128xf32, #tpu.memory_space<vmem_shared>> -> memref<128x128xf32, #tpu.memory_space<vmem_shared>>
      %dma_start3A_96 = arith.constant 0 : i32
      %dma_start3A_97 = arith.constant 0 : i32
      %dma_start3A_98 = tpu.memref_slice %arg7[%run_scoped3A_74, %dma_start3A_96, %dma_start3A_97] : memref<2x128x128xf32, #tpu.memory_space<vmem>> -> memref<1x128x128xf32, #tpu.memory_space<vmem>>
      %dma_start3A_99 = tpu.memref_squeeze %dma_start3A_98 : memref<1x128x128xf32, #tpu.memory_space<vmem>> -> memref<128x128xf32, #tpu.memory_space<vmem>>
      %dma_start3A_100 = arith.constant 0 : i32
      %dma_start3A_101 = tpu.memref_slice %arg9[%add3A_73, %dma_start3A_100] : memref<10112x128xf32, #tpu.memory_space<vmem_shared>> -> memref<128x128xf32, #tpu.memory_space<vmem_shared>>
      tpu.enqueue_dma source(%dma_start3A_101 : memref<128x128xf32, #tpu.memory_space<vmem_shared>>) target(%dma_start3A_99 : memref<128x128xf32, #tpu.memory_space<vmem>>) target_semaphore(%run_scoped3A_90 : memref<!tpu.dma_semaphore, #tpu.memory_space<semaphore_mem>>)
      %dma_wait3A = arith.constant 0 : i32
      %dma_wait3A_102 = arith.constant 0 : i32
      %dma_wait3A_103 = tpu.memref_slice %arg7[%run_scoped3A_74, %dma_wait3A, %dma_wait3A_102] : memref<2x128x128xf32, #tpu.memory_space<vmem>> -> memref<1x128x128xf32, #tpu.memory_space<vmem>>
      %dma_wait3A_104 = tpu.memref_squeeze %dma_wait3A_103 : memref<1x128x128xf32, #tpu.memory_space<vmem>> -> memref<128x128xf32, #tpu.memory_space<vmem>>
      %dma_wait3A_105 = arith.constant 0 : i32
      %dma_wait3A_106 = tpu.memref_slice %arg9[%add3A_73, %dma_wait3A_105] : memref<10112x128xf32, #tpu.memory_space<vmem_shared>> -> memref<128x128xf32, #tpu.memory_space<vmem_shared>>
      %dma_wait3A_107 = arith.constant 0 : i32
      %dma_wait3A_108 = arith.constant 0 : i32
      %dma_wait3A_109 = tpu.memref_slice %arg7[%run_scoped3A_74, %dma_wait3A_107, %dma_wait3A_108] : memref<2x128x128xf32, #tpu.memory_space<vmem>> -> memref<1x128x128xf32, #tpu.memory_space<vmem>>
      %dma_wait3A_110 = tpu.memref_squeeze %dma_wait3A_109 : memref<1x128x128xf32, #tpu.memory_space<vmem>> -> memref<128x128xf32, #tpu.memory_space<vmem>>
      %dma_wait3A_111 = arith.constant 0 : i32
      %dma_wait3A_112 = tpu.memref_slice %arg9[%add3A_73, %dma_wait3A_111] : memref<10112x128xf32, #tpu.memory_space<vmem_shared>> -> memref<128x128xf32, #tpu.memory_space<vmem_shared>>
      tpu.wait_dma2 semaphore(%run_scoped3A_90 : memref<!tpu.dma_semaphore, #tpu.memory_space<semaphore_mem>>) src(%dma_wait3A_112 : memref<128x128xf32, #tpu.memory_space<vmem_shared>>) dst(%dma_wait3A_110 : memref<128x128xf32, #tpu.memory_space<vmem>>)
      tpu.yield
    }) : () -> ()
    %mul3A_75 = arith.constant 632 : i32
    %mul3A_76 = arith.muli %arg1, %mul3A_75 : i32
    %add3A_77 = arith.constant 384 : i32
    %add3A_78 = arith.addi %mul3A_76, %add3A_77 : i32
    %run_scoped3A_79 = arith.constant 0 : i32
    "tpu.region"() ({
      %run_scoped3A_90 = tpu.sem_alloc : memref<!tpu.dma_semaphore, #tpu.memory_space<semaphore_mem>>
      %dma_start3A = arith.constant 0 : i32
      %dma_start3A_91 = arith.constant 0 : i32
      %dma_start3A_92 = tpu.memref_slice %arg7[%run_scoped3A_79, %dma_start3A, %dma_start3A_91] : memref<2x128x128xf32, #tpu.memory_space<vmem>> -> memref<1x128x128xf32, #tpu.memory_space<vmem>>
      %dma_start3A_93 = tpu.memref_squeeze %dma_start3A_92 : memref<1x128x128xf32, #tpu.memory_space<vmem>> -> memref<128x128xf32, #tpu.memory_space<vmem>>
      %dma_start3A_94 = arith.constant 0 : i32
      %dma_start3A_95 = tpu.memref_slice %arg4[%arg0, %add3A_78, %dma_start3A_94] : memref<2x10112x128xf32, #tpu.memory_space<hbm>> -> memref<1x128x128xf32, #tpu.memory_space<hbm>>
      %dma_start3A_96 = tpu.memref_squeeze %dma_start3A_95 : memref<1x128x128xf32, #tpu.memory_space<hbm>> -> memref<128x128xf32, #tpu.memory_space<hbm>>
      %dma_start3A_97 = arith.constant 0 : i32
      %dma_start3A_98 = tpu.memref_slice %arg4[%arg0, %add3A_78, %dma_start3A_97] : memref<2x10112x128xf32, #tpu.memory_space<hbm>> -> memref<1x128x128xf32, #tpu.memory_space<hbm>>
      %dma_start3A_99 = tpu.memref_squeeze %dma_start3A_98 : memref<1x128x128xf32, #tpu.memory_space<hbm>> -> memref<128x128xf32, #tpu.memory_space<hbm>>
      %dma_start3A_100 = arith.constant 0 : i32
      %dma_start3A_101 = arith.constant 0 : i32
      %dma_start3A_102 = tpu.memref_slice %arg7[%run_scoped3A_79, %dma_start3A_100, %dma_start3A_101] : memref<2x128x128xf32, #tpu.memory_space<vmem>> -> memref<1x128x128xf32, #tpu.memory_space<vmem>>
      %dma_start3A_103 = tpu.memref_squeeze %dma_start3A_102 : memref<1x128x128xf32, #tpu.memory_space<vmem>> -> memref<128x128xf32, #tpu.memory_space<vmem>>
      tpu.enqueue_dma source(%dma_start3A_103 : memref<128x128xf32, #tpu.memory_space<vmem>>) target(%dma_start3A_99 : memref<128x128xf32, #tpu.memory_space<hbm>>) target_semaphore(%run_scoped3A_90 : memref<!tpu.dma_semaphore, #tpu.memory_space<semaphore_mem>>)
      %dma_wait3A = arith.constant 0 : i32
      %dma_wait3A_104 = arith.constant 0 : i32
      %dma_wait3A_105 = tpu.memref_slice %arg7[%run_scoped3A_79, %dma_wait3A, %dma_wait3A_104] : memref<2x128x128xf32, #tpu.memory_space<vmem>> -> memref<1x128x128xf32, #tpu.memory_space<vmem>>
      %dma_wait3A_106 = tpu.memref_squeeze %dma_wait3A_105 : memref<1x128x128xf32, #tpu.memory_space<vmem>> -> memref<128x128xf32, #tpu.memory_space<vmem>>
      %dma_wait3A_107 = arith.constant 0 : i32
      %dma_wait3A_108 = tpu.memref_slice %arg4[%arg0, %add3A_78, %dma_wait3A_107] : memref<2x10112x128xf32, #tpu.memory_space<hbm>> -> memref<1x128x128xf32, #tpu.memory_space<hbm>>
      %dma_wait3A_109 = tpu.memref_squeeze %dma_wait3A_108 : memref<1x128x128xf32, #tpu.memory_space<hbm>> -> memref<128x128xf32, #tpu.memory_space<hbm>>
      %dma_wait3A_110 = arith.constant 0 : i32
      %dma_wait3A_111 = tpu.memref_slice %arg4[%arg0, %add3A_78, %dma_wait3A_110] : memref<2x10112x128xf32, #tpu.memory_space<hbm>> -> memref<1x128x128xf32, #tpu.memory_space<hbm>>
      %dma_wait3A_112 = tpu.memref_squeeze %dma_wait3A_111 : memref<1x128x128xf32, #tpu.memory_space<hbm>> -> memref<128x128xf32, #tpu.memory_space<hbm>>
      %dma_wait3A_113 = arith.constant 0 : i32
      %dma_wait3A_114 = arith.constant 0 : i32
      %dma_wait3A_115 = tpu.memref_slice %arg7[%run_scoped3A_79, %dma_wait3A_113, %dma_wait3A_114] : memref<2x128x128xf32, #tpu.memory_space<vmem>> -> memref<1x128x128xf32, #tpu.memory_space<vmem>>
      %dma_wait3A_116 = tpu.memref_squeeze %dma_wait3A_115 : memref<1x128x128xf32, #tpu.memory_space<vmem>> -> memref<128x128xf32, #tpu.memory_space<vmem>>
      tpu.wait_dma2 semaphore(%run_scoped3A_90 : memref<!tpu.dma_semaphore, #tpu.memory_space<semaphore_mem>>) src(%dma_wait3A_116 : memref<128x128xf32, #tpu.memory_space<vmem>>) dst(%dma_wait3A_112 : memref<128x128xf32, #tpu.memory_space<hbm>>)
      tpu.yield
    }) : () -> ()
    %mul3A_80 = arith.constant 632 : i32
    %mul3A_81 = arith.muli %arg1, %mul3A_80 : i32
    %add3A_82 = arith.constant 512 : i32
    %add3A_83 = arith.addi %mul3A_81, %add3A_82 : i32
    %run_scoped3A_84 = arith.constant 0 : i32
    "tpu.region"() ({
      %run_scoped3A_90 = tpu.sem_alloc : memref<!tpu.dma_semaphore, #tpu.memory_space<semaphore_mem>>
      %dma_start3A = arith.constant 0 : i32
      %dma_start3A_91 = arith.constant 0 : i32
      %dma_start3A_92 = tpu.memref_slice %arg7[%run_scoped3A_84, %dma_start3A, %dma_start3A_91] : memref<2x128x128xf32, #tpu.memory_space<vmem>> -> memref<1x120x128xf32, #tpu.memory_space<vmem>>
      %dma_start3A_93 = tpu.memref_squeeze %dma_start3A_92 : memref<1x120x128xf32, #tpu.memory_space<vmem>> -> memref<120x128xf32, #tpu.memory_space<vmem>>
      %dma_start3A_94 = arith.constant 0 : i32
      %dma_start3A_95 = tpu.memref_slice %arg9[%add3A_83, %dma_start3A_94] : memref<10112x128xf32, #tpu.memory_space<vmem_shared>> -> memref<120x128xf32, #tpu.memory_space<vmem_shared>>
      %dma_start3A_96 = arith.constant 0 : i32
      %dma_start3A_97 = arith.constant 0 : i32
      %dma_start3A_98 = tpu.memref_slice %arg7[%run_scoped3A_84, %dma_start3A_96, %dma_start3A_97] : memref<2x128x128xf32, #tpu.memory_space<vmem>> -> memref<1x120x128xf32, #tpu.memory_space<vmem>>
      %dma_start3A_99 = tpu.memref_squeeze %dma_start3A_98 : memref<1x120x128xf32, #tpu.memory_space<vmem>> -> memref<120x128xf32, #tpu.memory_space<vmem>>
      %dma_start3A_100 = arith.constant 0 : i32
      %dma_start3A_101 = tpu.memref_slice %arg9[%add3A_83, %dma_start3A_100] : memref<10112x128xf32, #tpu.memory_space<vmem_shared>> -> memref<120x128xf32, #tpu.memory_space<vmem_shared>>
      tpu.enqueue_dma source(%dma_start3A_101 : memref<120x128xf32, #tpu.memory_space<vmem_shared>>) target(%dma_start3A_99 : memref<120x128xf32, #tpu.memory_space<vmem>>) target_semaphore(%run_scoped3A_90 : memref<!tpu.dma_semaphore, #tpu.memory_space<semaphore_mem>>)
      %dma_wait3A = arith.constant 0 : i32
      %dma_wait3A_102 = arith.constant 0 : i32
      %dma_wait3A_103 = tpu.memref_slice %arg7[%run_scoped3A_84, %dma_wait3A, %dma_wait3A_102] : memref<2x128x128xf32, #tpu.memory_space<vmem>> -> memref<1x120x128xf32, #tpu.memory_space<vmem>>
      %dma_wait3A_104 = tpu.memref_squeeze %dma_wait3A_103 : memref<1x120x128xf32, #tpu.memory_space<vmem>> -> memref<120x128xf32, #tpu.memory_space<vmem>>
      %dma_wait3A_105 = arith.constant 0 : i32
      %dma_wait3A_106 = tpu.memref_slice %arg9[%add3A_83, %dma_wait3A_105] : memref<10112x128xf32, #tpu.memory_space<vmem_shared>> -> memref<120x128xf32, #tpu.memory_space<vmem_shared>>
      %dma_wait3A_107 = arith.constant 0 : i32
      %dma_wait3A_108 = arith.constant 0 : i32
      %dma_wait3A_109 = tpu.memref_slice %arg7[%run_scoped3A_84, %dma_wait3A_107, %dma_wait3A_108] : memref<2x128x128xf32, #tpu.memory_space<vmem>> -> memref<1x120x128xf32, #tpu.memory_space<vmem>>
      %dma_wait3A_110 = tpu.memref_squeeze %dma_wait3A_109 : memref<1x120x128xf32, #tpu.memory_space<vmem>> -> memref<120x128xf32, #tpu.memory_space<vmem>>
      %dma_wait3A_111 = arith.constant 0 : i32
      %dma_wait3A_112 = tpu.memref_slice %arg9[%add3A_83, %dma_wait3A_111] : memref<10112x128xf32, #tpu.memory_space<vmem_shared>> -> memref<120x128xf32, #tpu.memory_space<vmem_shared>>
      tpu.wait_dma2 semaphore(%run_scoped3A_90 : memref<!tpu.dma_semaphore, #tpu.memory_space<semaphore_mem>>) src(%dma_wait3A_112 : memref<120x128xf32, #tpu.memory_space<vmem_shared>>) dst(%dma_wait3A_110 : memref<120x128xf32, #tpu.memory_space<vmem>>)
      tpu.yield
    }) : () -> ()
    %mul3A_85 = arith.constant 632 : i32
    %mul3A_86 = arith.muli %arg1, %mul3A_85 : i32
    %add3A_87 = arith.constant 512 : i32
    %add3A_88 = arith.addi %mul3A_86, %add3A_87 : i32
    %run_scoped3A_89 = arith.constant 0 : i32
    "tpu.region"() ({
      %run_scoped3A_90 = tpu.sem_alloc : memref<!tpu.dma_semaphore, #tpu.memory_space<semaphore_mem>>
      %dma_start3A = arith.constant 0 : i32
      %dma_start3A_91 = arith.constant 0 : i32
      %dma_start3A_92 = tpu.memref_slice %arg7[%run_scoped3A_89, %dma_start3A, %dma_start3A_91] : memref<2x128x128xf32, #tpu.memory_space<vmem>> -> memref<1x120x128xf32, #tpu.memory_space<vmem>>
      %dma_start3A_93 = tpu.memref_squeeze %dma_start3A_92 : memref<1x120x128xf32, #tpu.memory_space<vmem>> -> memref<120x128xf32, #tpu.memory_space<vmem>>
      %dma_start3A_94 = arith.constant 0 : i32
      %dma_start3A_95 = tpu.memref_slice %arg4[%arg0, %add3A_88, %dma_start3A_94] : memref<2x10112x128xf32, #tpu.memory_space<hbm>> -> memref<1x120x128xf32, #tpu.memory_space<hbm>>
      %dma_start3A_96 = tpu.memref_squeeze %dma_start3A_95 : memref<1x120x128xf32, #tpu.memory_space<hbm>> -> memref<120x128xf32, #tpu.memory_space<hbm>>
      %dma_start3A_97 = arith.constant 0 : i32
      %dma_start3A_98 = tpu.memref_slice %arg4[%arg0, %add3A_88, %dma_start3A_97] : memref<2x10112x128xf32, #tpu.memory_space<hbm>> -> memref<1x120x128xf32, #tpu.memory_space<hbm>>
      %dma_start3A_99 = tpu.memref_squeeze %dma_start3A_98 : memref<1x120x128xf32, #tpu.memory_space<hbm>> -> memref<120x128xf32, #tpu.memory_space<hbm>>
      %dma_start3A_100 = arith.constant 0 : i32
      %dma_start3A_101 = arith.constant 0 : i32
      %dma_start3A_102 = tpu.memref_slice %arg7[%run_scoped3A_89, %dma_start3A_100, %dma_start3A_101] : memref<2x128x128xf32, #tpu.memory_space<vmem>> -> memref<1x120x128xf32, #tpu.memory_space<vmem>>
      %dma_start3A_103 = tpu.memref_squeeze %dma_start3A_102 : memref<1x120x128xf32, #tpu.memory_space<vmem>> -> memref<120x128xf32, #tpu.memory_space<vmem>>
      tpu.enqueue_dma source(%dma_start3A_103 : memref<120x128xf32, #tpu.memory_space<vmem>>) target(%dma_start3A_99 : memref<120x128xf32, #tpu.memory_space<hbm>>) target_semaphore(%run_scoped3A_90 : memref<!tpu.dma_semaphore, #tpu.memory_space<semaphore_mem>>)
      %dma_wait3A = arith.constant 0 : i32
      %dma_wait3A_104 = arith.constant 0 : i32
      %dma_wait3A_105 = tpu.memref_slice %arg7[%run_scoped3A_89, %dma_wait3A, %dma_wait3A_104] : memref<2x128x128xf32, #tpu.memory_space<vmem>> -> memref<1x120x128xf32, #tpu.memory_space<vmem>>
      %dma_wait3A_106 = tpu.memref_squeeze %dma_wait3A_105 : memref<1x120x128xf32, #tpu.memory_space<vmem>> -> memref<120x128xf32, #tpu.memory_space<vmem>>
      %dma_wait3A_107 = arith.constant 0 : i32
      %dma_wait3A_108 = tpu.memref_slice %arg4[%arg0, %add3A_88, %dma_wait3A_107] : memref<2x10112x128xf32, #tpu.memory_space<hbm>> -> memref<1x120x128xf32, #tpu.memory_space<hbm>>
      %dma_wait3A_109 = tpu.memref_squeeze %dma_wait3A_108 : memref<1x120x128xf32, #tpu.memory_space<hbm>> -> memref<120x128xf32, #tpu.memory_space<hbm>>
      %dma_wait3A_110 = arith.constant 0 : i32
      %dma_wait3A_111 = tpu.memref_slice %arg4[%arg0, %add3A_88, %dma_wait3A_110] : memref<2x10112x128xf32, #tpu.memory_space<hbm>> -> memref<1x120x128xf32, #tpu.memory_space<hbm>>
      %dma_wait3A_112 = tpu.memref_squeeze %dma_wait3A_111 : memref<1x120x128xf32, #tpu.memory_space<hbm>> -> memref<120x128xf32, #tpu.memory_space<hbm>>
      %dma_wait3A_113 = arith.constant 0 : i32
      %dma_wait3A_114 = arith.constant 0 : i32
      %dma_wait3A_115 = tpu.memref_slice %arg7[%run_scoped3A_89, %dma_wait3A_113, %dma_wait3A_114] : memref<2x128x128xf32, #tpu.memory_space<vmem>> -> memref<1x120x128xf32, #tpu.memory_space<vmem>>
      %dma_wait3A_116 = tpu.memref_squeeze %dma_wait3A_115 : memref<1x120x128xf32, #tpu.memory_space<vmem>> -> memref<120x128xf32, #tpu.memory_space<vmem>>
      tpu.wait_dma2 semaphore(%run_scoped3A_90 : memref<!tpu.dma_semaphore, #tpu.memory_space<semaphore_mem>>) src(%dma_wait3A_116 : memref<120x128xf32, #tpu.memory_space<vmem>>) dst(%dma_wait3A_112 : memref<120x128xf32, #tpu.memory_space<hbm>>)
      tpu.yield
    }) : () -> ()
    return
  }
}

#map = affine_map<(d0, d1) -> (0, 0)>
#map1 = affine_map<(d0, d1) -> (0)>
module attributes {stable_mosaic.version = 14 : i64} {
  func.func @_deg_body(%arg0: i32, %arg1: i32, %arg2: memref<3040x128xi32, #tpu.memory_space<hbm>>, %arg3: memref<40448xf32, #tpu.memory_space<hbm>>, %arg4: memref<40x128xi32, #tpu.memory_space<vmem>>, %arg5: memref<40x128xi32, #tpu.memory_space<vmem>>, %arg6: memref<128xf32, #tpu.memory_space<vmem>>, %arg7: memref<640xf32, #tpu.memory_space<vmem>>, %arg8: memref<10112xf32, #tpu.memory_space<vmem_shared>>, %arg9: memref<10112xf32, #tpu.memory_space<vmem_shared>>) attributes {dimension_semantics = [#tpu.dimension_semantics<core_parallel>, #tpu.dimension_semantics<subcore_parallel>], iteration_bounds = array<i64: 2, 16>, scalar_prefetch = 0 : i64, scratch_operands = 6 : i64, tpu.core_type = #tpu.core_type<sc_vector_subcore>, window_params = [{transform_indices = #map}, {transform_indices = #map1}]} {
    %eq3A = arith.constant 0 : i32
    %eq3A_0 = arith.cmpi eq, %arg0, %eq3A : i32
    %mul3A = arith.constant 120 : i32
    %mul3A_1 = arith.muli %arg1, %mul3A : i32
    %mul3A_2 = arith.constant 80 : i32
    %mul3A_3 = arith.muli %arg1, %mul3A_2 : i32
    %add3A = arith.constant 1800 : i32
    %add3A_4 = arith.addi %add3A, %mul3A_3 : i32
    %select_n3A = arith.select %eq3A_0, %mul3A_1, %add3A_4 : i32
    %eq3A_5 = arith.constant 0 : i32
    %eq3A_6 = arith.cmpi eq, %arg0, %eq3A_5 : i32
    %jit3A = arith.constant 107 : i32
    %jit3A_7 = arith.constant 60 : i32
    %select_n3A_8 = arith.select %eq3A_6, %jit3A, %jit3A_7 : i32
    %lt3A = arith.constant 15 : i32
    %lt3A_9 = arith.cmpi slt, %arg1, %lt3A : i32
    %convert_element_type3A = arith.extui %lt3A_9 : i1 to i32
    %cond3A = arith.constant 0 : i32
    %cond3A_10 = arith.cmpi ne, %convert_element_type3A, %cond3A : i32
    scf.if %cond3A_10 {
      %scan3A_45 = arith.constant 0 : i32
      %scan3A_46 = arith.constant 8 : i32
      %scan3A_47 = arith.addi %scan3A_45, %scan3A_46 : i32
      %scan3A_48 = arith.constant 1 : i32
      scf.for %scan3A_50 = %scan3A_45 to %scan3A_47 step %scan3A_48  : i32 {
        %mul3A_51 = arith.constant 1 : i32
        %mul3A_52 = arith.muli %scan3A_50, %mul3A_51 : i32
        %add3A_53 = arith.constant 0 : i32
        %add3A_54 = arith.addi %add3A_53, %mul3A_52 : i32
        %broadcast_in_dim3A = arith.constant 1.000000e+00 : f32
        %broadcast_in_dim3A_55 = vector.broadcast %broadcast_in_dim3A : f32 to vector<16xf32>
        %mul3A_56 = arith.constant 16 : i32
        %mul3A_57 = arith.muli %add3A_54, %mul3A_56 : i32
        %swap3A = arith.index_cast %mul3A_57 : i32 to index
        %swap3A_58 = tpu.vector_load %arg6[%swap3A] {strides = array<i32>} : memref<128xf32, #tpu.memory_space<vmem>>, vector<16xf32>,
        %swap3A_59 = vector.shape_cast %swap3A_58 : vector<16xf32> to vector<16xf32>
        %swap3A_60 = vector.shape_cast %broadcast_in_dim3A_55 : vector<16xf32> to vector<16xf32>
        tpu.vector_store %arg6[%swap3A], %swap3A_60 {strides = array<i32>} : memref<128xf32, #tpu.memory_space<vmem>>, vector<16xf32>,
      }
      %scan3A_49 = arith.constant 8 : i32
    } else {
    }
    %scan3A = arith.constant 0 : i32
    %scan3A_11 = arith.constant 40 : i32
    %scan3A_12 = arith.addi %scan3A, %scan3A_11 : i32
    %scan3A_13 = arith.constant 1 : i32
    scf.for %scan3A_45 = %scan3A to %scan3A_12 step %scan3A_13  : i32 {
      %mul3A_46 = arith.constant 1 : i32
      %mul3A_47 = arith.muli %scan3A_45, %mul3A_46 : i32
      %add3A_48 = arith.constant 0 : i32
      %add3A_49 = arith.addi %add3A_48, %mul3A_47 : i32
      %broadcast_in_dim3A = arith.constant 0.000000e+00 : f32
      %broadcast_in_dim3A_50 = vector.broadcast %broadcast_in_dim3A : f32 to vector<16xf32>
      %mul3A_51 = arith.constant 16 : i32
      %mul3A_52 = arith.muli %add3A_49, %mul3A_51 : i32
      %swap3A = arith.index_cast %mul3A_52 : i32 to index
      %swap3A_53 = tpu.vector_load %arg7[%swap3A] {strides = array<i32>} : memref<640xf32, #tpu.memory_space<vmem>>, vector<16xf32>,
      %swap3A_54 = vector.shape_cast %swap3A_53 : vector<16xf32> to vector<16xf32>
      %swap3A_55 = vector.shape_cast %broadcast_in_dim3A_50 : vector<16xf32> to vector<16xf32>
      tpu.vector_store %arg7[%swap3A], %swap3A_55 {strides = array<i32>} : memref<640xf32, #tpu.memory_space<vmem>>, vector<16xf32>,
    }
    %scan3A_14 = arith.constant 40 : i32
    %mul3A_15 = arith.constant 632 : i32
    %mul3A_16 = arith.muli %arg1, %mul3A_15 : i32
    "tpu.region"() ({
      %run_scoped3A = tpu.sem_alloc : memref<!tpu.dma_semaphore, #tpu.memory_space<semaphore_mem>>
      %dma_start3A = arith.constant 0 : i32
      %dma_start3A_45 = tpu.memref_slice %arg7[%dma_start3A] : memref<640xf32, #tpu.memory_space<vmem>> -> memref<632xf32, #tpu.memory_space<vmem>>
      %dma_start3A_46 = tpu.memref_slice %arg8[%mul3A_16] : memref<10112xf32, #tpu.memory_space<vmem_shared>> -> memref<632xf32, #tpu.memory_space<vmem_shared>>
      %dma_start3A_47 = tpu.memref_slice %arg8[%mul3A_16] : memref<10112xf32, #tpu.memory_space<vmem_shared>> -> memref<632xf32, #tpu.memory_space<vmem_shared>>
      %dma_start3A_48 = arith.constant 0 : i32
      %dma_start3A_49 = tpu.memref_slice %arg7[%dma_start3A_48] : memref<640xf32, #tpu.memory_space<vmem>> -> memref<632xf32, #tpu.memory_space<vmem>>
      tpu.enqueue_dma source(%dma_start3A_49 : memref<632xf32, #tpu.memory_space<vmem>>) target(%dma_start3A_47 : memref<632xf32, #tpu.memory_space<vmem_shared>>) target_semaphore(%run_scoped3A : memref<!tpu.dma_semaphore, #tpu.memory_space<semaphore_mem>>)
      %dma_wait3A = arith.constant 0 : i32
      %dma_wait3A_50 = tpu.memref_slice %arg7[%dma_wait3A] : memref<640xf32, #tpu.memory_space<vmem>> -> memref<632xf32, #tpu.memory_space<vmem>>
      %dma_wait3A_51 = tpu.memref_slice %arg8[%mul3A_16] : memref<10112xf32, #tpu.memory_space<vmem_shared>> -> memref<632xf32, #tpu.memory_space<vmem_shared>>
      %dma_wait3A_52 = tpu.memref_slice %arg8[%mul3A_16] : memref<10112xf32, #tpu.memory_space<vmem_shared>> -> memref<632xf32, #tpu.memory_space<vmem_shared>>
      %dma_wait3A_53 = arith.constant 0 : i32
      %dma_wait3A_54 = tpu.memref_slice %arg7[%dma_wait3A_53] : memref<640xf32, #tpu.memory_space<vmem>> -> memref<632xf32, #tpu.memory_space<vmem>>
      tpu.wait_dma2 semaphore(%run_scoped3A : memref<!tpu.dma_semaphore, #tpu.memory_space<semaphore_mem>>) src(%dma_wait3A_54 : memref<632xf32, #tpu.memory_space<vmem>>) dst(%dma_wait3A_52 : memref<632xf32, #tpu.memory_space<vmem_shared>>)
      tpu.yield
    }) : () -> ()
    %mul3A_17 = arith.constant 632 : i32
    %mul3A_18 = arith.muli %arg1, %mul3A_17 : i32
    "tpu.region"() ({
      %run_scoped3A = tpu.sem_alloc : memref<!tpu.dma_semaphore, #tpu.memory_space<semaphore_mem>>
      %dma_start3A = arith.constant 0 : i32
      %dma_start3A_45 = tpu.memref_slice %arg7[%dma_start3A] : memref<640xf32, #tpu.memory_space<vmem>> -> memref<632xf32, #tpu.memory_space<vmem>>
      %dma_start3A_46 = tpu.memref_slice %arg9[%mul3A_18] : memref<10112xf32, #tpu.memory_space<vmem_shared>> -> memref<632xf32, #tpu.memory_space<vmem_shared>>
      %dma_start3A_47 = tpu.memref_slice %arg9[%mul3A_18] : memref<10112xf32, #tpu.memory_space<vmem_shared>> -> memref<632xf32, #tpu.memory_space<vmem_shared>>
      %dma_start3A_48 = arith.constant 0 : i32
      %dma_start3A_49 = tpu.memref_slice %arg7[%dma_start3A_48] : memref<640xf32, #tpu.memory_space<vmem>> -> memref<632xf32, #tpu.memory_space<vmem>>
      tpu.enqueue_dma source(%dma_start3A_49 : memref<632xf32, #tpu.memory_space<vmem>>) target(%dma_start3A_47 : memref<632xf32, #tpu.memory_space<vmem_shared>>) target_semaphore(%run_scoped3A : memref<!tpu.dma_semaphore, #tpu.memory_space<semaphore_mem>>)
      %dma_wait3A = arith.constant 0 : i32
      %dma_wait3A_50 = tpu.memref_slice %arg7[%dma_wait3A] : memref<640xf32, #tpu.memory_space<vmem>> -> memref<632xf32, #tpu.memory_space<vmem>>
      %dma_wait3A_51 = tpu.memref_slice %arg9[%mul3A_18] : memref<10112xf32, #tpu.memory_space<vmem_shared>> -> memref<632xf32, #tpu.memory_space<vmem_shared>>
      %dma_wait3A_52 = tpu.memref_slice %arg9[%mul3A_18] : memref<10112xf32, #tpu.memory_space<vmem_shared>> -> memref<632xf32, #tpu.memory_space<vmem_shared>>
      %dma_wait3A_53 = arith.constant 0 : i32
      %dma_wait3A_54 = tpu.memref_slice %arg7[%dma_wait3A_53] : memref<640xf32, #tpu.memory_space<vmem>> -> memref<632xf32, #tpu.memory_space<vmem>>
      tpu.wait_dma2 semaphore(%run_scoped3A : memref<!tpu.dma_semaphore, #tpu.memory_space<semaphore_mem>>) src(%dma_wait3A_54 : memref<632xf32, #tpu.memory_space<vmem>>) dst(%dma_wait3A_52 : memref<632xf32, #tpu.memory_space<vmem_shared>>)
      tpu.yield
    }) : () -> ()
    %barrier3A = arith.constant 0 : index
    tpu.barrier barrier_id(%barrier3A)
    %lt3A_19 = arith.constant 15 : i32
    %lt3A_20 = arith.cmpi slt, %arg1, %lt3A_19 : i32
    %convert_element_type3A_21 = arith.extui %lt3A_20 : i1 to i32
    %cond3A_22 = arith.constant 0 : i32
    %cond3A_23 = arith.cmpi ne, %convert_element_type3A_21, %cond3A_22 : i32
    scf.if %cond3A_23 {
      %sub3A = arith.constant 0 : i32
      %sub3A_45 = arith.subi %select_n3A_8, %sub3A : i32
      %sub3A_46 = arith.constant 1 : i32
      %sub3A_47 = arith.constant 1 : i32
      %sub3A_48 = arith.subi %sub3A_46, %sub3A_47 : i32
      %add3A_49 = arith.addi %sub3A_45, %sub3A_48 : i32
      %div3A = arith.constant 1 : i32
      %div3A_50 = arith.divsi %add3A_49, %div3A : i32
      %while3A = arith.constant 1 : i32
      %while3A_51 = arith.constant 0 : i32
      %while3A_52 = arith.constant 0 : i32
      %while3A_53 = arith.subi %div3A_50, %while3A_52 : i32
      %while3A_54 = arith.addi %while3A_52, %while3A_53 : i32
      %while3A_55 = arith.constant 1 : i32
      %while3A_56 = arith.divsi %while3A_53, %while3A_55 : i32
      %while3A_57 = arith.muli %while3A_56, %while3A_55 : i32
      %while3A_58 = arith.addi %while3A_52, %while3A_57 : i32
      %while3A_59 = arith.constant 1 : i32
      scf.for %while3A_61 = %while3A_52 to %while3A_58 step %while3A_59  : i32 {
        %mul3A_62 = arith.muli %while3A_61, %while3A : i32
        %add3A_63 = arith.addi %while3A_51, %mul3A_62 : i32
        %jit3A_64 = arith.constant 40 : i32
        %eq3A_65 = arith.constant 0 : i32
        %eq3A_66 = arith.cmpi eq, %jit3A_64, %eq3A_65 : i32
        %jit3A_67 = arith.constant 1 : i32
        %select_n3A_68 = arith.select %eq3A_66, %jit3A_67, %jit3A_64 : i32
        %rem3A = arith.remsi %add3A_63, %select_n3A_68 : i32
        %ne3A = arith.constant 0 : i32
        %ne3A_69 = arith.cmpi ne, %rem3A, %ne3A : i32
        %lt3A_70 = arith.constant 0 : i32
        %lt3A_71 = arith.cmpi slt, %rem3A, %lt3A_70 : i32
        %lt3A_72 = arith.constant 0 : i32
        %lt3A_73 = arith.cmpi slt, %select_n3A_68, %lt3A_72 : i32
        %ne3A_74 = arith.xori %lt3A_71, %lt3A_73 : i1
        %and3A = arith.andi %ne3A_74, %ne3A_69 : i1
        %add3A_75 = arith.addi %rem3A, %select_n3A_68 : i32
        %select_n3A_76 = arith.select %and3A, %add3A_75, %rem3A : i32
        %eq3A_77 = arith.constant 0 : i32
        %eq3A_78 = arith.cmpi eq, %select_n3A_76, %eq3A_77 : i32
        %convert_element_type3A_79 = arith.extui %eq3A_78 : i1 to i32
        %cond3A_80 = arith.constant 0 : i32
        %cond3A_81 = arith.cmpi ne, %convert_element_type3A_79, %cond3A_80 : i32
        scf.if %cond3A_81 {
          %jit3A_98 = arith.constant 40 : i32
          %div3A_99 = arith.divsi %add3A_63, %jit3A_98 : i32
          %sign3A = arith.constant 0 : i32
          %sign3A_100 = arith.cmpi sgt, %add3A_63, %sign3A : i32
          %sign3A_101 = arith.extui %sign3A_100 : i1 to i32
          %sign3A_102 = arith.constant 0 : i32
          %sign3A_103 = arith.cmpi slt, %add3A_63, %sign3A_102 : i32
          %sign3A_104 = arith.extui %sign3A_103 : i1 to i32
          %sign3A_105 = arith.subi %sign3A_101, %sign3A_104 : i32
          %sign3A_106 = arith.constant 0 : i32
          %sign3A_107 = arith.cmpi sgt, %jit3A_98, %sign3A_106 : i32
          %sign3A_108 = arith.extui %sign3A_107 : i1 to i32
          %sign3A_109 = arith.constant 0 : i32
          %sign3A_110 = arith.cmpi slt, %jit3A_98, %sign3A_109 : i32
          %sign3A_111 = arith.extui %sign3A_110 : i1 to i32
          %sign3A_112 = arith.subi %sign3A_108, %sign3A_111 : i32
          %ne3A_113 = arith.cmpi ne, %sign3A_105, %sign3A_112 : i32
          %rem3A_114 = arith.remsi %add3A_63, %jit3A_98 : i32
          %ne3A_115 = arith.constant 0 : i32
          %ne3A_116 = arith.cmpi ne, %rem3A_114, %ne3A_115 : i32
          %and3A_117 = arith.andi %ne3A_113, %ne3A_116 : i1
          %sub3A_118 = arith.constant 1 : i32
          %sub3A_119 = arith.subi %div3A_99, %sub3A_118 : i32
          %select_n3A_120 = arith.select %and3A_117, %sub3A_119, %div3A_99 : i32
          %mul3A_121 = arith.constant 40 : i32
          %mul3A_122 = arith.muli %select_n3A_120, %mul3A_121 : i32
          %add3A_123 = arith.addi %select_n3A, %mul3A_122 : i32
          "tpu.region"() ({
            %run_scoped3A = tpu.sem_alloc : memref<!tpu.dma_semaphore, #tpu.memory_space<semaphore_mem>>
            %dma_start3A = arith.constant 0 : i32
            %dma_start3A_129 = tpu.memref_slice %arg2[%add3A_123, %dma_start3A] : memref<3040x128xi32, #tpu.memory_space<hbm>> -> memref<40x128xi32, #tpu.memory_space<hbm>>
            %dma_start3A_130 = arith.constant 0 : i32
            %dma_start3A_131 = tpu.memref_slice %arg2[%add3A_123, %dma_start3A_130] : memref<3040x128xi32, #tpu.memory_space<hbm>> -> memref<40x128xi32, #tpu.memory_space<hbm>>
            tpu.enqueue_dma source(%dma_start3A_131 : memref<40x128xi32, #tpu.memory_space<hbm>>) target(%arg5 : memref<40x128xi32, #tpu.memory_space<vmem>>) target_semaphore(%run_scoped3A : memref<!tpu.dma_semaphore, #tpu.memory_space<semaphore_mem>>)
            %dma_wait3A = arith.constant 0 : i32
            %dma_wait3A_132 = tpu.memref_slice %arg2[%add3A_123, %dma_wait3A] : memref<3040x128xi32, #tpu.memory_space<hbm>> -> memref<40x128xi32, #tpu.memory_space<hbm>>
            %dma_wait3A_133 = arith.constant 0 : i32
            %dma_wait3A_134 = tpu.memref_slice %arg2[%add3A_123, %dma_wait3A_133] : memref<3040x128xi32, #tpu.memory_space<hbm>> -> memref<40x128xi32, #tpu.memory_space<hbm>>
            tpu.wait_dma2 semaphore(%run_scoped3A : memref<!tpu.dma_semaphore, #tpu.memory_space<semaphore_mem>>) src(%dma_wait3A_134 : memref<40x128xi32, #tpu.memory_space<hbm>>) dst(%arg5 : memref<40x128xi32, #tpu.memory_space<vmem>>)
            tpu.yield
          }) : () -> ()
          %scan3A_124 = arith.constant 0 : i32
          %scan3A_125 = arith.constant 40 : i32
          %scan3A_126 = arith.addi %scan3A_124, %scan3A_125 : i32
          %scan3A_127 = arith.constant 1 : i32
          scf.for %scan3A_129 = %scan3A_124 to %scan3A_126 step %scan3A_127  : i32 {
            %mul3A_130 = arith.constant 1 : i32
            %mul3A_131 = arith.muli %scan3A_129, %mul3A_130 : i32
            %add3A_132 = arith.constant 0 : i32
            %add3A_133 = arith.addi %add3A_132, %mul3A_131 : i32
            %get3A = arith.index_cast %add3A_133 : i32 to index
            %get3A_134 = arith.constant 0 : index
            %get3A_135 = tpu.vector_load %arg5[%get3A, %get3A_134] {strides = array<i32>} : memref<40x128xi32, #tpu.memory_space<vmem>>, vector<1x16xi32>,
            %get3A_136 = vector.shape_cast %get3A_135 : vector<1x16xi32> to vector<16xi32>
            %and3A_137 = arith.constant 65535 : i32
            %and3A_138 = vector.broadcast %and3A_137 : i32 to vector<16xi32>
            %and3A_139 = arith.andi %get3A_136, %and3A_138 : vector<16xi32>
            %swap3A = arith.index_cast %add3A_133 : i32 to index
            %swap3A_140 = arith.constant 0 : index
            %swap3A_141 = tpu.vector_load %arg4[%swap3A, %swap3A_140] {strides = array<i32>} : memref<40x128xi32, #tpu.memory_space<vmem>>, vector<1x16xi32>,
            %swap3A_142 = vector.shape_cast %swap3A_141 : vector<1x16xi32> to vector<16xi32>
            %swap3A_143 = vector.shape_cast %and3A_139 : vector<16xi32> to vector<1x16xi32>
            tpu.vector_store %arg4[%swap3A, %swap3A_140], %swap3A_143 {strides = array<i32>} : memref<40x128xi32, #tpu.memory_space<vmem>>, vector<1x16xi32>,
            %shift_right_arithmetic3A = arith.constant 16 : i32
            %shift_right_arithmetic3A_144 = vector.broadcast %shift_right_arithmetic3A : i32 to vector<16xi32>
            %shift_right_arithmetic3A_145 = arith.shrsi %get3A_136, %shift_right_arithmetic3A_144 : vector<16xi32>
            %swap3A_146 = arith.index_cast %add3A_133 : i32 to index
            %swap3A_147 = arith.constant 0 : index
            %swap3A_148 = tpu.vector_load %arg5[%swap3A_146, %swap3A_147] {strides = array<i32>} : memref<40x128xi32, #tpu.memory_space<vmem>>, vector<1x16xi32>,
            %swap3A_149 = vector.shape_cast %swap3A_148 : vector<1x16xi32> to vector<16xi32>
            %swap3A_150 = vector.shape_cast %shift_right_arithmetic3A_145 : vector<16xi32> to vector<1x16xi32>
            tpu.vector_store %arg5[%swap3A_146, %swap3A_147], %swap3A_150 {strides = array<i32>} : memref<40x128xi32, #tpu.memory_space<vmem>>, vector<1x16xi32>,
            %get3A_151 = arith.index_cast %add3A_133 : i32 to index
            %get3A_152 = arith.constant 16 : index
            %get3A_153 = tpu.vector_load %arg5[%get3A_151, %get3A_152] {strides = array<i32>} : memref<40x128xi32, #tpu.memory_space<vmem>>, vector<1x16xi32>,
            %get3A_154 = vector.shape_cast %get3A_153 : vector<1x16xi32> to vector<16xi32>
            %and3A_155 = arith.constant 65535 : i32
            %and3A_156 = vector.broadcast %and3A_155 : i32 to vector<16xi32>
            %and3A_157 = arith.andi %get3A_154, %and3A_156 : vector<16xi32>
            %swap3A_158 = arith.index_cast %add3A_133 : i32 to index
            %swap3A_159 = arith.constant 16 : index
            %swap3A_160 = tpu.vector_load %arg4[%swap3A_158, %swap3A_159] {strides = array<i32>} : memref<40x128xi32, #tpu.memory_space<vmem>>, vector<1x16xi32>,
            %swap3A_161 = vector.shape_cast %swap3A_160 : vector<1x16xi32> to vector<16xi32>
            %swap3A_162 = vector.shape_cast %and3A_157 : vector<16xi32> to vector<1x16xi32>
            tpu.vector_store %arg4[%swap3A_158, %swap3A_159], %swap3A_162 {strides = array<i32>} : memref<40x128xi32, #tpu.memory_space<vmem>>, vector<1x16xi32>,
            %shift_right_arithmetic3A_163 = arith.constant 16 : i32
            %shift_right_arithmetic3A_164 = vector.broadcast %shift_right_arithmetic3A_163 : i32 to vector<16xi32>
            %shift_right_arithmetic3A_165 = arith.shrsi %get3A_154, %shift_right_arithmetic3A_164 : vector<16xi32>
            %swap3A_166 = arith.index_cast %add3A_133 : i32 to index
            %swap3A_167 = arith.constant 16 : index
            %swap3A_168 = tpu.vector_load %arg5[%swap3A_166, %swap3A_167] {strides = array<i32>} : memref<40x128xi32, #tpu.memory_space<vmem>>, vector<1x16xi32>,
            %swap3A_169 = vector.shape_cast %swap3A_168 : vector<1x16xi32> to vector<16xi32>
            %swap3A_170 = vector.shape_cast %shift_right_arithmetic3A_165 : vector<16xi32> to vector<1x16xi32>
            tpu.vector_store %arg5[%swap3A_166, %swap3A_167], %swap3A_170 {strides = array<i32>} : memref<40x128xi32, #tpu.memory_space<vmem>>, vector<1x16xi32>,
            %get3A_171 = arith.index_cast %add3A_133 : i32 to index
            %get3A_172 = arith.constant 32 : index
            %get3A_173 = tpu.vector_load %arg5[%get3A_171, %get3A_172] {strides = array<i32>} : memref<40x128xi32, #tpu.memory_space<vmem>>, vector<1x16xi32>,
            %get3A_174 = vector.shape_cast %get3A_173 : vector<1x16xi32> to vector<16xi32>
            %and3A_175 = arith.constant 65535 : i32
            %and3A_176 = vector.broadcast %and3A_175 : i32 to vector<16xi32>
            %and3A_177 = arith.andi %get3A_174, %and3A_176 : vector<16xi32>
            %swap3A_178 = arith.index_cast %add3A_133 : i32 to index
            %swap3A_179 = arith.constant 32 : index
            %swap3A_180 = tpu.vector_load %arg4[%swap3A_178, %swap3A_179] {strides = array<i32>} : memref<40x128xi32, #tpu.memory_space<vmem>>, vector<1x16xi32>,
            %swap3A_181 = vector.shape_cast %swap3A_180 : vector<1x16xi32> to vector<16xi32>
            %swap3A_182 = vector.shape_cast %and3A_177 : vector<16xi32> to vector<1x16xi32>
            tpu.vector_store %arg4[%swap3A_178, %swap3A_179], %swap3A_182 {strides = array<i32>} : memref<40x128xi32, #tpu.memory_space<vmem>>, vector<1x16xi32>,
            %shift_right_arithmetic3A_183 = arith.constant 16 : i32
            %shift_right_arithmetic3A_184 = vector.broadcast %shift_right_arithmetic3A_183 : i32 to vector<16xi32>
            %shift_right_arithmetic3A_185 = arith.shrsi %get3A_174, %shift_right_arithmetic3A_184 : vector<16xi32>
            %swap3A_186 = arith.index_cast %add3A_133 : i32 to index
            %swap3A_187 = arith.constant 32 : index
            %swap3A_188 = tpu.vector_load %arg5[%swap3A_186, %swap3A_187] {strides = array<i32>} : memref<40x128xi32, #tpu.memory_space<vmem>>, vector<1x16xi32>,
            %swap3A_189 = vector.shape_cast %swap3A_188 : vector<1x16xi32> to vector<16xi32>
            %swap3A_190 = vector.shape_cast %shift_right_arithmetic3A_185 : vector<16xi32> to vector<1x16xi32>
            tpu.vector_store %arg5[%swap3A_186, %swap3A_187], %swap3A_190 {strides = array<i32>} : memref<40x128xi32, #tpu.memory_space<vmem>>, vector<1x16xi32>,
            %get3A_191 = arith.index_cast %add3A_133 : i32 to index
            %get3A_192 = arith.constant 48 : index
            %get3A_193 = tpu.vector_load %arg5[%get3A_191, %get3A_192] {strides = array<i32>} : memref<40x128xi32, #tpu.memory_space<vmem>>, vector<1x16xi32>,
            %get3A_194 = vector.shape_cast %get3A_193 : vector<1x16xi32> to vector<16xi32>
            %and3A_195 = arith.constant 65535 : i32
            %and3A_196 = vector.broadcast %and3A_195 : i32 to vector<16xi32>
            %and3A_197 = arith.andi %get3A_194, %and3A_196 : vector<16xi32>
            %swap3A_198 = arith.index_cast %add3A_133 : i32 to index
            %swap3A_199 = arith.constant 48 : index
            %swap3A_200 = tpu.vector_load %arg4[%swap3A_198, %swap3A_199] {strides = array<i32>} : memref<40x128xi32, #tpu.memory_space<vmem>>, vector<1x16xi32>,
            %swap3A_201 = vector.shape_cast %swap3A_200 : vector<1x16xi32> to vector<16xi32>
            %swap3A_202 = vector.shape_cast %and3A_197 : vector<16xi32> to vector<1x16xi32>
            tpu.vector_store %arg4[%swap3A_198, %swap3A_199], %swap3A_202 {strides = array<i32>} : memref<40x128xi32, #tpu.memory_space<vmem>>, vector<1x16xi32>,
            %shift_right_arithmetic3A_203 = arith.constant 16 : i32
            %shift_right_arithmetic3A_204 = vector.broadcast %shift_right_arithmetic3A_203 : i32 to vector<16xi32>
            %shift_right_arithmetic3A_205 = arith.shrsi %get3A_194, %shift_right_arithmetic3A_204 : vector<16xi32>
            %swap3A_206 = arith.index_cast %add3A_133 : i32 to index
            %swap3A_207 = arith.constant 48 : index
            %swap3A_208 = tpu.vector_load %arg5[%swap3A_206, %swap3A_207] {strides = array<i32>} : memref<40x128xi32, #tpu.memory_space<vmem>>, vector<1x16xi32>,
            %swap3A_209 = vector.shape_cast %swap3A_208 : vector<1x16xi32> to vector<16xi32>
            %swap3A_210 = vector.shape_cast %shift_right_arithmetic3A_205 : vector<16xi32> to vector<1x16xi32>
            tpu.vector_store %arg5[%swap3A_206, %swap3A_207], %swap3A_210 {strides = array<i32>} : memref<40x128xi32, #tpu.memory_space<vmem>>, vector<1x16xi32>,
            %get3A_211 = arith.index_cast %add3A_133 : i32 to index
            %get3A_212 = arith.constant 64 : index
            %get3A_213 = tpu.vector_load %arg5[%get3A_211, %get3A_212] {strides = array<i32>} : memref<40x128xi32, #tpu.memory_space<vmem>>, vector<1x16xi32>,
            %get3A_214 = vector.shape_cast %get3A_213 : vector<1x16xi32> to vector<16xi32>
            %and3A_215 = arith.constant 65535 : i32
            %and3A_216 = vector.broadcast %and3A_215 : i32 to vector<16xi32>
            %and3A_217 = arith.andi %get3A_214, %and3A_216 : vector<16xi32>
            %swap3A_218 = arith.index_cast %add3A_133 : i32 to index
            %swap3A_219 = arith.constant 64 : index
            %swap3A_220 = tpu.vector_load %arg4[%swap3A_218, %swap3A_219] {strides = array<i32>} : memref<40x128xi32, #tpu.memory_space<vmem>>, vector<1x16xi32>,
            %swap3A_221 = vector.shape_cast %swap3A_220 : vector<1x16xi32> to vector<16xi32>
            %swap3A_222 = vector.shape_cast %and3A_217 : vector<16xi32> to vector<1x16xi32>
            tpu.vector_store %arg4[%swap3A_218, %swap3A_219], %swap3A_222 {strides = array<i32>} : memref<40x128xi32, #tpu.memory_space<vmem>>, vector<1x16xi32>,
            %shift_right_arithmetic3A_223 = arith.constant 16 : i32
            %shift_right_arithmetic3A_224 = vector.broadcast %shift_right_arithmetic3A_223 : i32 to vector<16xi32>
            %shift_right_arithmetic3A_225 = arith.shrsi %get3A_214, %shift_right_arithmetic3A_224 : vector<16xi32>
            %swap3A_226 = arith.index_cast %add3A_133 : i32 to index
            %swap3A_227 = arith.constant 64 : index
            %swap3A_228 = tpu.vector_load %arg5[%swap3A_226, %swap3A_227] {strides = array<i32>} : memref<40x128xi32, #tpu.memory_space<vmem>>, vector<1x16xi32>,
            %swap3A_229 = vector.shape_cast %swap3A_228 : vector<1x16xi32> to vector<16xi32>
            %swap3A_230 = vector.shape_cast %shift_right_arithmetic3A_225 : vector<16xi32> to vector<1x16xi32>
            tpu.vector_store %arg5[%swap3A_226, %swap3A_227], %swap3A_230 {strides = array<i32>} : memref<40x128xi32, #tpu.memory_space<vmem>>, vector<1x16xi32>,
            %get3A_231 = arith.index_cast %add3A_133 : i32 to index
            %get3A_232 = arith.constant 80 : index
            %get3A_233 = tpu.vector_load %arg5[%get3A_231, %get3A_232] {strides = array<i32>} : memref<40x128xi32, #tpu.memory_space<vmem>>, vector<1x16xi32>,
            %get3A_234 = vector.shape_cast %get3A_233 : vector<1x16xi32> to vector<16xi32>
            %and3A_235 = arith.constant 65535 : i32
            %and3A_236 = vector.broadcast %and3A_235 : i32 to vector<16xi32>
            %and3A_237 = arith.andi %get3A_234, %and3A_236 : vector<16xi32>
            %swap3A_238 = arith.index_cast %add3A_133 : i32 to index
            %swap3A_239 = arith.constant 80 : index
            %swap3A_240 = tpu.vector_load %arg4[%swap3A_238, %swap3A_239] {strides = array<i32>} : memref<40x128xi32, #tpu.memory_space<vmem>>, vector<1x16xi32>,
            %swap3A_241 = vector.shape_cast %swap3A_240 : vector<1x16xi32> to vector<16xi32>
            %swap3A_242 = vector.shape_cast %and3A_237 : vector<16xi32> to vector<1x16xi32>
            tpu.vector_store %arg4[%swap3A_238, %swap3A_239], %swap3A_242 {strides = array<i32>} : memref<40x128xi32, #tpu.memory_space<vmem>>, vector<1x16xi32>,
            %shift_right_arithmetic3A_243 = arith.constant 16 : i32
            %shift_right_arithmetic3A_244 = vector.broadcast %shift_right_arithmetic3A_243 : i32 to vector<16xi32>
            %shift_right_arithmetic3A_245 = arith.shrsi %get3A_234, %shift_right_arithmetic3A_244 : vector<16xi32>
            %swap3A_246 = arith.index_cast %add3A_133 : i32 to index
            %swap3A_247 = arith.constant 80 : index
            %swap3A_248 = tpu.vector_load %arg5[%swap3A_246, %swap3A_247] {strides = array<i32>} : memref<40x128xi32, #tpu.memory_space<vmem>>, vector<1x16xi32>,
            %swap3A_249 = vector.shape_cast %swap3A_248 : vector<1x16xi32> to vector<16xi32>
            %swap3A_250 = vector.shape_cast %shift_right_arithmetic3A_245 : vector<16xi32> to vector<1x16xi32>
            tpu.vector_store %arg5[%swap3A_246, %swap3A_247], %swap3A_250 {strides = array<i32>} : memref<40x128xi32, #tpu.memory_space<vmem>>, vector<1x16xi32>,
            %get3A_251 = arith.index_cast %add3A_133 : i32 to index
            %get3A_252 = arith.constant 96 : index
            %get3A_253 = tpu.vector_load %arg5[%get3A_251, %get3A_252] {strides = array<i32>} : memref<40x128xi32, #tpu.memory_space<vmem>>, vector<1x16xi32>,
            %get3A_254 = vector.shape_cast %get3A_253 : vector<1x16xi32> to vector<16xi32>
            %and3A_255 = arith.constant 65535 : i32
            %and3A_256 = vector.broadcast %and3A_255 : i32 to vector<16xi32>
            %and3A_257 = arith.andi %get3A_254, %and3A_256 : vector<16xi32>
            %swap3A_258 = arith.index_cast %add3A_133 : i32 to index
            %swap3A_259 = arith.constant 96 : index
            %swap3A_260 = tpu.vector_load %arg4[%swap3A_258, %swap3A_259] {strides = array<i32>} : memref<40x128xi32, #tpu.memory_space<vmem>>, vector<1x16xi32>,
            %swap3A_261 = vector.shape_cast %swap3A_260 : vector<1x16xi32> to vector<16xi32>
            %swap3A_262 = vector.shape_cast %and3A_257 : vector<16xi32> to vector<1x16xi32>
            tpu.vector_store %arg4[%swap3A_258, %swap3A_259], %swap3A_262 {strides = array<i32>} : memref<40x128xi32, #tpu.memory_space<vmem>>, vector<1x16xi32>,
            %shift_right_arithmetic3A_263 = arith.constant 16 : i32
            %shift_right_arithmetic3A_264 = vector.broadcast %shift_right_arithmetic3A_263 : i32 to vector<16xi32>
            %shift_right_arithmetic3A_265 = arith.shrsi %get3A_254, %shift_right_arithmetic3A_264 : vector<16xi32>
            %swap3A_266 = arith.index_cast %add3A_133 : i32 to index
            %swap3A_267 = arith.constant 96 : index
            %swap3A_268 = tpu.vector_load %arg5[%swap3A_266, %swap3A_267] {strides = array<i32>} : memref<40x128xi32, #tpu.memory_space<vmem>>, vector<1x16xi32>,
            %swap3A_269 = vector.shape_cast %swap3A_268 : vector<1x16xi32> to vector<16xi32>
            %swap3A_270 = vector.shape_cast %shift_right_arithmetic3A_265 : vector<16xi32> to vector<1x16xi32>
            tpu.vector_store %arg5[%swap3A_266, %swap3A_267], %swap3A_270 {strides = array<i32>} : memref<40x128xi32, #tpu.memory_space<vmem>>, vector<1x16xi32>,
            %get3A_271 = arith.index_cast %add3A_133 : i32 to index
            %get3A_272 = arith.constant 112 : index
            %get3A_273 = tpu.vector_load %arg5[%get3A_271, %get3A_272] {strides = array<i32>} : memref<40x128xi32, #tpu.memory_space<vmem>>, vector<1x16xi32>,
            %get3A_274 = vector.shape_cast %get3A_273 : vector<1x16xi32> to vector<16xi32>
            %and3A_275 = arith.constant 65535 : i32
            %and3A_276 = vector.broadcast %and3A_275 : i32 to vector<16xi32>
            %and3A_277 = arith.andi %get3A_274, %and3A_276 : vector<16xi32>
            %swap3A_278 = arith.index_cast %add3A_133 : i32 to index
            %swap3A_279 = arith.constant 112 : index
            %swap3A_280 = tpu.vector_load %arg4[%swap3A_278, %swap3A_279] {strides = array<i32>} : memref<40x128xi32, #tpu.memory_space<vmem>>, vector<1x16xi32>,
            %swap3A_281 = vector.shape_cast %swap3A_280 : vector<1x16xi32> to vector<16xi32>
            %swap3A_282 = vector.shape_cast %and3A_277 : vector<16xi32> to vector<1x16xi32>
            tpu.vector_store %arg4[%swap3A_278, %swap3A_279], %swap3A_282 {strides = array<i32>} : memref<40x128xi32, #tpu.memory_space<vmem>>, vector<1x16xi32>,
            %shift_right_arithmetic3A_283 = arith.constant 16 : i32
            %shift_right_arithmetic3A_284 = vector.broadcast %shift_right_arithmetic3A_283 : i32 to vector<16xi32>
            %shift_right_arithmetic3A_285 = arith.shrsi %get3A_274, %shift_right_arithmetic3A_284 : vector<16xi32>
            %swap3A_286 = arith.index_cast %add3A_133 : i32 to index
            %swap3A_287 = arith.constant 112 : index
            %swap3A_288 = tpu.vector_load %arg5[%swap3A_286, %swap3A_287] {strides = array<i32>} : memref<40x128xi32, #tpu.memory_space<vmem>>, vector<1x16xi32>,
            %swap3A_289 = vector.shape_cast %swap3A_288 : vector<1x16xi32> to vector<16xi32>
            %swap3A_290 = vector.shape_cast %shift_right_arithmetic3A_285 : vector<16xi32> to vector<1x16xi32>
            tpu.vector_store %arg5[%swap3A_286, %swap3A_287], %swap3A_290 {strides = array<i32>} : memref<40x128xi32, #tpu.memory_space<vmem>>, vector<1x16xi32>,
          }
          %scan3A_128 = arith.constant 40 : i32
        } else {
        }
        %jit3A_82 = arith.constant 40 : i32
        %eq3A_83 = arith.constant 0 : i32
        %eq3A_84 = arith.cmpi eq, %jit3A_82, %eq3A_83 : i32
        %jit3A_85 = arith.constant 1 : i32
        %select_n3A_86 = arith.select %eq3A_84, %jit3A_85, %jit3A_82 : i32
        %rem3A_87 = arith.remsi %add3A_63, %select_n3A_86 : i32
        %ne3A_88 = arith.constant 0 : i32
        %ne3A_89 = arith.cmpi ne, %rem3A_87, %ne3A_88 : i32
        %lt3A_90 = arith.constant 0 : i32
        %lt3A_91 = arith.cmpi slt, %rem3A_87, %lt3A_90 : i32
        %lt3A_92 = arith.constant 0 : i32
        %lt3A_93 = arith.cmpi slt, %select_n3A_86, %lt3A_92 : i32
        %ne3A_94 = arith.xori %lt3A_91, %lt3A_93 : i1
        %and3A_95 = arith.andi %ne3A_94, %ne3A_89 : i1
        %add3A_96 = arith.addi %rem3A_87, %select_n3A_86 : i32
        %select_n3A_97 = arith.select %and3A_95, %add3A_96, %rem3A_87 : i32
        "tpu.region"() ({
          %run_scoped3A = tpu.sem_alloc : memref<!tpu.dma_semaphore, #tpu.memory_space<semaphore_mem>>
          %dma_start3A = arith.constant 0 : i32
          %dma_start3A_98 = tpu.memref_slice %arg4[%select_n3A_97, %dma_start3A] : memref<40x128xi32, #tpu.memory_space<vmem>> -> memref<1x128xi32, #tpu.memory_space<vmem>>
          %dma_start3A_99 = tpu.memref_squeeze %dma_start3A_98 : memref<1x128xi32, #tpu.memory_space<vmem>> -> memref<128xi32, #tpu.memory_space<vmem>>
          %dma_start3A_100 = arith.constant 0 : i32
          %dma_start3A_101 = tpu.memref_slice %arg8[%dma_start3A_100] : memref<10112xf32, #tpu.memory_space<vmem_shared>> -> memref<10112xf32, #tpu.memory_space<vmem_shared>>
          tpu.enqueue_indirect_dma source(%arg6 : memref<128xf32, #tpu.memory_space<vmem>>) target(%dma_start3A_101 : memref<10112xf32, #tpu.memory_space<vmem_shared>>) offsets(%dma_start3A_99 : memref<128xi32, #tpu.memory_space<vmem>>) semaphore(%run_scoped3A : memref<!tpu.dma_semaphore, #tpu.memory_space<semaphore_mem>>) {add = true}
          %dma_wait3A = arith.constant 0 : i32
          %dma_wait3A_102 = tpu.memref_slice %arg4[%select_n3A_97, %dma_wait3A] : memref<40x128xi32, #tpu.memory_space<vmem>> -> memref<1x128xi32, #tpu.memory_space<vmem>>
          %dma_wait3A_103 = tpu.memref_squeeze %dma_wait3A_102 : memref<1x128xi32, #tpu.memory_space<vmem>> -> memref<128xi32, #tpu.memory_space<vmem>>
          %dma_wait3A_104 = arith.constant 0 : i32
          %dma_wait3A_105 = tpu.memref_slice %arg8[%dma_wait3A_104] : memref<10112xf32, #tpu.memory_space<vmem_shared>> -> memref<10112xf32, #tpu.memory_space<vmem_shared>>
          tpu.wait_indirect_dma semaphore(%run_scoped3A : memref<!tpu.dma_semaphore, #tpu.memory_space<semaphore_mem>>) src(%arg6 : memref<128xf32, #tpu.memory_space<vmem>>) dst(%dma_wait3A_105 : memref<10112xf32, #tpu.memory_space<vmem_shared>>)
          tpu.yield
        }) : () -> ()
        "tpu.region"() ({
          %run_scoped3A = tpu.sem_alloc : memref<!tpu.dma_semaphore, #tpu.memory_space<semaphore_mem>>
          %dma_start3A = arith.constant 0 : i32
          %dma_start3A_98 = tpu.memref_slice %arg5[%select_n3A_97, %dma_start3A] : memref<40x128xi32, #tpu.memory_space<vmem>> -> memref<1x128xi32, #tpu.memory_space<vmem>>
          %dma_start3A_99 = tpu.memref_squeeze %dma_start3A_98 : memref<1x128xi32, #tpu.memory_space<vmem>> -> memref<128xi32, #tpu.memory_space<vmem>>
          %dma_start3A_100 = arith.constant 0 : i32
          %dma_start3A_101 = tpu.memref_slice %arg9[%dma_start3A_100] : memref<10112xf32, #tpu.memory_space<vmem_shared>> -> memref<10112xf32, #tpu.memory_space<vmem_shared>>
          tpu.enqueue_indirect_dma source(%arg6 : memref<128xf32, #tpu.memory_space<vmem>>) target(%dma_start3A_101 : memref<10112xf32, #tpu.memory_space<vmem_shared>>) offsets(%dma_start3A_99 : memref<128xi32, #tpu.memory_space<vmem>>) semaphore(%run_scoped3A : memref<!tpu.dma_semaphore, #tpu.memory_space<semaphore_mem>>) {add = true}
          %dma_wait3A = arith.constant 0 : i32
          %dma_wait3A_102 = tpu.memref_slice %arg5[%select_n3A_97, %dma_wait3A] : memref<40x128xi32, #tpu.memory_space<vmem>> -> memref<1x128xi32, #tpu.memory_space<vmem>>
          %dma_wait3A_103 = tpu.memref_squeeze %dma_wait3A_102 : memref<1x128xi32, #tpu.memory_space<vmem>> -> memref<128xi32, #tpu.memory_space<vmem>>
          %dma_wait3A_104 = arith.constant 0 : i32
          %dma_wait3A_105 = tpu.memref_slice %arg9[%dma_wait3A_104] : memref<10112xf32, #tpu.memory_space<vmem_shared>> -> memref<10112xf32, #tpu.memory_space<vmem_shared>>
          tpu.wait_indirect_dma semaphore(%run_scoped3A : memref<!tpu.dma_semaphore, #tpu.memory_space<semaphore_mem>>) src(%arg6 : memref<128xf32, #tpu.memory_space<vmem>>) dst(%dma_wait3A_105 : memref<10112xf32, #tpu.memory_space<vmem_shared>>)
          tpu.yield
        }) : () -> ()
      }
      %while3A_60 = arith.constant 1 : i32
      scf.for %while3A_61 = %while3A_58 to %while3A_54 step %while3A_60  : i32 {
        %mul3A_62 = arith.muli %while3A_61, %while3A : i32
        %add3A_63 = arith.addi %while3A_51, %mul3A_62 : i32
        %jit3A_64 = arith.constant 40 : i32
        %eq3A_65 = arith.constant 0 : i32
        %eq3A_66 = arith.cmpi eq, %jit3A_64, %eq3A_65 : i32
        %jit3A_67 = arith.constant 1 : i32
        %select_n3A_68 = arith.select %eq3A_66, %jit3A_67, %jit3A_64 : i32
        %rem3A = arith.remsi %add3A_63, %select_n3A_68 : i32
        %ne3A = arith.constant 0 : i32
        %ne3A_69 = arith.cmpi ne, %rem3A, %ne3A : i32
        %lt3A_70 = arith.constant 0 : i32
        %lt3A_71 = arith.cmpi slt, %rem3A, %lt3A_70 : i32
        %lt3A_72 = arith.constant 0 : i32
        %lt3A_73 = arith.cmpi slt, %select_n3A_68, %lt3A_72 : i32
        %ne3A_74 = arith.xori %lt3A_71, %lt3A_73 : i1
        %and3A = arith.andi %ne3A_74, %ne3A_69 : i1
        %add3A_75 = arith.addi %rem3A, %select_n3A_68 : i32
        %select_n3A_76 = arith.select %and3A, %add3A_75, %rem3A : i32
        %eq3A_77 = arith.constant 0 : i32
        %eq3A_78 = arith.cmpi eq, %select_n3A_76, %eq3A_77 : i32
        %convert_element_type3A_79 = arith.extui %eq3A_78 : i1 to i32
        %cond3A_80 = arith.constant 0 : i32
        %cond3A_81 = arith.cmpi ne, %convert_element_type3A_79, %cond3A_80 : i32
        scf.if %cond3A_81 {
          %jit3A_98 = arith.constant 40 : i32
          %div3A_99 = arith.divsi %add3A_63, %jit3A_98 : i32
          %sign3A = arith.constant 0 : i32
          %sign3A_100 = arith.cmpi sgt, %add3A_63, %sign3A : i32
          %sign3A_101 = arith.extui %sign3A_100 : i1 to i32
          %sign3A_102 = arith.constant 0 : i32
          %sign3A_103 = arith.cmpi slt, %add3A_63, %sign3A_102 : i32
          %sign3A_104 = arith.extui %sign3A_103 : i1 to i32
          %sign3A_105 = arith.subi %sign3A_101, %sign3A_104 : i32
          %sign3A_106 = arith.constant 0 : i32
          %sign3A_107 = arith.cmpi sgt, %jit3A_98, %sign3A_106 : i32
          %sign3A_108 = arith.extui %sign3A_107 : i1 to i32
          %sign3A_109 = arith.constant 0 : i32
          %sign3A_110 = arith.cmpi slt, %jit3A_98, %sign3A_109 : i32
          %sign3A_111 = arith.extui %sign3A_110 : i1 to i32
          %sign3A_112 = arith.subi %sign3A_108, %sign3A_111 : i32
          %ne3A_113 = arith.cmpi ne, %sign3A_105, %sign3A_112 : i32
          %rem3A_114 = arith.remsi %add3A_63, %jit3A_98 : i32
          %ne3A_115 = arith.constant 0 : i32
          %ne3A_116 = arith.cmpi ne, %rem3A_114, %ne3A_115 : i32
          %and3A_117 = arith.andi %ne3A_113, %ne3A_116 : i1
          %sub3A_118 = arith.constant 1 : i32
          %sub3A_119 = arith.subi %div3A_99, %sub3A_118 : i32
          %select_n3A_120 = arith.select %and3A_117, %sub3A_119, %div3A_99 : i32
          %mul3A_121 = arith.constant 40 : i32
          %mul3A_122 = arith.muli %select_n3A_120, %mul3A_121 : i32
          %add3A_123 = arith.addi %select_n3A, %mul3A_122 : i32
          "tpu.region"() ({
            %run_scoped3A = tpu.sem_alloc : memref<!tpu.dma_semaphore, #tpu.memory_space<semaphore_mem>>
            %dma_start3A = arith.constant 0 : i32
            %dma_start3A_129 = tpu.memref_slice %arg2[%add3A_123, %dma_start3A] : memref<3040x128xi32, #tpu.memory_space<hbm>> -> memref<40x128xi32, #tpu.memory_space<hbm>>
            %dma_start3A_130 = arith.constant 0 : i32
            %dma_start3A_131 = tpu.memref_slice %arg2[%add3A_123, %dma_start3A_130] : memref<3040x128xi32, #tpu.memory_space<hbm>> -> memref<40x128xi32, #tpu.memory_space<hbm>>
            tpu.enqueue_dma source(%dma_start3A_131 : memref<40x128xi32, #tpu.memory_space<hbm>>) target(%arg5 : memref<40x128xi32, #tpu.memory_space<vmem>>) target_semaphore(%run_scoped3A : memref<!tpu.dma_semaphore, #tpu.memory_space<semaphore_mem>>)
            %dma_wait3A = arith.constant 0 : i32
            %dma_wait3A_132 = tpu.memref_slice %arg2[%add3A_123, %dma_wait3A] : memref<3040x128xi32, #tpu.memory_space<hbm>> -> memref<40x128xi32, #tpu.memory_space<hbm>>
            %dma_wait3A_133 = arith.constant 0 : i32
            %dma_wait3A_134 = tpu.memref_slice %arg2[%add3A_123, %dma_wait3A_133] : memref<3040x128xi32, #tpu.memory_space<hbm>> -> memref<40x128xi32, #tpu.memory_space<hbm>>
            tpu.wait_dma2 semaphore(%run_scoped3A : memref<!tpu.dma_semaphore, #tpu.memory_space<semaphore_mem>>) src(%dma_wait3A_134 : memref<40x128xi32, #tpu.memory_space<hbm>>) dst(%arg5 : memref<40x128xi32, #tpu.memory_space<vmem>>)
            tpu.yield
          }) : () -> ()
          %scan3A_124 = arith.constant 0 : i32
          %scan3A_125 = arith.constant 40 : i32
          %scan3A_126 = arith.addi %scan3A_124, %scan3A_125 : i32
          %scan3A_127 = arith.constant 1 : i32
          scf.for %scan3A_129 = %scan3A_124 to %scan3A_126 step %scan3A_127  : i32 {
            %mul3A_130 = arith.constant 1 : i32
            %mul3A_131 = arith.muli %scan3A_129, %mul3A_130 : i32
            %add3A_132 = arith.constant 0 : i32
            %add3A_133 = arith.addi %add3A_132, %mul3A_131 : i32
            %get3A = arith.index_cast %add3A_133 : i32 to index
            %get3A_134 = arith.constant 0 : index
            %get3A_135 = tpu.vector_load %arg5[%get3A, %get3A_134] {strides = array<i32>} : memref<40x128xi32, #tpu.memory_space<vmem>>, vector<1x16xi32>,
            %get3A_136 = vector.shape_cast %get3A_135 : vector<1x16xi32> to vector<16xi32>
            %and3A_137 = arith.constant 65535 : i32
            %and3A_138 = vector.broadcast %and3A_137 : i32 to vector<16xi32>
            %and3A_139 = arith.andi %get3A_136, %and3A_138 : vector<16xi32>
            %swap3A = arith.index_cast %add3A_133 : i32 to index
            %swap3A_140 = arith.constant 0 : index
            %swap3A_141 = tpu.vector_load %arg4[%swap3A, %swap3A_140] {strides = array<i32>} : memref<40x128xi32, #tpu.memory_space<vmem>>, vector<1x16xi32>,
            %swap3A_142 = vector.shape_cast %swap3A_141 : vector<1x16xi32> to vector<16xi32>
            %swap3A_143 = vector.shape_cast %and3A_139 : vector<16xi32> to vector<1x16xi32>
            tpu.vector_store %arg4[%swap3A, %swap3A_140], %swap3A_143 {strides = array<i32>} : memref<40x128xi32, #tpu.memory_space<vmem>>, vector<1x16xi32>,
            %shift_right_arithmetic3A = arith.constant 16 : i32
            %shift_right_arithmetic3A_144 = vector.broadcast %shift_right_arithmetic3A : i32 to vector<16xi32>
            %shift_right_arithmetic3A_145 = arith.shrsi %get3A_136, %shift_right_arithmetic3A_144 : vector<16xi32>
            %swap3A_146 = arith.index_cast %add3A_133 : i32 to index
            %swap3A_147 = arith.constant 0 : index
            %swap3A_148 = tpu.vector_load %arg5[%swap3A_146, %swap3A_147] {strides = array<i32>} : memref<40x128xi32, #tpu.memory_space<vmem>>, vector<1x16xi32>,
            %swap3A_149 = vector.shape_cast %swap3A_148 : vector<1x16xi32> to vector<16xi32>
            %swap3A_150 = vector.shape_cast %shift_right_arithmetic3A_145 : vector<16xi32> to vector<1x16xi32>
            tpu.vector_store %arg5[%swap3A_146, %swap3A_147], %swap3A_150 {strides = array<i32>} : memref<40x128xi32, #tpu.memory_space<vmem>>, vector<1x16xi32>,
            %get3A_151 = arith.index_cast %add3A_133 : i32 to index
            %get3A_152 = arith.constant 16 : index
            %get3A_153 = tpu.vector_load %arg5[%get3A_151, %get3A_152] {strides = array<i32>} : memref<40x128xi32, #tpu.memory_space<vmem>>, vector<1x16xi32>,
            %get3A_154 = vector.shape_cast %get3A_153 : vector<1x16xi32> to vector<16xi32>
            %and3A_155 = arith.constant 65535 : i32
            %and3A_156 = vector.broadcast %and3A_155 : i32 to vector<16xi32>
            %and3A_157 = arith.andi %get3A_154, %and3A_156 : vector<16xi32>
            %swap3A_158 = arith.index_cast %add3A_133 : i32 to index
            %swap3A_159 = arith.constant 16 : index
            %swap3A_160 = tpu.vector_load %arg4[%swap3A_158, %swap3A_159] {strides = array<i32>} : memref<40x128xi32, #tpu.memory_space<vmem>>, vector<1x16xi32>,
            %swap3A_161 = vector.shape_cast %swap3A_160 : vector<1x16xi32> to vector<16xi32>
            %swap3A_162 = vector.shape_cast %and3A_157 : vector<16xi32> to vector<1x16xi32>
            tpu.vector_store %arg4[%swap3A_158, %swap3A_159], %swap3A_162 {strides = array<i32>} : memref<40x128xi32, #tpu.memory_space<vmem>>, vector<1x16xi32>,
            %shift_right_arithmetic3A_163 = arith.constant 16 : i32
            %shift_right_arithmetic3A_164 = vector.broadcast %shift_right_arithmetic3A_163 : i32 to vector<16xi32>
            %shift_right_arithmetic3A_165 = arith.shrsi %get3A_154, %shift_right_arithmetic3A_164 : vector<16xi32>
            %swap3A_166 = arith.index_cast %add3A_133 : i32 to index
            %swap3A_167 = arith.constant 16 : index
            %swap3A_168 = tpu.vector_load %arg5[%swap3A_166, %swap3A_167] {strides = array<i32>} : memref<40x128xi32, #tpu.memory_space<vmem>>, vector<1x16xi32>,
            %swap3A_169 = vector.shape_cast %swap3A_168 : vector<1x16xi32> to vector<16xi32>
            %swap3A_170 = vector.shape_cast %shift_right_arithmetic3A_165 : vector<16xi32> to vector<1x16xi32>
            tpu.vector_store %arg5[%swap3A_166, %swap3A_167], %swap3A_170 {strides = array<i32>} : memref<40x128xi32, #tpu.memory_space<vmem>>, vector<1x16xi32>,
            %get3A_171 = arith.index_cast %add3A_133 : i32 to index
            %get3A_172 = arith.constant 32 : index
            %get3A_173 = tpu.vector_load %arg5[%get3A_171, %get3A_172] {strides = array<i32>} : memref<40x128xi32, #tpu.memory_space<vmem>>, vector<1x16xi32>,
            %get3A_174 = vector.shape_cast %get3A_173 : vector<1x16xi32> to vector<16xi32>
            %and3A_175 = arith.constant 65535 : i32
            %and3A_176 = vector.broadcast %and3A_175 : i32 to vector<16xi32>
            %and3A_177 = arith.andi %get3A_174, %and3A_176 : vector<16xi32>
            %swap3A_178 = arith.index_cast %add3A_133 : i32 to index
            %swap3A_179 = arith.constant 32 : index
            %swap3A_180 = tpu.vector_load %arg4[%swap3A_178, %swap3A_179] {strides = array<i32>} : memref<40x128xi32, #tpu.memory_space<vmem>>, vector<1x16xi32>,
            %swap3A_181 = vector.shape_cast %swap3A_180 : vector<1x16xi32> to vector<16xi32>
            %swap3A_182 = vector.shape_cast %and3A_177 : vector<16xi32> to vector<1x16xi32>
            tpu.vector_store %arg4[%swap3A_178, %swap3A_179], %swap3A_182 {strides = array<i32>} : memref<40x128xi32, #tpu.memory_space<vmem>>, vector<1x16xi32>,
            %shift_right_arithmetic3A_183 = arith.constant 16 : i32
            %shift_right_arithmetic3A_184 = vector.broadcast %shift_right_arithmetic3A_183 : i32 to vector<16xi32>
            %shift_right_arithmetic3A_185 = arith.shrsi %get3A_174, %shift_right_arithmetic3A_184 : vector<16xi32>
            %swap3A_186 = arith.index_cast %add3A_133 : i32 to index
            %swap3A_187 = arith.constant 32 : index
            %swap3A_188 = tpu.vector_load %arg5[%swap3A_186, %swap3A_187] {strides = array<i32>} : memref<40x128xi32, #tpu.memory_space<vmem>>, vector<1x16xi32>,
            %swap3A_189 = vector.shape_cast %swap3A_188 : vector<1x16xi32> to vector<16xi32>
            %swap3A_190 = vector.shape_cast %shift_right_arithmetic3A_185 : vector<16xi32> to vector<1x16xi32>
            tpu.vector_store %arg5[%swap3A_186, %swap3A_187], %swap3A_190 {strides = array<i32>} : memref<40x128xi32, #tpu.memory_space<vmem>>, vector<1x16xi32>,
            %get3A_191 = arith.index_cast %add3A_133 : i32 to index
            %get3A_192 = arith.constant 48 : index
            %get3A_193 = tpu.vector_load %arg5[%get3A_191, %get3A_192] {strides = array<i32>} : memref<40x128xi32, #tpu.memory_space<vmem>>, vector<1x16xi32>,
            %get3A_194 = vector.shape_cast %get3A_193 : vector<1x16xi32> to vector<16xi32>
            %and3A_195 = arith.constant 65535 : i32
            %and3A_196 = vector.broadcast %and3A_195 : i32 to vector<16xi32>
            %and3A_197 = arith.andi %get3A_194, %and3A_196 : vector<16xi32>
            %swap3A_198 = arith.index_cast %add3A_133 : i32 to index
            %swap3A_199 = arith.constant 48 : index
            %swap3A_200 = tpu.vector_load %arg4[%swap3A_198, %swap3A_199] {strides = array<i32>} : memref<40x128xi32, #tpu.memory_space<vmem>>, vector<1x16xi32>,
            %swap3A_201 = vector.shape_cast %swap3A_200 : vector<1x16xi32> to vector<16xi32>
            %swap3A_202 = vector.shape_cast %and3A_197 : vector<16xi32> to vector<1x16xi32>
            tpu.vector_store %arg4[%swap3A_198, %swap3A_199], %swap3A_202 {strides = array<i32>} : memref<40x128xi32, #tpu.memory_space<vmem>>, vector<1x16xi32>,
            %shift_right_arithmetic3A_203 = arith.constant 16 : i32
            %shift_right_arithmetic3A_204 = vector.broadcast %shift_right_arithmetic3A_203 : i32 to vector<16xi32>
            %shift_right_arithmetic3A_205 = arith.shrsi %get3A_194, %shift_right_arithmetic3A_204 : vector<16xi32>
            %swap3A_206 = arith.index_cast %add3A_133 : i32 to index
            %swap3A_207 = arith.constant 48 : index
            %swap3A_208 = tpu.vector_load %arg5[%swap3A_206, %swap3A_207] {strides = array<i32>} : memref<40x128xi32, #tpu.memory_space<vmem>>, vector<1x16xi32>,
            %swap3A_209 = vector.shape_cast %swap3A_208 : vector<1x16xi32> to vector<16xi32>
            %swap3A_210 = vector.shape_cast %shift_right_arithmetic3A_205 : vector<16xi32> to vector<1x16xi32>
            tpu.vector_store %arg5[%swap3A_206, %swap3A_207], %swap3A_210 {strides = array<i32>} : memref<40x128xi32, #tpu.memory_space<vmem>>, vector<1x16xi32>,
            %get3A_211 = arith.index_cast %add3A_133 : i32 to index
            %get3A_212 = arith.constant 64 : index
            %get3A_213 = tpu.vector_load %arg5[%get3A_211, %get3A_212] {strides = array<i32>} : memref<40x128xi32, #tpu.memory_space<vmem>>, vector<1x16xi32>,
            %get3A_214 = vector.shape_cast %get3A_213 : vector<1x16xi32> to vector<16xi32>
            %and3A_215 = arith.constant 65535 : i32
            %and3A_216 = vector.broadcast %and3A_215 : i32 to vector<16xi32>
            %and3A_217 = arith.andi %get3A_214, %and3A_216 : vector<16xi32>
            %swap3A_218 = arith.index_cast %add3A_133 : i32 to index
            %swap3A_219 = arith.constant 64 : index
            %swap3A_220 = tpu.vector_load %arg4[%swap3A_218, %swap3A_219] {strides = array<i32>} : memref<40x128xi32, #tpu.memory_space<vmem>>, vector<1x16xi32>,
            %swap3A_221 = vector.shape_cast %swap3A_220 : vector<1x16xi32> to vector<16xi32>
            %swap3A_222 = vector.shape_cast %and3A_217 : vector<16xi32> to vector<1x16xi32>
            tpu.vector_store %arg4[%swap3A_218, %swap3A_219], %swap3A_222 {strides = array<i32>} : memref<40x128xi32, #tpu.memory_space<vmem>>, vector<1x16xi32>,
            %shift_right_arithmetic3A_223 = arith.constant 16 : i32
            %shift_right_arithmetic3A_224 = vector.broadcast %shift_right_arithmetic3A_223 : i32 to vector<16xi32>
            %shift_right_arithmetic3A_225 = arith.shrsi %get3A_214, %shift_right_arithmetic3A_224 : vector<16xi32>
            %swap3A_226 = arith.index_cast %add3A_133 : i32 to index
            %swap3A_227 = arith.constant 64 : index
            %swap3A_228 = tpu.vector_load %arg5[%swap3A_226, %swap3A_227] {strides = array<i32>} : memref<40x128xi32, #tpu.memory_space<vmem>>, vector<1x16xi32>,
            %swap3A_229 = vector.shape_cast %swap3A_228 : vector<1x16xi32> to vector<16xi32>
            %swap3A_230 = vector.shape_cast %shift_right_arithmetic3A_225 : vector<16xi32> to vector<1x16xi32>
            tpu.vector_store %arg5[%swap3A_226, %swap3A_227], %swap3A_230 {strides = array<i32>} : memref<40x128xi32, #tpu.memory_space<vmem>>, vector<1x16xi32>,
            %get3A_231 = arith.index_cast %add3A_133 : i32 to index
            %get3A_232 = arith.constant 80 : index
            %get3A_233 = tpu.vector_load %arg5[%get3A_231, %get3A_232] {strides = array<i32>} : memref<40x128xi32, #tpu.memory_space<vmem>>, vector<1x16xi32>,
            %get3A_234 = vector.shape_cast %get3A_233 : vector<1x16xi32> to vector<16xi32>
            %and3A_235 = arith.constant 65535 : i32
            %and3A_236 = vector.broadcast %and3A_235 : i32 to vector<16xi32>
            %and3A_237 = arith.andi %get3A_234, %and3A_236 : vector<16xi32>
            %swap3A_238 = arith.index_cast %add3A_133 : i32 to index
            %swap3A_239 = arith.constant 80 : index
            %swap3A_240 = tpu.vector_load %arg4[%swap3A_238, %swap3A_239] {strides = array<i32>} : memref<40x128xi32, #tpu.memory_space<vmem>>, vector<1x16xi32>,
            %swap3A_241 = vector.shape_cast %swap3A_240 : vector<1x16xi32> to vector<16xi32>
            %swap3A_242 = vector.shape_cast %and3A_237 : vector<16xi32> to vector<1x16xi32>
            tpu.vector_store %arg4[%swap3A_238, %swap3A_239], %swap3A_242 {strides = array<i32>} : memref<40x128xi32, #tpu.memory_space<vmem>>, vector<1x16xi32>,
            %shift_right_arithmetic3A_243 = arith.constant 16 : i32
            %shift_right_arithmetic3A_244 = vector.broadcast %shift_right_arithmetic3A_243 : i32 to vector<16xi32>
            %shift_right_arithmetic3A_245 = arith.shrsi %get3A_234, %shift_right_arithmetic3A_244 : vector<16xi32>
            %swap3A_246 = arith.index_cast %add3A_133 : i32 to index
            %swap3A_247 = arith.constant 80 : index
            %swap3A_248 = tpu.vector_load %arg5[%swap3A_246, %swap3A_247] {strides = array<i32>} : memref<40x128xi32, #tpu.memory_space<vmem>>, vector<1x16xi32>,
            %swap3A_249 = vector.shape_cast %swap3A_248 : vector<1x16xi32> to vector<16xi32>
            %swap3A_250 = vector.shape_cast %shift_right_arithmetic3A_245 : vector<16xi32> to vector<1x16xi32>
            tpu.vector_store %arg5[%swap3A_246, %swap3A_247], %swap3A_250 {strides = array<i32>} : memref<40x128xi32, #tpu.memory_space<vmem>>, vector<1x16xi32>,
            %get3A_251 = arith.index_cast %add3A_133 : i32 to index
            %get3A_252 = arith.constant 96 : index
            %get3A_253 = tpu.vector_load %arg5[%get3A_251, %get3A_252] {strides = array<i32>} : memref<40x128xi32, #tpu.memory_space<vmem>>, vector<1x16xi32>,
            %get3A_254 = vector.shape_cast %get3A_253 : vector<1x16xi32> to vector<16xi32>
            %and3A_255 = arith.constant 65535 : i32
            %and3A_256 = vector.broadcast %and3A_255 : i32 to vector<16xi32>
            %and3A_257 = arith.andi %get3A_254, %and3A_256 : vector<16xi32>
            %swap3A_258 = arith.index_cast %add3A_133 : i32 to index
            %swap3A_259 = arith.constant 96 : index
            %swap3A_260 = tpu.vector_load %arg4[%swap3A_258, %swap3A_259] {strides = array<i32>} : memref<40x128xi32, #tpu.memory_space<vmem>>, vector<1x16xi32>,
            %swap3A_261 = vector.shape_cast %swap3A_260 : vector<1x16xi32> to vector<16xi32>
            %swap3A_262 = vector.shape_cast %and3A_257 : vector<16xi32> to vector<1x16xi32>
            tpu.vector_store %arg4[%swap3A_258, %swap3A_259], %swap3A_262 {strides = array<i32>} : memref<40x128xi32, #tpu.memory_space<vmem>>, vector<1x16xi32>,
            %shift_right_arithmetic3A_263 = arith.constant 16 : i32
            %shift_right_arithmetic3A_264 = vector.broadcast %shift_right_arithmetic3A_263 : i32 to vector<16xi32>
            %shift_right_arithmetic3A_265 = arith.shrsi %get3A_254, %shift_right_arithmetic3A_264 : vector<16xi32>
            %swap3A_266 = arith.index_cast %add3A_133 : i32 to index
            %swap3A_267 = arith.constant 96 : index
            %swap3A_268 = tpu.vector_load %arg5[%swap3A_266, %swap3A_267] {strides = array<i32>} : memref<40x128xi32, #tpu.memory_space<vmem>>, vector<1x16xi32>,
            %swap3A_269 = vector.shape_cast %swap3A_268 : vector<1x16xi32> to vector<16xi32>
            %swap3A_270 = vector.shape_cast %shift_right_arithmetic3A_265 : vector<16xi32> to vector<1x16xi32>
            tpu.vector_store %arg5[%swap3A_266, %swap3A_267], %swap3A_270 {strides = array<i32>} : memref<40x128xi32, #tpu.memory_space<vmem>>, vector<1x16xi32>,
            %get3A_271 = arith.index_cast %add3A_133 : i32 to index
            %get3A_272 = arith.constant 112 : index
            %get3A_273 = tpu.vector_load %arg5[%get3A_271, %get3A_272] {strides = array<i32>} : memref<40x128xi32, #tpu.memory_space<vmem>>, vector<1x16xi32>,
            %get3A_274 = vector.shape_cast %get3A_273 : vector<1x16xi32> to vector<16xi32>
            %and3A_275 = arith.constant 65535 : i32
            %and3A_276 = vector.broadcast %and3A_275 : i32 to vector<16xi32>
            %and3A_277 = arith.andi %get3A_274, %and3A_276 : vector<16xi32>
            %swap3A_278 = arith.index_cast %add3A_133 : i32 to index
            %swap3A_279 = arith.constant 112 : index
            %swap3A_280 = tpu.vector_load %arg4[%swap3A_278, %swap3A_279] {strides = array<i32>} : memref<40x128xi32, #tpu.memory_space<vmem>>, vector<1x16xi32>,
            %swap3A_281 = vector.shape_cast %swap3A_280 : vector<1x16xi32> to vector<16xi32>
            %swap3A_282 = vector.shape_cast %and3A_277 : vector<16xi32> to vector<1x16xi32>
            tpu.vector_store %arg4[%swap3A_278, %swap3A_279], %swap3A_282 {strides = array<i32>} : memref<40x128xi32, #tpu.memory_space<vmem>>, vector<1x16xi32>,
            %shift_right_arithmetic3A_283 = arith.constant 16 : i32
            %shift_right_arithmetic3A_284 = vector.broadcast %shift_right_arithmetic3A_283 : i32 to vector<16xi32>
            %shift_right_arithmetic3A_285 = arith.shrsi %get3A_274, %shift_right_arithmetic3A_284 : vector<16xi32>
            %swap3A_286 = arith.index_cast %add3A_133 : i32 to index
            %swap3A_287 = arith.constant 112 : index
            %swap3A_288 = tpu.vector_load %arg5[%swap3A_286, %swap3A_287] {strides = array<i32>} : memref<40x128xi32, #tpu.memory_space<vmem>>, vector<1x16xi32>,
            %swap3A_289 = vector.shape_cast %swap3A_288 : vector<1x16xi32> to vector<16xi32>
            %swap3A_290 = vector.shape_cast %shift_right_arithmetic3A_285 : vector<16xi32> to vector<1x16xi32>
            tpu.vector_store %arg5[%swap3A_286, %swap3A_287], %swap3A_290 {strides = array<i32>} : memref<40x128xi32, #tpu.memory_space<vmem>>, vector<1x16xi32>,
          }
          %scan3A_128 = arith.constant 40 : i32
        } else {
        }
        %jit3A_82 = arith.constant 40 : i32
        %eq3A_83 = arith.constant 0 : i32
        %eq3A_84 = arith.cmpi eq, %jit3A_82, %eq3A_83 : i32
        %jit3A_85 = arith.constant 1 : i32
        %select_n3A_86 = arith.select %eq3A_84, %jit3A_85, %jit3A_82 : i32
        %rem3A_87 = arith.remsi %add3A_63, %select_n3A_86 : i32
        %ne3A_88 = arith.constant 0 : i32
        %ne3A_89 = arith.cmpi ne, %rem3A_87, %ne3A_88 : i32
        %lt3A_90 = arith.constant 0 : i32
        %lt3A_91 = arith.cmpi slt, %rem3A_87, %lt3A_90 : i32
        %lt3A_92 = arith.constant 0 : i32
        %lt3A_93 = arith.cmpi slt, %select_n3A_86, %lt3A_92 : i32
        %ne3A_94 = arith.xori %lt3A_91, %lt3A_93 : i1
        %and3A_95 = arith.andi %ne3A_94, %ne3A_89 : i1
        %add3A_96 = arith.addi %rem3A_87, %select_n3A_86 : i32
        %select_n3A_97 = arith.select %and3A_95, %add3A_96, %rem3A_87 : i32
        "tpu.region"() ({
          %run_scoped3A = tpu.sem_alloc : memref<!tpu.dma_semaphore, #tpu.memory_space<semaphore_mem>>
          %dma_start3A = arith.constant 0 : i32
          %dma_start3A_98 = tpu.memref_slice %arg4[%select_n3A_97, %dma_start3A] : memref<40x128xi32, #tpu.memory_space<vmem>> -> memref<1x128xi32, #tpu.memory_space<vmem>>
          %dma_start3A_99 = tpu.memref_squeeze %dma_start3A_98 : memref<1x128xi32, #tpu.memory_space<vmem>> -> memref<128xi32, #tpu.memory_space<vmem>>
          %dma_start3A_100 = arith.constant 0 : i32
          %dma_start3A_101 = tpu.memref_slice %arg8[%dma_start3A_100] : memref<10112xf32, #tpu.memory_space<vmem_shared>> -> memref<10112xf32, #tpu.memory_space<vmem_shared>>
          tpu.enqueue_indirect_dma source(%arg6 : memref<128xf32, #tpu.memory_space<vmem>>) target(%dma_start3A_101 : memref<10112xf32, #tpu.memory_space<vmem_shared>>) offsets(%dma_start3A_99 : memref<128xi32, #tpu.memory_space<vmem>>) semaphore(%run_scoped3A : memref<!tpu.dma_semaphore, #tpu.memory_space<semaphore_mem>>) {add = true}
          %dma_wait3A = arith.constant 0 : i32
          %dma_wait3A_102 = tpu.memref_slice %arg4[%select_n3A_97, %dma_wait3A] : memref<40x128xi32, #tpu.memory_space<vmem>> -> memref<1x128xi32, #tpu.memory_space<vmem>>
          %dma_wait3A_103 = tpu.memref_squeeze %dma_wait3A_102 : memref<1x128xi32, #tpu.memory_space<vmem>> -> memref<128xi32, #tpu.memory_space<vmem>>
          %dma_wait3A_104 = arith.constant 0 : i32
          %dma_wait3A_105 = tpu.memref_slice %arg8[%dma_wait3A_104] : memref<10112xf32, #tpu.memory_space<vmem_shared>> -> memref<10112xf32, #tpu.memory_space<vmem_shared>>
          tpu.wait_indirect_dma semaphore(%run_scoped3A : memref<!tpu.dma_semaphore, #tpu.memory_space<semaphore_mem>>) src(%arg6 : memref<128xf32, #tpu.memory_space<vmem>>) dst(%dma_wait3A_105 : memref<10112xf32, #tpu.memory_space<vmem_shared>>)
          tpu.yield
        }) : () -> ()
        "tpu.region"() ({
          %run_scoped3A = tpu.sem_alloc : memref<!tpu.dma_semaphore, #tpu.memory_space<semaphore_mem>>
          %dma_start3A = arith.constant 0 : i32
          %dma_start3A_98 = tpu.memref_slice %arg5[%select_n3A_97, %dma_start3A] : memref<40x128xi32, #tpu.memory_space<vmem>> -> memref<1x128xi32, #tpu.memory_space<vmem>>
          %dma_start3A_99 = tpu.memref_squeeze %dma_start3A_98 : memref<1x128xi32, #tpu.memory_space<vmem>> -> memref<128xi32, #tpu.memory_space<vmem>>
          %dma_start3A_100 = arith.constant 0 : i32
          %dma_start3A_101 = tpu.memref_slice %arg9[%dma_start3A_100] : memref<10112xf32, #tpu.memory_space<vmem_shared>> -> memref<10112xf32, #tpu.memory_space<vmem_shared>>
          tpu.enqueue_indirect_dma source(%arg6 : memref<128xf32, #tpu.memory_space<vmem>>) target(%dma_start3A_101 : memref<10112xf32, #tpu.memory_space<vmem_shared>>) offsets(%dma_start3A_99 : memref<128xi32, #tpu.memory_space<vmem>>) semaphore(%run_scoped3A : memref<!tpu.dma_semaphore, #tpu.memory_space<semaphore_mem>>) {add = true}
          %dma_wait3A = arith.constant 0 : i32
          %dma_wait3A_102 = tpu.memref_slice %arg5[%select_n3A_97, %dma_wait3A] : memref<40x128xi32, #tpu.memory_space<vmem>> -> memref<1x128xi32, #tpu.memory_space<vmem>>
          %dma_wait3A_103 = tpu.memref_squeeze %dma_wait3A_102 : memref<1x128xi32, #tpu.memory_space<vmem>> -> memref<128xi32, #tpu.memory_space<vmem>>
          %dma_wait3A_104 = arith.constant 0 : i32
          %dma_wait3A_105 = tpu.memref_slice %arg9[%dma_wait3A_104] : memref<10112xf32, #tpu.memory_space<vmem_shared>> -> memref<10112xf32, #tpu.memory_space<vmem_shared>>
          tpu.wait_indirect_dma semaphore(%run_scoped3A : memref<!tpu.dma_semaphore, #tpu.memory_space<semaphore_mem>>) src(%arg6 : memref<128xf32, #tpu.memory_space<vmem>>) dst(%dma_wait3A_105 : memref<10112xf32, #tpu.memory_space<vmem_shared>>)
          tpu.yield
        }) : () -> ()
      }
    } else {
    }
    %barrier3A_24 = arith.constant 0 : index
    tpu.barrier barrier_id(%barrier3A_24)
    %mul3A_25 = arith.constant 632 : i32
    %mul3A_26 = arith.muli %arg1, %mul3A_25 : i32
    "tpu.region"() ({
      %run_scoped3A = tpu.sem_alloc : memref<!tpu.dma_semaphore, #tpu.memory_space<semaphore_mem>>
      %dma_start3A = arith.constant 0 : i32
      %dma_start3A_45 = tpu.memref_slice %arg7[%dma_start3A] : memref<640xf32, #tpu.memory_space<vmem>> -> memref<632xf32, #tpu.memory_space<vmem>>
      %dma_start3A_46 = tpu.memref_slice %arg8[%mul3A_26] : memref<10112xf32, #tpu.memory_space<vmem_shared>> -> memref<632xf32, #tpu.memory_space<vmem_shared>>
      %dma_start3A_47 = arith.constant 0 : i32
      %dma_start3A_48 = tpu.memref_slice %arg7[%dma_start3A_47] : memref<640xf32, #tpu.memory_space<vmem>> -> memref<632xf32, #tpu.memory_space<vmem>>
      %dma_start3A_49 = tpu.memref_slice %arg8[%mul3A_26] : memref<10112xf32, #tpu.memory_space<vmem_shared>> -> memref<632xf32, #tpu.memory_space<vmem_shared>>
      tpu.enqueue_dma source(%dma_start3A_49 : memref<632xf32, #tpu.memory_space<vmem_shared>>) target(%dma_start3A_48 : memref<632xf32, #tpu.memory_space<vmem>>) target_semaphore(%run_scoped3A : memref<!tpu.dma_semaphore, #tpu.memory_space<semaphore_mem>>)
      %dma_wait3A = arith.constant 0 : i32
      %dma_wait3A_50 = tpu.memref_slice %arg7[%dma_wait3A] : memref<640xf32, #tpu.memory_space<vmem>> -> memref<632xf32, #tpu.memory_space<vmem>>
      %dma_wait3A_51 = tpu.memref_slice %arg8[%mul3A_26] : memref<10112xf32, #tpu.memory_space<vmem_shared>> -> memref<632xf32, #tpu.memory_space<vmem_shared>>
      %dma_wait3A_52 = arith.constant 0 : i32
      %dma_wait3A_53 = tpu.memref_slice %arg7[%dma_wait3A_52] : memref<640xf32, #tpu.memory_space<vmem>> -> memref<632xf32, #tpu.memory_space<vmem>>
      %dma_wait3A_54 = tpu.memref_slice %arg8[%mul3A_26] : memref<10112xf32, #tpu.memory_space<vmem_shared>> -> memref<632xf32, #tpu.memory_space<vmem_shared>>
      tpu.wait_dma2 semaphore(%run_scoped3A : memref<!tpu.dma_semaphore, #tpu.memory_space<semaphore_mem>>) src(%dma_wait3A_54 : memref<632xf32, #tpu.memory_space<vmem_shared>>) dst(%dma_wait3A_53 : memref<632xf32, #tpu.memory_space<vmem>>)
      tpu.yield
    }) : () -> ()
    %mul3A_27 = arith.constant 2 : i32
    %mul3A_28 = arith.muli %arg0, %mul3A_27 : i32
    %mul3A_29 = arith.constant 10112 : i32
    %mul3A_30 = arith.muli %mul3A_28, %mul3A_29 : i32
    %mul3A_31 = arith.constant 632 : i32
    %mul3A_32 = arith.muli %arg1, %mul3A_31 : i32
    %add3A_33 = arith.addi %mul3A_30, %mul3A_32 : i32
    "tpu.region"() ({
      %run_scoped3A = tpu.sem_alloc : memref<!tpu.dma_semaphore, #tpu.memory_space<semaphore_mem>>
      %dma_start3A = arith.constant 0 : i32
      %dma_start3A_45 = tpu.memref_slice %arg7[%dma_start3A] : memref<640xf32, #tpu.memory_space<vmem>> -> memref<632xf32, #tpu.memory_space<vmem>>
      %dma_start3A_46 = tpu.memref_slice %arg3[%add3A_33] : memref<40448xf32, #tpu.memory_space<hbm>> -> memref<632xf32, #tpu.memory_space<hbm>>
      %dma_start3A_47 = tpu.memref_slice %arg3[%add3A_33] : memref<40448xf32, #tpu.memory_space<hbm>> -> memref<632xf32, #tpu.memory_space<hbm>>
      %dma_start3A_48 = arith.constant 0 : i32
      %dma_start3A_49 = tpu.memref_slice %arg7[%dma_start3A_48] : memref<640xf32, #tpu.memory_space<vmem>> -> memref<632xf32, #tpu.memory_space<vmem>>
      tpu.enqueue_dma source(%dma_start3A_49 : memref<632xf32, #tpu.memory_space<vmem>>) target(%dma_start3A_47 : memref<632xf32, #tpu.memory_space<hbm>>) target_semaphore(%run_scoped3A : memref<!tpu.dma_semaphore, #tpu.memory_space<semaphore_mem>>)
      %dma_wait3A = arith.constant 0 : i32
      %dma_wait3A_50 = tpu.memref_slice %arg7[%dma_wait3A] : memref<640xf32, #tpu.memory_space<vmem>> -> memref<632xf32, #tpu.memory_space<vmem>>
      %dma_wait3A_51 = tpu.memref_slice %arg3[%add3A_33] : memref<40448xf32, #tpu.memory_space<hbm>> -> memref<632xf32, #tpu.memory_space<hbm>>
      %dma_wait3A_52 = tpu.memref_slice %arg3[%add3A_33] : memref<40448xf32, #tpu.memory_space<hbm>> -> memref<632xf32, #tpu.memory_space<hbm>>
      %dma_wait3A_53 = arith.constant 0 : i32
      %dma_wait3A_54 = tpu.memref_slice %arg7[%dma_wait3A_53] : memref<640xf32, #tpu.memory_space<vmem>> -> memref<632xf32, #tpu.memory_space<vmem>>
      tpu.wait_dma2 semaphore(%run_scoped3A : memref<!tpu.dma_semaphore, #tpu.memory_space<semaphore_mem>>) src(%dma_wait3A_54 : memref<632xf32, #tpu.memory_space<vmem>>) dst(%dma_wait3A_52 : memref<632xf32, #tpu.memory_space<hbm>>)
      tpu.yield
    }) : () -> ()
    %mul3A_34 = arith.constant 632 : i32
    %mul3A_35 = arith.muli %arg1, %mul3A_34 : i32
    "tpu.region"() ({
      %run_scoped3A = tpu.sem_alloc : memref<!tpu.dma_semaphore, #tpu.memory_space<semaphore_mem>>
      %dma_start3A = arith.constant 0 : i32
      %dma_start3A_45 = tpu.memref_slice %arg7[%dma_start3A] : memref<640xf32, #tpu.memory_space<vmem>> -> memref<632xf32, #tpu.memory_space<vmem>>
      %dma_start3A_46 = tpu.memref_slice %arg9[%mul3A_35] : memref<10112xf32, #tpu.memory_space<vmem_shared>> -> memref<632xf32, #tpu.memory_space<vmem_shared>>
      %dma_start3A_47 = arith.constant 0 : i32
      %dma_start3A_48 = tpu.memref_slice %arg7[%dma_start3A_47] : memref<640xf32, #tpu.memory_space<vmem>> -> memref<632xf32, #tpu.memory_space<vmem>>
      %dma_start3A_49 = tpu.memref_slice %arg9[%mul3A_35] : memref<10112xf32, #tpu.memory_space<vmem_shared>> -> memref<632xf32, #tpu.memory_space<vmem_shared>>
      tpu.enqueue_dma source(%dma_start3A_49 : memref<632xf32, #tpu.memory_space<vmem_shared>>) target(%dma_start3A_48 : memref<632xf32, #tpu.memory_space<vmem>>) target_semaphore(%run_scoped3A : memref<!tpu.dma_semaphore, #tpu.memory_space<semaphore_mem>>)
      %dma_wait3A = arith.constant 0 : i32
      %dma_wait3A_50 = tpu.memref_slice %arg7[%dma_wait3A] : memref<640xf32, #tpu.memory_space<vmem>> -> memref<632xf32, #tpu.memory_space<vmem>>
      %dma_wait3A_51 = tpu.memref_slice %arg9[%mul3A_35] : memref<10112xf32, #tpu.memory_space<vmem_shared>> -> memref<632xf32, #tpu.memory_space<vmem_shared>>
      %dma_wait3A_52 = arith.constant 0 : i32
      %dma_wait3A_53 = tpu.memref_slice %arg7[%dma_wait3A_52] : memref<640xf32, #tpu.memory_space<vmem>> -> memref<632xf32, #tpu.memory_space<vmem>>
      %dma_wait3A_54 = tpu.memref_slice %arg9[%mul3A_35] : memref<10112xf32, #tpu.memory_space<vmem_shared>> -> memref<632xf32, #tpu.memory_space<vmem_shared>>
      tpu.wait_dma2 semaphore(%run_scoped3A : memref<!tpu.dma_semaphore, #tpu.memory_space<semaphore_mem>>) src(%dma_wait3A_54 : memref<632xf32, #tpu.memory_space<vmem_shared>>) dst(%dma_wait3A_53 : memref<632xf32, #tpu.memory_space<vmem>>)
      tpu.yield
    }) : () -> ()
    %mul3A_36 = arith.constant 2 : i32
    %mul3A_37 = arith.muli %arg0, %mul3A_36 : i32
    %add3A_38 = arith.constant 1 : i32
    %add3A_39 = arith.addi %mul3A_37, %add3A_38 : i32
    %mul3A_40 = arith.constant 10112 : i32
    %mul3A_41 = arith.muli %add3A_39, %mul3A_40 : i32
    %mul3A_42 = arith.constant 632 : i32
    %mul3A_43 = arith.muli %arg1, %mul3A_42 : i32
    %add3A_44 = arith.addi %mul3A_41, %mul3A_43 : i32
    "tpu.region"() ({
      %run_scoped3A = tpu.sem_alloc : memref<!tpu.dma_semaphore, #tpu.memory_space<semaphore_mem>>
      %dma_start3A = arith.constant 0 : i32
      %dma_start3A_45 = tpu.memref_slice %arg7[%dma_start3A] : memref<640xf32, #tpu.memory_space<vmem>> -> memref<632xf32, #tpu.memory_space<vmem>>
      %dma_start3A_46 = tpu.memref_slice %arg3[%add3A_44] : memref<40448xf32, #tpu.memory_space<hbm>> -> memref<632xf32, #tpu.memory_space<hbm>>
      %dma_start3A_47 = tpu.memref_slice %arg3[%add3A_44] : memref<40448xf32, #tpu.memory_space<hbm>> -> memref<632xf32, #tpu.memory_space<hbm>>
      %dma_start3A_48 = arith.constant 0 : i32
      %dma_start3A_49 = tpu.memref_slice %arg7[%dma_start3A_48] : memref<640xf32, #tpu.memory_space<vmem>> -> memref<632xf32, #tpu.memory_space<vmem>>
      tpu.enqueue_dma source(%dma_start3A_49 : memref<632xf32, #tpu.memory_space<vmem>>) target(%dma_start3A_47 : memref<632xf32, #tpu.memory_space<hbm>>) target_semaphore(%run_scoped3A : memref<!tpu.dma_semaphore, #tpu.memory_space<semaphore_mem>>)
      %dma_wait3A = arith.constant 0 : i32
      %dma_wait3A_50 = tpu.memref_slice %arg7[%dma_wait3A] : memref<640xf32, #tpu.memory_space<vmem>> -> memref<632xf32, #tpu.memory_space<vmem>>
      %dma_wait3A_51 = tpu.memref_slice %arg3[%add3A_44] : memref<40448xf32, #tpu.memory_space<hbm>> -> memref<632xf32, #tpu.memory_space<hbm>>
      %dma_wait3A_52 = tpu.memref_slice %arg3[%add3A_44] : memref<40448xf32, #tpu.memory_space<hbm>> -> memref<632xf32, #tpu.memory_space<hbm>>
      %dma_wait3A_53 = arith.constant 0 : i32
      %dma_wait3A_54 = tpu.memref_slice %arg7[%dma_wait3A_53] : memref<640xf32, #tpu.memory_space<vmem>> -> memref<632xf32, #tpu.memory_space<vmem>>
      tpu.wait_dma2 semaphore(%run_scoped3A : memref<!tpu.dma_semaphore, #tpu.memory_space<semaphore_mem>>) src(%dma_wait3A_54 : memref<632xf32, #tpu.memory_space<vmem>>) dst(%dma_wait3A_52 : memref<632xf32, #tpu.memory_space<hbm>>)
      tpu.yield
    }) : () -> ()
    return
  }
}

module attributes {stable_mosaic.version = 14 : i64} {
  func.func @_fc_body(%arg0: memref<10112x128xf32, #tpu.memory_space<vmem>>, %arg1: memref<128x128xf32, #tpu.memory_space<vmem>>, %arg2: memref<128xf32, #tpu.memory_space<vmem>>, %arg3: memref<2x2x10112xf32, #tpu.memory_space<vmem>>, %arg4: memref<10112x128xf32, #tpu.memory_space<vmem>>) attributes {dimension_semantics = [], scalar_prefetch = 0 : i64, scratch_operands = 0 : i64, tpu.core_type = #tpu.core_type<tc>} {
    %get3A = arith.constant 0 : index
    %get3A_0 = arith.constant 0 : index
    %get3A_1 = arith.constant 0 : index
    %get3A_2 = vector.load %arg3[%get3A, %get3A_0, %get3A_1] : memref<2x2x10112xf32, #tpu.memory_space<vmem>>, vector<1x1x10112xf32>
    %get3A_3 = vector.shape_cast %get3A_2 : vector<1x1x10112xf32> to vector<10112xf32>
    %get3A_4 = arith.constant 1 : index
    %get3A_5 = arith.constant 0 : index
    %get3A_6 = arith.constant 0 : index
    %get3A_7 = vector.load %arg3[%get3A_4, %get3A_5, %get3A_6] : memref<2x2x10112xf32, #tpu.memory_space<vmem>>, vector<1x1x10112xf32>
    %get3A_8 = vector.shape_cast %get3A_7 : vector<1x1x10112xf32> to vector<10112xf32>
    %add3A = arith.addf %get3A_3, %get3A_8 : vector<10112xf32>
    %max3A = arith.constant 1.000000e+00 : f32
    %max3A_9 = vector.broadcast %max3A : f32 to vector<10112xf32>
    %max3A_10 = arith.maximumf %add3A, %max3A_9 : vector<10112xf32>
    %rsqrt3A = math.rsqrt %max3A_10 : vector<10112xf32>
    %broadcast_in_dim3A = vector.shape_cast %rsqrt3A : vector<10112xf32> to vector<10112x1xf32>
    %get3A_11 = arith.constant 0 : index
    %get3A_12 = arith.constant 0 : index
    %get3A_13 = vector.load %arg0[%get3A_11, %get3A_12] : memref<10112x128xf32, #tpu.memory_space<vmem>>, vector<10112x128xf32>
    %get3A_14 = arith.constant 0 : index
    %get3A_15 = arith.constant 0 : index
    %get3A_16 = vector.load %arg1[%get3A_14, %get3A_15] : memref<128x128xf32, #tpu.memory_space<vmem>>, vector<128x128xf32>
    %dot_general3A = arith.constant dense<0.000000e+00> : vector<10112x128xf32>
    %dot_general3A_17 = tpu.matmul %get3A_13, %get3A_16, %dot_general3A {dimension_numbers = #tpu.dot_dimension_numbers<[1], [0], [0], [1], [0, 0, 1, 1], [], []>, transpose_lhs_hint = false} : vector<10112x128xf32>, vector<128x128xf32>, vector<10112x128xf32> -> vector<10112x128xf32>
    %get3A_18 = arith.constant 0 : index
    %get3A_19 = vector.load %arg2[%get3A_18] : memref<128xf32, #tpu.memory_space<vmem>>, vector<128xf32>
    %broadcast_in_dim3A_20 = vector.shape_cast %get3A_19 : vector<128xf32> to vector<1x128xf32>
    %add3A_21 = vector.broadcast %broadcast_in_dim3A_20 : vector<1x128xf32> to vector<10112x128xf32>
    %add3A_22 = arith.addf %dot_general3A_17, %add3A_21 : vector<10112x128xf32>
    %mul3A = vector.broadcast %broadcast_in_dim3A : vector<10112x1xf32> to vector<10112x128xf32>
    %mul3A_23 = arith.mulf %add3A_22, %mul3A : vector<10112x128xf32>
    %swap3A = arith.constant 0 : index
    %swap3A_24 = arith.constant 0 : index
    %swap3A_25 = vector.load %arg4[%swap3A, %swap3A_24] : memref<10112x128xf32, #tpu.memory_space<vmem>>, vector<10112x128xf32>
    tpu.vector_store %arg4[%swap3A, %swap3A_24], %mul3A_23 {strides = array<i32>} : memref<10112x128xf32, #tpu.memory_space<vmem>>, vector<10112x128xf32>,
    return
  }
}

module attributes {stable_mosaic.version = 14 : i64} {
  func.func @_comb_body(%arg0: memref<2x10112x128xf32, #tpu.memory_space<vmem>>, %arg1: memref<2x2x10112xf32, #tpu.memory_space<vmem>>, %arg2: memref<10112x128xf32, #tpu.memory_space<vmem>>, %arg3: memref<10112x128xf32, #tpu.memory_space<vmem>>) attributes {dimension_semantics = [], scalar_prefetch = 0 : i64, scratch_operands = 0 : i64, tpu.core_type = #tpu.core_type<tc>} {
    %get3A = arith.constant 0 : index
    %get3A_0 = arith.constant 1 : index
    %get3A_1 = arith.constant 0 : index
    %get3A_2 = vector.load %arg1[%get3A, %get3A_0, %get3A_1] : memref<2x2x10112xf32, #tpu.memory_space<vmem>>, vector<1x1x10112xf32>
    %get3A_3 = vector.shape_cast %get3A_2 : vector<1x1x10112xf32> to vector<10112xf32>
    %get3A_4 = arith.constant 1 : index
    %get3A_5 = arith.constant 1 : index
    %get3A_6 = arith.constant 0 : index
    %get3A_7 = vector.load %arg1[%get3A_4, %get3A_5, %get3A_6] : memref<2x2x10112xf32, #tpu.memory_space<vmem>>, vector<1x1x10112xf32>
    %get3A_8 = vector.shape_cast %get3A_7 : vector<1x1x10112xf32> to vector<10112xf32>
    %add3A = arith.addf %get3A_3, %get3A_8 : vector<10112xf32>
    %max3A = arith.constant 1.000000e+00 : f32
    %max3A_9 = vector.broadcast %max3A : f32 to vector<10112xf32>
    %max3A_10 = arith.maximumf %add3A, %max3A_9 : vector<10112xf32>
    %rsqrt3A = math.rsqrt %max3A_10 : vector<10112xf32>
    %broadcast_in_dim3A = vector.shape_cast %rsqrt3A : vector<10112xf32> to vector<10112x1xf32>
    %get3A_11 = arith.constant 0 : index
    %get3A_12 = arith.constant 0 : index
    %get3A_13 = arith.constant 0 : index
    %get3A_14 = vector.load %arg0[%get3A_11, %get3A_12, %get3A_13] : memref<2x10112x128xf32, #tpu.memory_space<vmem>>, vector<1x10112x128xf32>
    %get3A_15 = vector.shape_cast %get3A_14 : vector<1x10112x128xf32> to vector<10112x128xf32>
    %get3A_16 = arith.constant 1 : index
    %get3A_17 = arith.constant 0 : index
    %get3A_18 = arith.constant 0 : index
    %get3A_19 = vector.load %arg0[%get3A_16, %get3A_17, %get3A_18] : memref<2x10112x128xf32, #tpu.memory_space<vmem>>, vector<1x10112x128xf32>
    %get3A_20 = vector.shape_cast %get3A_19 : vector<1x10112x128xf32> to vector<10112x128xf32>
    %add3A_21 = arith.addf %get3A_15, %get3A_20 : vector<10112x128xf32>
    %mul3A = vector.broadcast %broadcast_in_dim3A : vector<10112x1xf32> to vector<10112x128xf32>
    %mul3A_22 = arith.mulf %add3A_21, %mul3A : vector<10112x128xf32>
    %get3A_23 = arith.constant 0 : index
    %get3A_24 = arith.constant 0 : index
    %get3A_25 = vector.load %arg2[%get3A_23, %get3A_24] : memref<10112x128xf32, #tpu.memory_space<vmem>>, vector<10112x128xf32>
    %add3A_26 = arith.addf %mul3A_22, %get3A_25 : vector<10112x128xf32>
    %swap3A = arith.constant 0 : index
    %swap3A_27 = arith.constant 0 : index
    %swap3A_28 = vector.load %arg3[%swap3A, %swap3A_27] : memref<10112x128xf32, #tpu.memory_space<vmem>>, vector<10112x128xf32>
    tpu.vector_store %arg3[%swap3A, %swap3A_27], %add3A_26 {strides = array<i32>} : memref<10112x128xf32, #tpu.memory_space<vmem>>, vector<10112x128xf32>,
    return
  }
}

</mosaic_0001>

<sc_bundles>
// kernel: kernel.6.cloned.1.call-start
scs
__scs_entry_jumppad:
0x0: {  	(pc) =	sbr.rel $0x88, $3  }
0x1: {  	(tag) =	ssettag $0x0;
	lr =	simm.s32 $0x1  }
0x2: {  	[smem:$0x3F9D] =	sst lr;
	_ =	strace $0xD0000000  }
0x3: {  	_ = 	snop  }
0x4: {  	_ = 	snop  }
0x5: {  	_ = 	snop  }
0x6: {  	_ = 	snop  }
0x7: {  	_ = 	snop  }
__scs_overlays_trampoline_lowered:
0x8: {  	[smem:$0x3FAC] =	sst s0  }
0x9: {  	[smem:$0x3FAD] =	sst s1  }
0xa: {  	[smem:$0x3FAE] =	sst s2  }
0xb: {  	[smem:$0x3FAF] =	sst s3  }
0xc: {  	[smem:$0x3FB0] =	sst s4  }
0xd: {  	[smem:$0x3FB1] =	sst s5  }
0xe: {  	[smem:$0x3FB2] =	sst s6  }
0xf: {  	[smem:$0x3FB3] =	sst s7  }
0x10: {  	[smem:$0x3FB4] =	sst s8  }
0x11: {  	[smem:$0x3FB5] =	sst s9;
	s0 =	simm.s32 @!p0 $0x0  }
0x12: {  	s1 =	sld [smem:$0x3F9B];
	s0 =	simm.s32 @p0 $0x1  }
0x13: {  	[smem:$0x3FB6] =	sst s0;
	s0 =	simm.s32 @!p1 $0x0  }
0x14: {  	s2 =	sld [smem:$0x3F9A];
	s0 =	simm.s32 @p1 $0x1  }
0x15: {  	[smem:$0x3FB7] =	sst s0;
	s0 =	simm.s32 @!p2 $0x0  }
0x16: {  	s3 =	sld [smem:$0x3FDB];
	s0 =	simm.s32 @p2 $0x1  }
0x17: {  	s4 =	simm.s32 $0x1BF5;
	[smem:$0x3FB9] =	sst s0  }
0x18: {  	s0 =	sld [smem:$0x3F9C];
	_ =	swait.ge [sflag:s4], $0x0  }
0x19: {  	s7 =	sld [smem:$0x3F9D]  }
0x1a: {  	s8 =	sadd.s32 $0xFFFFE003, lr  }
0x1b: {  	s9 =	sadd.s32 $0xFFFFFEF7, lr;
	s5 =	simm.s32 $0xFFFFFFFF;
	p2 =	slt.u32 s8, $0xFFFFF086  }
0x1c: {  	p1 =	slt.u32 s9, $0xF7A;
	s5 =	simm.s32 @!p2 $0x0  }
0x1d: {  	s5 =	simm.s32 @p1 $0x1;
	p0 =	seq.s32 s7, s2  }
0x1e: {  	s7 =	smul.u32 @!p0 $0xF7A, s2;
	p2 =	seq.s32 @!p0 s5, $0x0  }
0x1f: {  	s9 =	smul.u32 $0xF7A, s1;
	s8 =	simm.s32 @!p0 $0x1BF5;
	p2 =	por !p2, p0  }
0x20: {  	[sflag:s8] =	ssyncset.s32 @!p0 $0xFFFFF086;
	s6 =	sadd.s32 @!p0 s3, s7;
	s7 =	simm.s32 @!p0 $0x108  }
0x21: {  	s3 =	sadd.s32 s3, s9;
	s6 =	sadd.s32 @!p0 $0x88, s6;
	s7 =	simm.s32 @p2 $0x1082  }
0x22: {  	[simem:s7], [sflag:s8] =	dma.local @!p0 [hbm:s6], $0xF7A  }
0x23: {  	s9 =	sor.u32 $0xD0000000, s2;
	s6 =	simm.s32 $0x108;
	_ =	swait.ge @!p0 [sflag:s8], $0x0  }
0x24: {  	s3 =	sadd.s32 $0x88, s3;
	s6 =	simm.s32 @!p1 $0x1082;
	[sflag:s4] =	ssyncset.s32 $0xFFFFF086  }
0x25: {  	[simem:s6], [sflag:s4] =	dma.local [hbm:s3], $0xF7A  }
0x26: {  	[smem:$0x3F9D] =	sst s1;
	(tag) =	ssettag s2;
	_ =	strace s9  }
0x27: {  	s1 =	sld [smem:$0x3FAD]  }
0x28: {  	s2 =	sld [smem:$0x3FAE]  }
0x29: {  	s4 =	sld [smem:$0x3FB0]  }
0x2a: {  	p0 =	seq.s32 s5, $0x0;
	s5 =	sld [smem:$0x3FB1]  }
0x2b: {  	s6 =	sld [smem:$0x3FB2]  }
0x2c: {  	s7 =	sld [smem:$0x3FB3]  }
0x2d: {  	s3 =	simm.s32 $0x108;
	s8 =	sld [smem:$0x3FB4]  }
0x2e: {  	s3 =	simm.s32 @!p0 $0x1082;
	s9 =	sld [smem:$0x3FB5]  }
0x2f: {  	lr =	sadd.s32 s0, s3;
	s0 =	sld [smem:$0x3FAC]  }
0x30: {  	s3 =	sld [smem:$0x3FAF]  }
0x31: {  	[smem:$0x3FB8] =	sst s10  }
0x32: {  	s10 =	sld [smem:$0x3FB6];
	_ =	sdelay $0x3  }
0x33: {  	p0 =	seq.s32 s10, $0x1;
	s10 =	sld [smem:$0x3FB8];
	_ =	sdelay $0x3  }
0x34: {  	[smem:$0x3FB8] =	sst s10  }
0x35: {  	s10 =	sld [smem:$0x3FB7];
	_ =	sdelay $0x3  }
0x36: {  	p1 =	seq.s32 s10, $0x1;
	s10 =	sld [smem:$0x3FB8];
	_ =	sdelay $0x3  }
0x37: {  	[smem:$0x3FB8] =	sst s10  }
0x38: {  	s10 =	sld [smem:$0x3FB9]  }
0x39: {  	_ = 	snop;
	(pc) =	sbr.ind lr, $3  }
0x3a: {  	_ = 	snop  }
0x3b: {  	_ = 	snop  }
0x3c: {  	p2 =	seq.s32 s10, $0x1;
	s10 =	sld [smem:$0x3FB8]  }
0x3d: {  	_ =	shalt  }
0x3e: {  	_ =	shalt  }
0x3f: {  	_ =	shalt  }
0x40: {  	_ =	shalt  }
0x41: {  	_ =	shalt  }
0x42: {  	_ =	shalt  }
0x43: {  	_ =	shalt  }
0x44: {  	_ =	shalt  }
0x45: {  	_ =	shalt  }
0x46: {  	_ =	shalt  }
0x47: {  	_ =	shalt  }
0x48: {  	_ =	shalt  }
0x49: {  	_ =	shalt  }
0x4a: {  	_ =	shalt  }
0x4b: {  	_ =	shalt  }
0x4c: {  	_ =	shalt  }
0x4d: {  	_ =	shalt  }
0x4e: {  	_ =	shalt  }
0x4f: {  	_ =	shalt  }
0x50: {  	_ =	shalt  }
0x51: {  	_ =	shalt  }
0x52: {  	_ =	shalt  }
0x53: {  	_ =	shalt  }
0x54: {  	_ =	shalt  }
0x55: {  	_ =	shalt  }
0x56: {  	_ =	shalt  }
0x57: {  	_ =	shalt  }
0x58: {  	_ =	shalt  }
0x59: {  	_ =	shalt  }
0x5a: {  	_ =	shalt  }
0x5b: {  	_ =	shalt  }
0x5c: {  	_ =	shalt  }
0x5d: {  	_ =	shalt  }
0x5e: {  	_ =	shalt  }
0x5f: {  	_ =	shalt  }
0x60: {  	_ =	shalt  }
0x61: {  	_ =	shalt  }
0x62: {  	_ =	shalt  }
0x63: {  	_ =	shalt  }
0x64: {  	_ =	shalt  }
0x65: {  	_ =	shalt  }
0x66: {  	_ =	shalt  }
0x67: {  	_ =	shalt  }
0x68: {  	_ =	shalt  }
0x69: {  	_ =	shalt  }
0x6a: {  	_ =	shalt  }
0x6b: {  	_ =	shalt  }
0x6c: {  	_ =	shalt  }
0x6d: {  	_ =	shalt  }
0x6e: {  	_ =	shalt  }
0x6f: {  	_ =	shalt  }
0x70: {  	_ =	shalt  }
0x71: {  	_ =	shalt  }
0x72: {  	_ =	shalt  }
0x73: {  	_ =	shalt  }
0x74: {  	_ =	shalt  }
0x75: {  	_ =	shalt  }
0x76: {  	_ =	shalt  }
0x77: {  	_ =	shalt  }
0x78: {  	_ =	shalt  }
0x79: {  	_ =	shalt  }
0x7a: {  	_ =	shalt  }
0x7b: {  	_ =	shalt  }
0x7c: {  	_ =	shalt  }
0x7d: {  	_ =	shalt  }
0x7e: {  	_ =	shalt  }
0x7f: {  	_ =	shalt  }
0x80: {  	_ =	shalt  }
0x81: {  	_ =	shalt  }
0x82: {  	_ =	shalt  }
0x83: {  	_ =	shalt  }
0x84: {  	_ =	shalt  }
0x85: {  	_ =	shalt  }
0x86: {  	_ =	shalt  }
0x87: {  	_ =	shalt  }
.Lfunc_end0:
.L_simem_size_0:
called_computation_lowered:
.L_overlay_start_0:
0x88: {  	s2 =	sld [smem:$0x3FD9]  }
0x89: {  	s3 =	sld [smem:$0x3FFE];
	_ =	sdelay $0x1  }
0x8a: {  	s1 =	srdreg.scid  }
0x8b: {  	s0 =	sand.u32 $0x1, s1  }
0x8c: {  	s17 =	sshll.u32 s0, $0xA;
	s2 =	sadd.s32 s3, s2  }
0x8d: {  	s2 =	sadd.s32 s2, s17  }
0x8e: {  	[smem:$0x3FC4] =	sst s2  }
0x8f: {  	_ = 	snop  }
0x90: {  	s2 =	sld [smem:$0x3FD0];
	(tm) =	ssettm $0x1  }
0x91: {  	s18 =	sld [smem:$0x3FFB];
	_ =	sdelay $0x3  }
0x92: {  	_ =	strace s18  }
0x93: {  	s3 =	sld [smem:$0x3FFC];
	_ =	sdelay $0x3  }
0x94: {  	_ =	strace s3  }
0x95: {  	s3 =	sld [smem:$0x3FFD];
	_ =	sdelay $0x3  }
0x96: {  	_ =	strace s3  }
0x97: {  	_ =	strace $0x8FFFFFFF  }
0x98: {  	s19 =	sld [smem:$0x3FDB];
	_ =	sdelay $0x1  }
0x99: {  	s4 =	simm.s32 $_scs_section_size  }
0x9a: {  	s5 =	simm.s32 $_size__tile_overlayer_lowered;
	s6 =	simm.s32 $_tile_overlayer_lowered  }
0x9b: {  	s22 =	simm.s32 $0x1BFF;
	s21 =	sshll.u32 s6, $0x1;
	s3 =	sadd.s32 s4, s19  }
0x9c: {  	s7 =	simm.s32 $0x0;
	s20 =	sshll.u32 s5, $0x1;
	s5 =	sadd.s32 s21, s3  }
0x9d: {  	[timem:s7], [sflag:s22] =	dma.local [hbm:s5], s20  }
0x9e: {  	_ =	swait.ge [sflag:s22], s20  }
0x9f: {  	s4 =	ssub.s32 $0x0, s20;
	[sflag:s22] =	ssyncset.done $0x0  }
0xa0: {  	[sflag:s22] =	ssyncadd.s32 s4;
	_ =	sdelay $0x1  }
0xa1: {  	s23 =	simm.s32 $0x1B8B  }
0xa2: {  	_ =	swait.ge [sflag:s23], $0x1  }
0xa3: {  	[sflag:s23] =	ssyncset.done $0x0  }
0xa4: {  	s25 =	simm.s32 $0x1B8E;
	s24 =	sld [smem:$0x3FFE];
	[sflag:s23] =	ssyncadd.s32 $0xFFFFFFFF  }
0xa5: {  	s26 =	simm.s32 $execute0_lowered;
	[smem:$0x3FD2] =	sst s25  }
0xa6: {  	s5 =	sshll.u32 s26, $0x1;
	_ =	strace $0x80000046;
	[dreg:$0x1] =	wrdreg $0xFFFFFFFF  }
0xa7: {  	s28 =	simm.s32 $_size_execute0_lowered;
	s3 =	sadd.s32 s3, s5;
	[dreg:$0x0] =	wrdreg $0x0  }
0xa8: {  	s5 =	sshll.u32 s28, $0x1;
	[dreg:$0x2] =	wrdreg s3  }
0xa9: {  	[dreg:$0x3] =	wrdreg s5  }
0xaa: {  	[dreg:$0x4] =	wrdreg $0xC0  }
0xab: {  	_ =	task [dreg:s7], $0x5FFFF  }
0xac: {  	[dreg:$0x1] =	wrdreg $0xFFFFFFFF  }
0xad: {  	[dreg:$0x0] =	wrdreg $0x60  }
0xae: {  	[dreg:$0x2] =	wrdreg s2  }
0xaf: {  	[dreg:$0x3] =	wrdreg s24  }
0xb0: {  	[dreg:$0x4] =	wrdreg $0x2B000  }
0xb1: {  	[dreg:$0x5] =	wrdreg $0x2D780  }
0xb2: {  	[dreg:$0x6] =	wrdreg $0x9  }
0xb3: {  	_ =	task.clear_ibuf [dreg:s7], $0x7FFFF;
	_ =	strace $0x90000046  }
0xb4: {  	s29 =	simm.s32 $0x9;
	_ =	strace $0x80000048  }
0xb5: {  	_ =	swait.ge [sflag:s29], $0x1  }
0xb6: {  	[sflag:s29] =	ssyncadd.s32 $0xFFFFFFFF  }
0xb7: {  	_ =	strace $0x90000048  }
0xb8: {  	_ =	sfence  }
0xb9: {  	s30 =	sld [smem:$0x0];
	_ =	sdelay $0x2  }
0xba: {  	s31 =	sshll.u32 s1, $0xD;
	s1 =	sshrl.u32 s1, $0x2  }
0xbb: {  	s3 =	sand.u32 $0x4000, s31;
	s1 =	sadd.s32 s1, s30  }
0xbc: {  	s0 =	sor.u32 s3, s0;
	s1 =	sshll.u32 s1, $0x11  }
0xbd: {  	s0 =	sor.u32 s1, s0  }
0xbe: {  	s0 =	sadd.s32 $0x8F2B, s0  }
0xbf: {  	[sflag:s0] =	ssyncadd.remote.s32 $0x1  }
0xc0: {  	_ =	sfence.sel $0xFFFF  }
0xc1: {  	[dreg:$0x0] =	wrdreg $0xFFFFFFFF;
	(pc) =	sbr.abs _section_cstart, $3  }
0xc2: {  	[dreg:$0x1] =	wrdreg $0xFFFFFFFF  }
0xc3: {  	_ =	task.clear_ibuf [dreg:s7], $0x2FFFF;
	_ =	strace $0x9FFFFFFF  }
0xc4: {  	(tm) =	ssettm $0x7FFFFFFF  }
0xc5: {  	_ =	shalt  }
tec
execute0_lowered:
.L_overlay_start_1:
0x0: {  	(tag) =	ssettag $0x1  }
0x1: {  	s1 =	rddreg [dreg:$0x0]  }
0x2: {  	s6 =	rddreg [dreg:$0x1]  }
0x3: {  	s3 =	rddreg [dreg:$0x2];
	s2 =	srdreg.scid  }
0x4: {  	s0 =	stileid.u32;
	s4 =	rddreg [dreg:$0x3]  }
0x5: {  	s5 =	simm.s32 $0x0;
	s15 =	simm.s32 $0x1400;
	s9 =	smul.u32 $0x278, s0  }
0x6: {  	s16 =	simm.s32 $0x80;
	s17 =	simm.s32 $0x2800;
	s11 =	smul.u32 $0x50, s0  }
0x7: {  	s7 =	sand.u32 $0x1, s2;
	s2 =	rddreg [dreg:$0x4];
	s13 =	smul.u32 $0x78, s0  }
0x8: {  	s18 =	simm.s32 $0x0;
	[smem:$0x7FF] =	sst s5;
	s8 =	smul.u32 $0x4F00, s7  }
0x9: {  	_ =	strace $0x80000047;
	s10 =	ssub.s32 $0x2, s7;
	p0 =	seq.s32 s7, $0x0  }
0xa: {  	s7 =	simm.s32 $0x6B;
	s31 =	sshrl.u32 s10, $0x1;
	s8 =	sadd.s32 s9, s8  }
.Ltmp0:
0xb: {  	s7 =	simm.s32 @!p0 $0x3C;
	s8 =	sshrl.u32 s8, $0x3;
	(pc) =	sbr.rel .LBB2_1-.Ltmp0, $4  }
0xc: {  	s14 =	ssub.s32 s10, s31;
	s12 =	sadd.s32 s8, s6;
	s6 =	sadd.s32 $0x708, s11  }
0xd: {  	s8 =	sadd.s32 s9, s3;
	s9 =	sadd.s32 s9, s4;
	s6 =	smov.u32 @p0 s13  }
0xe: {  	s10 =	sadd.s32 $0x1000, s12;
	s11 =	sadd.s32 $0x14F0, s12;
	s12 =	smax.u32 s14, $0x1  }
0xf: {  	v0 =	vimm.f32 $0.0e+00;
	p0 =	seq.s32 s0, $0xF;
	s13 =	simm.s32 $0x2880;
	s14 =	simm.s32 $0x1  }
.LBB2_7:
0x10: {  	[bflag:$0x0] =	sbarrier.arrive $0xFFFF  }
0x11: {  	[tilespmem:s13], [sflag:$0x1] =	stream.linear.gather [spmem:s8], $0x278, $0x38;
	[tilespmem:$0x2FF0] =	vst v63  }
0x12: {  	_ =	swait.ge [sflag:s14], $0x278  }
0x13: {  	[sflag:s14] =	ssyncset.done $0x0  }
0x14: {  	[sflag:s14] =	ssyncadd.s32 $0xFFFFFD88  }
0x15: {  	[hbm4b:s10+s5] =	stream.linear.scatter [tilespmem:s13], [sflag:$0x1], $0x278, $0x38;
	[tilespmem:$0x2FF0] =	vst v63  }
0x16: {  	_ =	swait.ge [sflag:s14], $0x278  }
0x17: {  	[sflag:s14] =	ssyncset.done $0x0  }
0x18: {  	[sflag:s14] =	ssyncadd.s32 $0xFFFFFD88  }
0x19: {  	[tilespmem:s13], [sflag:$0x1] =	stream.linear.gather [spmem:s9], $0x278, $0x38;
	[tilespmem:$0x2FF0] =	vst v63  }
0x1a: {  	s18 =	sadd.s32 $0x1, s18;
	_ =	swait.ge [sflag:s14], $0x278  }
0x1b: {  	p1 =	sne.s32 s18, s12;
	[sflag:s14] =	ssyncset.done $0x0  }
.Ltmp1:
0x1c: {  	[sflag:s14] =	ssyncadd.s32 $0xFFFFFD88;
	(pc) =	sbr.rel @!p1 .LBB2_8-.Ltmp1, $4  }
0x1d: {  	[hbm4b:s11+s5] =	stream.linear.scatter [tilespmem:s13], [sflag:$0x1], $0x278, $0x38;
	[tilespmem:$0x2FF0] =	vst v63  }
0x1e: {  	_ =	swait.ge [sflag:s14], $0x278  }
0x1f: {  	[sflag:s14] =	ssyncset.done $0x0  }
0x20: {  	[sflag:s14] =	ssyncadd.s32 $0xFFFFFD88  }
.LBB2_1:
0x21: {  	[tilespmem:$0x2880] =	vst v0  }
0x22: {  	[tilespmem:$0x2890] =	vst v0  }
0x23: {  	[tilespmem:$0x28A0] =	vst v0  }
0x24: {  	[tilespmem:$0x28B0] =	vst v0  }
0x25: {  	[tilespmem:$0x28C0] =	vst v0  }
0x26: {  	[tilespmem:$0x28D0] =	vst v0  }
0x27: {  	[tilespmem:$0x28E0] =	vst v0  }
0x28: {  	[tilespmem:$0x28F0] =	vst v0  }
0x29: {  	[tilespmem:$0x2900] =	vst v0  }
0x2a: {  	[tilespmem:$0x2910] =	vst v0  }
0x2b: {  	[tilespmem:$0x2920] =	vst v0  }
0x2c: {  	[tilespmem:$0x2930] =	vst v0  }
0x2d: {  	[tilespmem:$0x2940] =	vst v0  }
0x2e: {  	[tilespmem:$0x2950] =	vst v0  }
0x2f: {  	[tilespmem:$0x2960] =	vst v0  }
0x30: {  	[tilespmem:$0x2970] =	vst v0  }
0x31: {  	[tilespmem:$0x2980] =	vst v0  }
0x32: {  	[tilespmem:$0x2990] =	vst v0  }
0x33: {  	[tilespmem:$0x29A0] =	vst v0  }
0x34: {  	[tilespmem:$0x29B0] =	vst v0  }
0x35: {  	[tilespmem:$0x29C0] =	vst v0  }
0x36: {  	[tilespmem:$0x29D0] =	vst v0  }
0x37: {  	[tilespmem:$0x29E0] =	vst v0  }
0x38: {  	[tilespmem:$0x29F0] =	vst v0  }
0x39: {  	[tilespmem:$0x2A00] =	vst v0  }
0x3a: {  	[tilespmem:$0x2A10] =	vst v0  }
0x3b: {  	[tilespmem:$0x2A20] =	vst v0  }
0x3c: {  	[tilespmem:$0x2A30] =	vst v0  }
0x3d: {  	[tilespmem:$0x2A40] =	vst v0  }
0x3e: {  	[tilespmem:$0x2A50] =	vst v0  }
0x3f: {  	[tilespmem:$0x2A60] =	vst v0  }
0x40: {  	[tilespmem:$0x2A70] =	vst v0  }
0x41: {  	[tilespmem:$0x2A80] =	vst v0  }
0x42: {  	[tilespmem:$0x2A90] =	vst v0  }
0x43: {  	[tilespmem:$0x2AA0] =	vst v0  }
0x44: {  	[tilespmem:$0x2AB0] =	vst v0  }
0x45: {  	[tilespmem:$0x2AC0] =	vst v0  }
0x46: {  	[tilespmem:$0x2AD0] =	vst v0  }
0x47: {  	[tilespmem:$0x2AE0] =	vst v0  }
0x48: {  	v1 =	vimm.f32 @!p0 $1.000000000e+00;
	[tilespmem:$0x2AF0] =	vst v0  }
0x49: {  	[tilespmem:$0x2800] =	vst @!p0 v1  }
0x4a: {  	[tilespmem:$0x2810] =	vst @!p0 v1  }
0x4b: {  	[tilespmem:$0x2820] =	vst @!p0 v1  }
0x4c: {  	[tilespmem:$0x2830] =	vst @!p0 v1  }
0x4d: {  	[tilespmem:$0x2840] =	vst @!p0 v1  }
0x4e: {  	[tilespmem:$0x2850] =	vst @!p0 v1  }
0x4f: {  	[tilespmem:$0x2860] =	vst @!p0 v1  }
0x50: {  	[tilespmem:$0x2870] =	vst @!p0 v1  }
0x51: {  	[spmem:s8] =	stream.linear.scatter [tilespmem:s13], [sflag:$0x1], $0x278, $0x38;
	[tilespmem:$0x2FF0] =	vst v63  }
0x52: {  	_ =	swait.ge [sflag:s14], $0x278  }
0x53: {  	[sflag:s14] =	ssyncset.done $0x0  }
0x54: {  	[sflag:s14] =	ssyncadd.s32 $0xFFFFFD88  }
0x55: {  	[spmem:s9] =	stream.linear.scatter [tilespmem:s13], [sflag:$0x1], $0x278, $0x38;
	[tilespmem:$0x2FF0] =	vst v63  }
.Ltmp2:
0x56: {  	_ =	swait.ge [sflag:s14], $0x278;
	(pc) =	sbr.rel @p0 .LBB2_7-.Ltmp2, $4  }
.Ltmp3:
0x57: {  	[sflag:s14] =	ssyncset.done $0x0;
	(pc) =	sbr.rel @!p0 .LBB2_2-.Ltmp3, $4  }
0x58: {  	[sflag:s14] =	ssyncadd.s32 $0xFFFFFD88  }
0x59: {  	[bflag:$0x0] =	sbarrier.arrive $0xFFFF  }
0x5a: {  	s19 =	simm.s32 $0x0  }
0x5b: {  	_ = 	snop  }
.LBB2_6:
0x5c: {  	s20 =	sshll.u32 s20, $0x7  }
0x5d: {  	[spmem:s3] =	stream.indirect.scatter.add.f32 [tilespmem:s17], [sflag:$0x1], $0x1, s20, s16, $0xb8;
	[tilespmem:$0x2FF0] =	vst v63  }
0x5e: {  	s19 =	sadd.s32 $0x1, s19;
	_ =	swait.ge [sflag:s14], $0x80  }
0x5f: {  	p1 =	sne.s32 s19, s7;
	[sflag:s14] =	ssyncset.done $0x0  }
.Ltmp4:
0x60: {  	s20 =	sadd.s32 $0x1400, s20;
	[sflag:s14] =	ssyncadd.s32 $0xFFFFFF80;
	(pc) =	sbr.rel @!p1 .LBB2_7-.Ltmp4, $4  }
0x61: {  	[spmem:s4] =	stream.indirect.scatter.add.f32 [tilespmem:s17], [sflag:$0x1], $0x1, s20, s16, $0xb8;
	[tilespmem:$0x2FF0] =	vst v63  }
0x62: {  	_ =	swait.ge [sflag:s14], $0x80  }
0x63: {  	[sflag:s14] =	ssyncset.done $0x0  }
0x64: {  	[sflag:s14] =	ssyncadd.s32 $0xFFFFFF80  }
.LBB2_2:
0x65: {  	s20 =	smulhi.u32 $0xCCCCCCCD, s19;
	_ =	sdelay $0x1  }
0x66: {  	s20 =	sshrl.u32 s20, $0x5  }
0x67: {  	s20 =	smul.u32 $0x28, s20;
	_ =	sdelay $0x1  }
0x68: {  	s20 =	ssub.s32 s19, s20  }
0x69: {  	p1 =	sne.s32 s20, $0x0  }
.Ltmp5:
0x6a: {  	_ = 	snop;
	(pc) =	sbr.rel @p1 .LBB2_6-.Ltmp5, $1  }
0x6b: {  	_ =	sdelay $0x3  }
0x6c: {  	s21 =	sadd.s32 s6, s19  }
0x6d: {  	s21 =	sshll.u32 s21, $0x4  }
0x6e: {  	s22 =	simm.s32 $0x0;
	s21 =	sadd.s32 s1, s21  }
0x6f: {  	[tilespmem:s15], [sflag:$0x1] =	stream.linear.gather [hbm4b:s21+s22], $0x1400, $0x38;
	[tilespmem:$0x2FF0] =	vst v63  }
0x70: {  	_ =	swait.ge [sflag:s14], $0x1400  }
0x71: {  	[sflag:s14] =	ssyncset.done $0x0  }
0x72: {  	s21 =	simm.s32 $0x0;
	[sflag:s14] =	ssyncadd.s32 $0xFFFFEC00  }
0x73: {  	v1 =	vld [tilespmem:s21+$0x1400]  }
0x74: {  	v7 =	vld [tilespmem:s21+$0x1410]  }
0x75: {  	v6 =	vld [tilespmem:s21+$0x1420]  }
0x76: {  	v5 =	vld [tilespmem:s21+$0x1430]  }
0x77: {  	v3 =	vld [tilespmem:s21+$0x1440]  }
0x78: {  	v4 =	vld [tilespmem:s21+$0x1450];
	v2 =	vshra.s32 v1, $0x10  }
0x79: {  	s22 =	simm.s32 $0x200;
	v1 =	vand.u32 $0xFFFF, v1;
	v8 =	vshra.s32 v7, $0x10;
	[tilespmem:s21+$0x1400] =	vst v2;
	v2 =	vand.u32 $0xFFFF, v7;
	v7 =	vld [tilespmem:s21+$0x1460]  }
.LBB2_4:
0x7a: {  	p1 =	sne.s32 s22, $0x4E00;
	[tilespmem:s21+$0x1410] =	vst v8;
	v8 =	vand.u32 $0xFFFF, v6;
	v6 =	vshra.s32 v6, $0x10;
	v9 =	vld [tilespmem:s21+$0x1470]  }
0x7b: {  	[tilespmem:s21+$0x1420] =	vst v6;
	v6 =	vand.u32 $0xFFFF, v5;
	v5 =	vshra.s32 v5, $0x10  }
0x7c: {  	[tilespmem:s21+$0x1430] =	vst v5;
	v5 =	vand.u32 $0xFFFF, v3;
	v3 =	vshra.s32 v3, $0x10  }
0x7d: {  	[tilespmem:s21+$0x1440] =	vst v3;
	v3 =	vand.u32 $0xFFFF, v4;
	v4 =	vshra.s32 v4, $0x10  }
0x7e: {  	[tilespmem:s21+$0x1450] =	vst v4;
	v4 =	vand.u32 $0xFFFF, v7;
	v7 =	vshra.s32 v7, $0x10  }
0x7f: {  	[tilespmem:s21+$0x1460] =	vst v7;
	v7 =	vand.u32 $0xFFFF, v9;
	v9 =	vshra.s32 v9, $0x10  }
0x80: {  	[tilespmem:s21+$0x1470] =	vst v9  }
0x81: {  	[tilespmem:s21+$0x0] =	vst v1  }
0x82: {  	s23 =	sshra.s32 s22, $0x2;
	[tilespmem:s21+$0x10] =	vst v2  }
0x83: {  	v2 =	vld [tilespmem:s23+$0x1400];
	[tilespmem:s21+$0x20] =	vst v8  }
0x84: {  	v8 =	vld [tilespmem:s23+$0x1410];
	[tilespmem:s21+$0x30] =	vst v6  }
.Ltmp6:
0x85: {  	v6 =	vld [tilespmem:s23+$0x1420];
	[tilespmem:s21+$0x40] =	vst v5;
	(pc) =	sbr.rel @p1 .LBB2_4-.Ltmp6, $4  }
0x86: {  	v5 =	vld [tilespmem:s23+$0x1430];
	[tilespmem:s21+$0x50] =	vst v3  }
0x87: {  	v3 =	vld [tilespmem:s23+$0x1440];
	[tilespmem:s21+$0x60] =	vst v4  }
0x88: {  	v1 =	vand.u32 $0xFFFF, v2;
	v2 =	vshra.s32 v2, $0x10;
	v4 =	vld [tilespmem:s23+$0x1450];
	[tilespmem:s21+$0x70] =	vst v7;
	s21 =	smov.u32 s23  }
0x89: {  	s22 =	sadd.s32 $0x200, s22;
	[tilespmem:s21+$0x1400] =	vst v2;
	v2 =	vand.u32 $0xFFFF, v8;
	v8 =	vshra.s32 v8, $0x10;
	v7 =	vld [tilespmem:s21+$0x1460]  }
0x8a: {  	[tilespmem:s21+$0x1410] =	vst v8  }
0x8b: {  	[tilespmem:s21+$0x0] =	vst v1  }
0x8c: {  	v58 =	vshra.s32 v6, $0x10;
	[tilespmem:s21+$0x10] =	vst v2  }
0x8d: {  	v1 =	vand.u32 $0xFFFF, v6;
	[tilespmem:s21+$0x1420] =	vst v58  }
0x8e: {  	v59 =	vshra.s32 v5, $0x10;
	[tilespmem:s21+$0x20] =	vst v1  }
0x8f: {  	v2 =	vand.u32 $0xFFFF, v5;
	[tilespmem:s21+$0x1430] =	vst v59  }
0x90: {  	v60 =	vshra.s32 v3, $0x10;
	[tilespmem:s21+$0x30] =	vst v2  }
0x91: {  	v9 =	vld [tilespmem:s21+$0x1470];
	v1 =	vand.u32 $0xFFFF, v3;
	[tilespmem:s21+$0x1440] =	vst v60  }
0x92: {  	v61 =	vshra.s32 v4, $0x10;
	[tilespmem:s21+$0x40] =	vst v1  }
0x93: {  	v2 =	vand.u32 $0xFFFF, v4;
	[tilespmem:s21+$0x1450] =	vst v61  }
.Ltmp7:
0x94: {  	v62 =	vshra.s32 v7, $0x10;
	[tilespmem:s21+$0x50] =	vst v2;
	(pc) =	sbr.rel .LBB2_6-.Ltmp7, $4  }
0x95: {  	v1 =	vand.u32 $0xFFFF, v7;
	[tilespmem:s21+$0x1460] =	vst v62  }
0x96: {  	v63 =	vshra.s32 v9, $0x10;
	[tilespmem:s21+$0x60] =	vst v1  }
0x97: {  	v2 =	vand.u32 $0xFFFF, v9;
	[tilespmem:s21+$0x1470] =	vst v63  }
0x98: {  	[tilespmem:s21+$0x70] =	vst v2  }
.LBB2_8:
0x99: {  	_ =	sfence.sel $0x180000  }
0x9a: {  	[bflag:$0x0] =	sbarrier.arrive $0xFFFF  }
0x9b: {  	p0 =	sne.s32 s0, $0x0;
	_ =	strace $0x90000047  }
0x9c: {  	s0 =	sadd.s32 @!p0 $0x100000, s2;
	[bflag:$0x2] =	sbarrier.arrive $0xFFFF  }
0x9d: {  	[sflag:s0] =	ssyncadd.tile.s32 @!p0 $0x1;
	_ =	shalt  }
.Lfunc_end2:
_tile_overlayer_lowered:
.L_overlay_start_2:
0x9e: {  	(tag) =	ssettag $0x2  }
0x9f: {  	s0 =	rddreg [dreg:$0x0];
	s2 =	stileid.u32  }
0xa0: {  	s1 =	rddreg [dreg:$0x1];
	p0 =	sne.s32 s2, $0x0  }
0xa1: {  	s3 =	rddreg [dreg:$0x2];
	[bflag:$0x3] =	sbarrier.arrive $0xFFFF;
	s2 =	simm.s32 @!p0 $0x1C01  }
0xa2: {  	[timem:s3], [sflag:s2] =	dma.local @!p0 [hbm:s0], s1  }
0xa3: {  	s0 =	simm.s32 @!p0 $0x1  }
0xa4: {  	_ =	swait.ge @!p0 [sflag:s0], s1  }
0xa5: {  	s1 =	ssub.s32 @!p0 $0x0, s1;
	[sflag:s0] =	ssyncset.done @!p0 $0x0  }
0xa6: {  	[sflag:s0] =	ssyncadd.s32 @!p0 s1  }
0xa7: {  	[bflag:$0x3] =	sbarrier.arrive $0xFFFF  }
0xa8: {  	_ =	shalt  }

// kernel: kernel.9.cloned.1.call-start
scs
__scs_entry_jumppad:
0x0: {  	(pc) =	sbr.rel $0x88, $3  }
0x1: {  	(tag) =	ssettag $0x0;
	lr =	simm.s32 $0x1  }
0x2: {  	[smem:$0x3F9D] =	sst lr;
	_ =	strace $0xD0000000  }
0x3: {  	_ = 	snop  }
0x4: {  	_ = 	snop  }
0x5: {  	_ = 	snop  }
0x6: {  	_ = 	snop  }
0x7: {  	_ = 	snop  }
__scs_overlays_trampoline_lowered:
0x8: {  	[smem:$0x3FAC] =	sst s0  }
0x9: {  	[smem:$0x3FAD] =	sst s1  }
0xa: {  	[smem:$0x3FAE] =	sst s2  }
0xb: {  	[smem:$0x3FAF] =	sst s3  }
0xc: {  	[smem:$0x3FB0] =	sst s4  }
0xd: {  	[smem:$0x3FB1] =	sst s5  }
0xe: {  	[smem:$0x3FB2] =	sst s6  }
0xf: {  	[smem:$0x3FB3] =	sst s7  }
0x10: {  	[smem:$0x3FB4] =	sst s8  }
0x11: {  	[smem:$0x3FB5] =	sst s9;
	s0 =	simm.s32 @!p0 $0x0  }
0x12: {  	s1 =	sld [smem:$0x3F9B];
	s0 =	simm.s32 @p0 $0x1  }
0x13: {  	[smem:$0x3FB6] =	sst s0;
	s0 =	simm.s32 @!p1 $0x0  }
0x14: {  	s2 =	sld [smem:$0x3F9A];
	s0 =	simm.s32 @p1 $0x1  }
0x15: {  	[smem:$0x3FB7] =	sst s0;
	s0 =	simm.s32 @!p2 $0x0  }
0x16: {  	s3 =	sld [smem:$0x3FDB];
	s0 =	simm.s32 @p2 $0x1  }
0x17: {  	s4 =	simm.s32 $0x1BF5;
	[smem:$0x3FB9] =	sst s0  }
0x18: {  	s0 =	sld [smem:$0x3F9C];
	_ =	swait.ge [sflag:s4], $0x0  }
0x19: {  	s7 =	sld [smem:$0x3F9D]  }
0x1a: {  	s8 =	sadd.s32 $0xFFFFE003, lr  }
0x1b: {  	s9 =	sadd.s32 $0xFFFFFEF7, lr;
	s5 =	simm.s32 $0xFFFFFFFF;
	p2 =	slt.u32 s8, $0xFFFFF086  }
0x1c: {  	p1 =	slt.u32 s9, $0xF7A;
	s5 =	simm.s32 @!p2 $0x0  }
0x1d: {  	s5 =	simm.s32 @p1 $0x1;
	p0 =	seq.s32 s7, s2  }
0x1e: {  	s7 =	smul.u32 @!p0 $0xF7A, s2;
	p2 =	seq.s32 @!p0 s5, $0x0  }
0x1f: {  	s9 =	smul.u32 $0xF7A, s1;
	s8 =	simm.s32 @!p0 $0x1BF5;
	p2 =	por !p2, p0  }
0x20: {  	[sflag:s8] =	ssyncset.s32 @!p0 $0xFFFFF086;
	s6 =	sadd.s32 @!p0 s3, s7;
	s7 =	simm.s32 @!p0 $0x108  }
0x21: {  	s3 =	sadd.s32 s3, s9;
	s6 =	sadd.s32 @!p0 $0x88, s6;
	s7 =	simm.s32 @p2 $0x1082  }
0x22: {  	[simem:s7], [sflag:s8] =	dma.local @!p0 [hbm:s6], $0xF7A  }
0x23: {  	s9 =	sor.u32 $0xD0000000, s2;
	s6 =	simm.s32 $0x108;
	_ =	swait.ge @!p0 [sflag:s8], $0x0  }
0x24: {  	s3 =	sadd.s32 $0x88, s3;
	s6 =	simm.s32 @!p1 $0x1082;
	[sflag:s4] =	ssyncset.s32 $0xFFFFF086  }
0x25: {  	[simem:s6], [sflag:s4] =	dma.local [hbm:s3], $0xF7A  }
0x26: {  	[smem:$0x3F9D] =	sst s1;
	(tag) =	ssettag s2;
	_ =	strace s9  }
0x27: {  	s1 =	sld [smem:$0x3FAD]  }
0x28: {  	s2 =	sld [smem:$0x3FAE]  }
0x29: {  	s4 =	sld [smem:$0x3FB0]  }
0x2a: {  	p0 =	seq.s32 s5, $0x0;
	s5 =	sld [smem:$0x3FB1]  }
0x2b: {  	s6 =	sld [smem:$0x3FB2]  }
0x2c: {  	s7 =	sld [smem:$0x3FB3]  }
0x2d: {  	s3 =	simm.s32 $0x108;
	s8 =	sld [smem:$0x3FB4]  }
0x2e: {  	s3 =	simm.s32 @!p0 $0x1082;
	s9 =	sld [smem:$0x3FB5]  }
0x2f: {  	lr =	sadd.s32 s0, s3;
	s0 =	sld [smem:$0x3FAC]  }
0x30: {  	s3 =	sld [smem:$0x3FAF]  }
0x31: {  	[smem:$0x3FB8] =	sst s10  }
0x32: {  	s10 =	sld [smem:$0x3FB6];
	_ =	sdelay $0x3  }
0x33: {  	p0 =	seq.s32 s10, $0x1;
	s10 =	sld [smem:$0x3FB8];
	_ =	sdelay $0x3  }
0x34: {  	[smem:$0x3FB8] =	sst s10  }
0x35: {  	s10 =	sld [smem:$0x3FB7];
	_ =	sdelay $0x3  }
0x36: {  	p1 =	seq.s32 s10, $0x1;
	s10 =	sld [smem:$0x3FB8];
	_ =	sdelay $0x3  }
0x37: {  	[smem:$0x3FB8] =	sst s10  }
0x38: {  	s10 =	sld [smem:$0x3FB9]  }
0x39: {  	_ = 	snop;
	(pc) =	sbr.ind lr, $3  }
0x3a: {  	_ = 	snop  }
0x3b: {  	_ = 	snop  }
0x3c: {  	p2 =	seq.s32 s10, $0x1;
	s10 =	sld [smem:$0x3FB8]  }
0x3d: {  	_ =	shalt  }
0x3e: {  	_ =	shalt  }
0x3f: {  	_ =	shalt  }
0x40: {  	_ =	shalt  }
0x41: {  	_ =	shalt  }
0x42: {  	_ =	shalt  }
0x43: {  	_ =	shalt  }
0x44: {  	_ =	shalt  }
0x45: {  	_ =	shalt  }
0x46: {  	_ =	shalt  }
0x47: {  	_ =	shalt  }
0x48: {  	_ =	shalt  }
0x49: {  	_ =	shalt  }
0x4a: {  	_ =	shalt  }
0x4b: {  	_ =	shalt  }
0x4c: {  	_ =	shalt  }
0x4d: {  	_ =	shalt  }
0x4e: {  	_ =	shalt  }
0x4f: {  	_ =	shalt  }
0x50: {  	_ =	shalt  }
0x51: {  	_ =	shalt  }
0x52: {  	_ =	shalt  }
0x53: {  	_ =	shalt  }
0x54: {  	_ =	shalt  }
0x55: {  	_ =	shalt  }
0x56: {  	_ =	shalt  }
0x57: {  	_ =	shalt  }
0x58: {  	_ =	shalt  }
0x59: {  	_ =	shalt  }
0x5a: {  	_ =	shalt  }
0x5b: {  	_ =	shalt  }
0x5c: {  	_ =	shalt  }
0x5d: {  	_ =	shalt  }
0x5e: {  	_ =	shalt  }
0x5f: {  	_ =	shalt  }
0x60: {  	_ =	shalt  }
0x61: {  	_ =	shalt  }
0x62: {  	_ =	shalt  }
0x63: {  	_ =	shalt  }
0x64: {  	_ =	shalt  }
0x65: {  	_ =	shalt  }
0x66: {  	_ =	shalt  }
0x67: {  	_ =	shalt  }
0x68: {  	_ =	shalt  }
0x69: {  	_ =	shalt  }
0x6a: {  	_ =	shalt  }
0x6b: {  	_ =	shalt  }
0x6c: {  	_ =	shalt  }
0x6d: {  	_ =	shalt  }
0x6e: {  	_ =	shalt  }
0x6f: {  	_ =	shalt  }
0x70: {  	_ =	shalt  }
0x71: {  	_ =	shalt  }
0x72: {  	_ =	shalt  }
0x73: {  	_ =	shalt  }
0x74: {  	_ =	shalt  }
0x75: {  	_ =	shalt  }
0x76: {  	_ =	shalt  }
0x77: {  	_ =	shalt  }
0x78: {  	_ =	shalt  }
0x79: {  	_ =	shalt  }
0x7a: {  	_ =	shalt  }
0x7b: {  	_ =	shalt  }
0x7c: {  	_ =	shalt  }
0x7d: {  	_ =	shalt  }
0x7e: {  	_ =	shalt  }
0x7f: {  	_ =	shalt  }
0x80: {  	_ =	shalt  }
0x81: {  	_ =	shalt  }
0x82: {  	_ =	shalt  }
0x83: {  	_ =	shalt  }
0x84: {  	_ =	shalt  }
0x85: {  	_ =	shalt  }
0x86: {  	_ =	shalt  }
0x87: {  	_ =	shalt  }
.Lfunc_end0:
.L_simem_size_0:
called_computation.1_lowered:
.L_overlay_start_0:
0x88: {  	s2 =	sld [smem:$0x3FD9]  }
0x89: {  	s3 =	sld [smem:$0x3FFE];
	_ =	sdelay $0x1  }
0x8a: {  	s1 =	srdreg.scid  }
0x8b: {  	s0 =	sand.u32 $0x1, s1  }
0x8c: {  	s17 =	sshll.u32 s0, $0xA;
	s2 =	sadd.s32 s3, s2  }
0x8d: {  	s2 =	sadd.s32 s2, s17  }
0x8e: {  	[smem:$0x3FC4] =	sst s2  }
0x8f: {  	_ = 	snop  }
0x90: {  	s2 =	sld [smem:$0x3FD0];
	(tm) =	ssettm $0x1  }
0x91: {  	s18 =	sld [smem:$0x3FFB];
	_ =	sdelay $0x3  }
0x92: {  	_ =	strace s18  }
0x93: {  	s3 =	sld [smem:$0x3FFC];
	_ =	sdelay $0x3  }
0x94: {  	_ =	strace s3  }
0x95: {  	s3 =	sld [smem:$0x3FFD];
	_ =	sdelay $0x3  }
0x96: {  	_ =	strace s3  }
0x97: {  	_ =	strace $0x8FFFFFFF  }
0x98: {  	s19 =	sld [smem:$0x3FDB];
	_ =	sdelay $0x1  }
0x99: {  	s4 =	simm.s32 $_scs_section_size  }
0x9a: {  	s5 =	simm.s32 $_size__tile_overlayer_lowered;
	s6 =	simm.s32 $_tile_overlayer_lowered  }
0x9b: {  	s22 =	simm.s32 $0x1BFF;
	s21 =	sshll.u32 s6, $0x1;
	s3 =	sadd.s32 s4, s19  }
0x9c: {  	s7 =	simm.s32 $0x0;
	s20 =	sshll.u32 s5, $0x1;
	s5 =	sadd.s32 s21, s3  }
0x9d: {  	[timem:s7], [sflag:s22] =	dma.local [hbm:s5], s20  }
0x9e: {  	_ =	swait.ge [sflag:s22], s20  }
0x9f: {  	s4 =	ssub.s32 $0x0, s20;
	[sflag:s22] =	ssyncset.done $0x0  }
0xa0: {  	[sflag:s22] =	ssyncadd.s32 s4;
	_ =	sdelay $0x1  }
0xa1: {  	s23 =	simm.s32 $0x1B8B  }
0xa2: {  	_ =	swait.ge [sflag:s23], $0x1  }
0xa3: {  	[sflag:s23] =	ssyncset.done $0x0  }
0xa4: {  	s25 =	simm.s32 $0x1B8E;
	s24 =	sld [smem:$0x3FFE];
	[sflag:s23] =	ssyncadd.s32 $0xFFFFFFFF  }
0xa5: {  	s26 =	simm.s32 $execute0_lowered;
	[smem:$0x3FD2] =	sst s25  }
0xa6: {  	s5 =	sshll.u32 s26, $0x1;
	_ =	strace $0x80000049;
	[dreg:$0x1] =	wrdreg $0xFFFFFFFF  }
0xa7: {  	s28 =	simm.s32 $_size_execute0_lowered;
	s3 =	sadd.s32 s3, s5;
	[dreg:$0x0] =	wrdreg $0x0  }
0xa8: {  	s5 =	sshll.u32 s28, $0x1;
	[dreg:$0x2] =	wrdreg s3  }
0xa9: {  	[dreg:$0x3] =	wrdreg s5  }
0xaa: {  	[dreg:$0x4] =	wrdreg $0xC0  }
0xab: {  	_ =	task [dreg:s7], $0x5FFFF  }
0xac: {  	[dreg:$0x1] =	wrdreg $0xFFFFFFFF  }
0xad: {  	[dreg:$0x0] =	wrdreg $0x60  }
0xae: {  	[dreg:$0x2] =	wrdreg s24  }
0xaf: {  	[dreg:$0x3] =	wrdreg s2  }
0xb0: {  	[dreg:$0x4] =	wrdreg $0xA8000  }
0xb1: {  	[dreg:$0x5] =	wrdreg $0x9  }
0xb2: {  	_ =	task.clear_ibuf [dreg:s7], $0x6FFFF;
	_ =	strace $0x90000049  }
0xb3: {  	s29 =	simm.s32 $0x9;
	_ =	strace $0x8000004B  }
0xb4: {  	_ =	swait.ge [sflag:s29], $0x1  }
0xb5: {  	[sflag:s29] =	ssyncadd.s32 $0xFFFFFFFF  }
0xb6: {  	_ =	strace $0x9000004B  }
0xb7: {  	_ =	sfence  }
0xb8: {  	s30 =	sld [smem:$0x0];
	_ =	sdelay $0x2  }
0xb9: {  	s31 =	sshll.u32 s1, $0xD;
	s1 =	sshrl.u32 s1, $0x2  }
0xba: {  	s3 =	sand.u32 $0x4000, s31;
	s1 =	sadd.s32 s1, s30  }
0xbb: {  	s0 =	sor.u32 s3, s0;
	s1 =	sshll.u32 s1, $0x11  }
0xbc: {  	s0 =	sor.u32 s1, s0  }
0xbd: {  	s0 =	sadd.s32 $0x8F2B, s0  }
0xbe: {  	[sflag:s0] =	ssyncadd.remote.s32 $0x1  }
0xbf: {  	_ =	sfence.sel $0xFFFF  }
0xc0: {  	[dreg:$0x0] =	wrdreg $0xFFFFFFFF;
	(pc) =	sbr.abs _section_cstart, $3  }
0xc1: {  	[dreg:$0x1] =	wrdreg $0xFFFFFFFF  }
0xc2: {  	_ =	task.clear_ibuf [dreg:s7], $0x2FFFF;
	_ =	strace $0x9FFFFFFF  }
0xc3: {  	(tm) =	ssettm $0x7FFFFFFF  }
tec
execute0_lowered:
.L_overlay_start_1:
0x0: {  	(tag) =	ssettag $0x1  }
0x1: {  	s6 =	rddreg [dreg:$0x0]  }
0x2: {  	s1 =	rddreg [dreg:$0x1]  }
0x3: {  	s2 =	rddreg [dreg:$0x2]  }
0x4: {  	s0 =	rddreg [dreg:$0x3];
	s3 =	simm.s32 $0x0;
	s4 =	srdreg.scid  }
0x5: {  	s22 =	simm.s32 $0x80;
	s9 =	sand.u32 $0x1, s4;
	s4 =	stileid.u32  }
0x6: {  	s23 =	simm.s32 $0x1;
	s24 =	simm.s32 $0x2;
	s10 =	smul.u32 $0x50, s4  }
0x7: {  	s25 =	simm.s32 $0x0;
	[smem:$0x7FF] =	sst s3;
	s31 =	smul.u32 $0x4F000, s4  }
0x8: {  	s5 =	sadd.s32 $0x1000, s6;
	s17 =	sadd.s32 $0x28800, s6;
	s11 =	smul.u32 $0x78, s4  }
0x9: {  	_ =	strace $0x8000004A;
	s7 =	ssub.s32 $0x2, s9;
	s12 =	smul.u32 $0x13C00, s4  }
0xa: {  	p0 =	seq.s32 s9, $0x0;
	s16 =	smul.u32 $0x13C000, s9;
	s8 =	sshrl.u32 s7, $0x1  }
0xb: {  	s18 =	ssub.s32 s7, s8;
	s6 =	sadd.s32 $0x708, s10;
	s7 =	simm.s32 $0x6B  }
0xc: {  	s8 =	sshrl.u32 s31, $0x2;
	s13 =	sadd.s32 $0x4000, s12;
	s15 =	sadd.s32 $0x8000, s12  }
0xd: {  	s19 =	sadd.s32 $0xC000, s12;
	s14 =	sadd.s32 s12, s16;
	s20 =	sadd.s32 $0x10000, s12  }
0xe: {  	s6 =	smov.u32 @p0 s11;
	s7 =	simm.s32 @!p0 $0x3C;
	s8 =	sadd.s32 s8, s2  }
0xf: {  	s9 =	sadd.s32 s13, s2;
	s10 =	sadd.s32 s15, s2;
	s11 =	sadd.s32 s19, s2  }
0x10: {  	s13 =	sadd.s32 s16, s13;
	s14 =	sshrl.u32 s14, $0x3;
	s12 =	sadd.s32 s20, s2  }
0x11: {  	s15 =	sadd.s32 s16, s15;
	s19 =	sadd.s32 s16, s19;
	s16 =	sadd.s32 s16, s20  }
.Ltmp0:
0x12: {  	s18 =	smax.u32 s18, $0x1;
	p0 =	seq.s32 s4, $0xF;
	(pc) =	sbr.rel .LBB2_1-.Ltmp0, $4  }
0x13: {  	s21 =	sshrl.u32 s13, $0x3;
	s13 =	sadd.s32 s17, s14;
	s15 =	sshrl.u32 s15, $0x3  }
0x14: {  	s19 =	sshrl.u32 s19, $0x3;
	s20 =	sshrl.u32 s16, $0x3;
	s14 =	sadd.s32 s17, s21  }
0x15: {  	s15 =	sadd.s32 s17, s15;
	s16 =	sadd.s32 s17, s19;
	s17 =	sadd.s32 s17, s20  }
0x16: {  	v0 =	vimm.f32 $0.0e+00;
	s19 =	simm.s32 $0x2800;
	s20 =	simm.s32 $0x3;
	s21 =	simm.s32 $0x1400  }
.LBB2_10:
0x17: {  	_ =	swait.ge [sflag:s23], $0x4000  }
0x18: {  	[sflag:s23] =	ssyncset.done $0x0  }
0x19: {  	[sflag:s23] =	ssyncadd.s32 $0xFFFFC000  }
0x1a: {  	_ =	swait.ge [sflag:s24], $0x4000  }
0x1b: {  	[sflag:s24] =	ssyncset.done $0x0  }
0x1c: {  	[sflag:s24] =	ssyncadd.s32 $0xFFFFC000  }
.LBB2_11:
0x1d: {  	[bflag:$0x0] =	sbarrier.arrive $0xFFFF  }
0x1e: {  	[tilespmem:s19], [sflag:$0x3] =	stream.linear.gather [spmem:s8], $0x4000, $0x38;
	[tilespmem:$0x1E400] =	vst v63  }
0x1f: {  	_ =	swait.ge [sflag:s20], $0x4000  }
0x20: {  	[sflag:s20] =	ssyncset.done $0x0  }
0x21: {  	[sflag:s20] =	ssyncadd.s32 $0xFFFFC000  }
0x22: {  	[hbm4b:s13+s3] =	stream.linear.scatter [tilespmem:s19], [sflag:$0x3], $0x4000, $0x38;
	[tilespmem:$0x1E400] =	vst v63  }
0x23: {  	_ =	swait.ge [sflag:s20], $0x4000  }
0x24: {  	[sflag:s20] =	ssyncset.done $0x0  }
0x25: {  	[sflag:s20] =	ssyncadd.s32 $0xFFFFC000  }
0x26: {  	[tilespmem:s19], [sflag:$0x3] =	stream.linear.gather [spmem:s9], $0x4000, $0x38;
	[tilespmem:$0x1E400] =	vst v63  }
0x27: {  	_ =	swait.ge [sflag:s20], $0x4000  }
0x28: {  	[sflag:s20] =	ssyncset.done $0x0  }
0x29: {  	[sflag:s20] =	ssyncadd.s32 $0xFFFFC000  }
0x2a: {  	[hbm4b:s14+s3] =	stream.linear.scatter [tilespmem:s19], [sflag:$0x3], $0x4000, $0x38;
	[tilespmem:$0x1E400] =	vst v63  }
0x2b: {  	_ =	swait.ge [sflag:s20], $0x4000  }
0x2c: {  	[sflag:s20] =	ssyncset.done $0x0  }
0x2d: {  	[sflag:s20] =	ssyncadd.s32 $0xFFFFC000  }
0x2e: {  	[tilespmem:s19], [sflag:$0x3] =	stream.linear.gather [spmem:s10], $0x4000, $0x38;
	[tilespmem:$0x1E400] =	vst v63  }
0x2f: {  	_ =	swait.ge [sflag:s20], $0x4000  }
0x30: {  	[sflag:s20] =	ssyncset.done $0x0  }
0x31: {  	[sflag:s20] =	ssyncadd.s32 $0xFFFFC000  }
0x32: {  	[hbm4b:s15+s3] =	stream.linear.scatter [tilespmem:s19], [sflag:$0x3], $0x4000, $0x38;
	[tilespmem:$0x1E400] =	vst v63  }
0x33: {  	_ =	swait.ge [sflag:s20], $0x4000  }
0x34: {  	[sflag:s20] =	ssyncset.done $0x0  }
0x35: {  	[sflag:s20] =	ssyncadd.s32 $0xFFFFC000  }
0x36: {  	[tilespmem:s19], [sflag:$0x3] =	stream.linear.gather [spmem:s11], $0x4000, $0x38;
	[tilespmem:$0x1E400] =	vst v63  }
0x37: {  	_ =	swait.ge [sflag:s20], $0x4000  }
0x38: {  	[sflag:s20] =	ssyncset.done $0x0  }
0x39: {  	[sflag:s20] =	ssyncadd.s32 $0xFFFFC000  }
0x3a: {  	[hbm4b:s16+s3] =	stream.linear.scatter [tilespmem:s19], [sflag:$0x3], $0x4000, $0x38;
	[tilespmem:$0x1E400] =	vst v63  }
0x3b: {  	_ =	swait.ge [sflag:s20], $0x4000  }
0x3c: {  	[sflag:s20] =	ssyncset.done $0x0  }
0x3d: {  	[sflag:s20] =	ssyncadd.s32 $0xFFFFC000  }
0x3e: {  	[tilespmem:s19], [sflag:$0x3] =	stream.linear.gather [spmem:s12], $0x3C00, $0x38;
	[tilespmem:$0x1E400] =	vst v63  }
0x3f: {  	s25 =	sadd.s32 $0x1, s25;
	_ =	swait.ge [sflag:s20], $0x3C00  }
0x40: {  	p1 =	sne.s32 s25, s18;
	[sflag:s20] =	ssyncset.done $0x0  }
.Ltmp1:
0x41: {  	[sflag:s20] =	ssyncadd.s32 $0xFFFFC400;
	(pc) =	sbr.rel @!p1 .LBB2_12-.Ltmp1, $4  }
0x42: {  	[hbm4b:s17+s3] =	stream.linear.scatter [tilespmem:s19], [sflag:$0x3], $0x3C00, $0x38;
	[tilespmem:$0x1E400] =	vst v63  }
0x43: {  	_ =	swait.ge [sflag:s20], $0x3C00  }
0x44: {  	[sflag:s20] =	ssyncset.done $0x0  }
0x45: {  	[sflag:s20] =	ssyncadd.s32 $0xFFFFC400  }
.LBB2_1:
0x46: {  	s26 =	simm.s32 $0x0;
	s28 =	simm.s32 $0x200  }
.LBB2_2:
0x47: {  	p1 =	sne.s32 s28, $0xFE00;
	[tilespmem:s26+$0x2870] =	vst v0  }
0x48: {  	[tilespmem:s26+$0x2800] =	vst v0  }
0x49: {  	[tilespmem:s26+$0x2810] =	vst v0  }
.Ltmp2:
0x4a: {  	[tilespmem:s26+$0x2820] =	vst v0;
	(pc) =	sbr.rel @p1 .LBB2_2-.Ltmp2, $4  }
0x4b: {  	[tilespmem:s26+$0x2830] =	vst v0  }
0x4c: {  	[tilespmem:s26+$0x2840] =	vst v0  }
0x4d: {  	[tilespmem:s26+$0x2850] =	vst v0  }
0x4e: {  	[tilespmem:s26+$0x2860] =	vst v0;
	s26 =	sshra.s32 s28, $0x2;
	s28 =	sadd.s32 $0x200, s28  }
0x4f: {  	[tilespmem:s26+$0x2870] =	vst v0  }
0x50: {  	[tilespmem:s26+$0x2800] =	vst v0  }
0x51: {  	[tilespmem:s26+$0x2810] =	vst v0  }
0x52: {  	[tilespmem:s26+$0x2820] =	vst v0  }
0x53: {  	[tilespmem:s26+$0x2830] =	vst v0  }
0x54: {  	[tilespmem:s26+$0x2840] =	vst v0  }
0x55: {  	[tilespmem:s26+$0x2850] =	vst v0  }
0x56: {  	[tilespmem:s26+$0x2860] =	vst v0  }
0x57: {  	[spmem:s8] =	stream.linear.scatter [tilespmem:s19], [sflag:$0x3], $0x4000, $0x38;
	[tilespmem:$0x1E400] =	vst v63  }
0x58: {  	_ =	swait.ge [sflag:s20], $0x4000  }
0x59: {  	[sflag:s20] =	ssyncset.done $0x0  }
0x5a: {  	[sflag:s20] =	ssyncadd.s32 $0xFFFFC000  }
0x5b: {  	[spmem:s9] =	stream.linear.scatter [tilespmem:s19], [sflag:$0x3], $0x4000, $0x38;
	[tilespmem:$0x1E400] =	vst v63  }
0x5c: {  	_ =	swait.ge [sflag:s20], $0x4000  }
0x5d: {  	[sflag:s20] =	ssyncset.done $0x0  }
0x5e: {  	[sflag:s20] =	ssyncadd.s32 $0xFFFFC000  }
0x5f: {  	[spmem:s10] =	stream.linear.scatter [tilespmem:s19], [sflag:$0x3], $0x4000, $0x38;
	[tilespmem:$0x1E400] =	vst v63  }
0x60: {  	_ =	swait.ge [sflag:s20], $0x4000  }
0x61: {  	[sflag:s20] =	ssyncset.done $0x0  }
0x62: {  	[sflag:s20] =	ssyncadd.s32 $0xFFFFC000  }
0x63: {  	[spmem:s11] =	stream.linear.scatter [tilespmem:s19], [sflag:$0x3], $0x4000, $0x38;
	[tilespmem:$0x1E400] =	vst v63  }
0x64: {  	_ =	swait.ge [sflag:s20], $0x4000  }
0x65: {  	[sflag:s20] =	ssyncset.done $0x0  }
0x66: {  	[sflag:s20] =	ssyncadd.s32 $0xFFFFC000  }
0x67: {  	[spmem:s12] =	stream.linear.scatter [tilespmem:s19], [sflag:$0x3], $0x3C00, $0x38;
	[tilespmem:$0x1E400] =	vst v63  }
.Ltmp3:
0x68: {  	_ =	swait.ge [sflag:s20], $0x3C00;
	(pc) =	sbr.rel @p0 .LBB2_11-.Ltmp3, $4  }
.Ltmp4:
0x69: {  	[sflag:s20] =	ssyncset.done $0x0;
	(pc) =	sbr.rel @!p0 .LBB2_4-.Ltmp4, $4  }
0x6a: {  	[sflag:s20] =	ssyncadd.s32 $0xFFFFC400  }
0x6b: {  	[bflag:$0x0] =	sbarrier.arrive $0xFFFF  }
0x6c: {  	s26 =	simm.s32 $0x0  }
0x6d: {  	_ = 	snop  }
.LBB2_8:
0x6e: {  	s29 =	sand.u32 $0x1, s26;
	p1 =	seq.s32 s28, $0x1  }
0x6f: {  	s30 =	sadd.s32 @!p1 $0x1, s29  }
0x70: {  	_ =	swait.ge @!p1 [sflag:s30], $0x4000  }
0x71: {  	[sflag:s30] =	ssyncset.done @!p1 $0x0  }
0x72: {  	[sflag:s30] =	ssyncadd.s32 @!p1 $0xFFFFC000  }
.LBB2_9:
0x73: {  	s30 =	sshll.u32 s29, $0xE;
	s26 =	sadd.s32 $0x1, s26  }
0x74: {  	s28 =	sshll.u32 s28, $0x7;
	s30 =	sor.u32 $0x2800, s30;
	p1 =	sne.s32 s26, s7  }
0x75: {  	[tilespmem:s30], [sflag:$0x3] =	stream.indirect.gather [hbm4b:s5+s22], $0x80, s28, s22, $0xb8;
	[tilespmem:$0x1E400] =	vst v63  }
.Ltmp5:
0x76: {  	_ = 	snop;
	(pc) =	sbr.rel @!p1 .LBB2_10-.Ltmp5, $4  }
0x77: {  	_ =	swait.ge [sflag:s20], $0x4000  }
0x78: {  	[sflag:s20] =	ssyncset.done $0x0  }
0x79: {  	s31 =	sadd.s32 $0x1, s29;
	s28 =	sadd.s32 $0x1400, s28;
	[sflag:s20] =	ssyncadd.s32 $0xFFFFC000  }
0x7a: {  	[spmem:s2] =	stream.indirect.scatter.add.f32 [tilespmem:s30], [sflag:s31], $0x80, s28, s22, $0xb8;
	[tilespmem:$0x1E400] =	vst v63  }
.LBB2_4:
0x7b: {  	s28 =	smulhi.u32 $0xCCCCCCCD, s26;
	_ =	sdelay $0x1  }
0x7c: {  	s28 =	sshrl.u32 s28, $0x5  }
0x7d: {  	s28 =	smul.u32 $0x28, s28;
	_ =	sdelay $0x1  }
0x7e: {  	s28 =	ssub.s32 s26, s28  }
0x7f: {  	p1 =	sne.s32 s28, $0x0  }
.Ltmp6:
0x80: {  	_ = 	snop;
	(pc) =	sbr.rel @p1 .LBB2_8-.Ltmp6, $1  }
0x81: {  	_ =	sdelay $0x3  }
0x82: {  	p1 =	seq.s32 s26, $0x0  }
0x83: {  	s29 =	simm.s32 @!p1 $0x1  }
0x84: {  	_ =	swait.ge @!p1 [sflag:s29], $0x4000  }
0x85: {  	[sflag:s29] =	ssyncset.done @!p1 $0x0  }
0x86: {  	[sflag:s29] =	ssyncadd.s32 @!p1 $0xFFFFC000;
	s29 =	simm.s32 @!p1 $0x2  }
0x87: {  	s30 =	sadd.s32 s6, s26;
	_ =	swait.ge @!p1 [sflag:s29], $0x4000  }
0x88: {  	s30 =	sshll.u32 s30, $0x4;
	[sflag:s29] =	ssyncset.done @!p1 $0x0  }
0x89: {  	[sflag:s29] =	ssyncadd.s32 @!p1 $0xFFFFC000;
	s29 =	sadd.s32 s1, s30;
	s30 =	simm.s32 $0x0  }
0x8a: {  	[tilespmem:s21], [sflag:$0x3] =	stream.linear.gather [hbm4b:s29+s30], $0x1400, $0x38;
	[tilespmem:$0x1E400] =	vst v63  }
0x8b: {  	_ =	swait.ge [sflag:s20], $0x1400  }
0x8c: {  	[sflag:s20] =	ssyncset.done $0x0  }
0x8d: {  	s29 =	simm.s32 $0x0;
	[sflag:s20] =	ssyncadd.s32 $0xFFFFEC00  }
0x8e: {  	v1 =	vld [tilespmem:s29+$0x1400]  }
0x8f: {  	v7 =	vld [tilespmem:s29+$0x1410]  }
0x90: {  	v6 =	vld [tilespmem:s29+$0x1420]  }
0x91: {  	v5 =	vld [tilespmem:s29+$0x1430]  }
0x92: {  	v3 =	vld [tilespmem:s29+$0x1440]  }
0x93: {  	v4 =	vld [tilespmem:s29+$0x1450];
	v2 =	vshra.s32 v1, $0x10  }
0x94: {  	s30 =	simm.s32 $0x200;
	v1 =	vand.u32 $0xFFFF, v1;
	v8 =	vshra.s32 v7, $0x10;
	[tilespmem:s29+$0x1400] =	vst v2;
	v2 =	vand.u32 $0xFFFF, v7;
	v7 =	vld [tilespmem:s29+$0x1460]  }
.LBB2_6:
0x95: {  	p1 =	sne.s32 s30, $0x4E00;
	[tilespmem:s29+$0x1410] =	vst v8;
	v8 =	vand.u32 $0xFFFF, v6;
	v6 =	vshra.s32 v6, $0x10;
	v9 =	vld [tilespmem:s29+$0x1470]  }
0x96: {  	[tilespmem:s29+$0x1420] =	vst v6;
	v6 =	vand.u32 $0xFFFF, v5;
	v5 =	vshra.s32 v5, $0x10  }
0x97: {  	[tilespmem:s29+$0x1430] =	vst v5;
	v5 =	vand.u32 $0xFFFF, v3;
	v3 =	vshra.s32 v3, $0x10  }
0x98: {  	[tilespmem:s29+$0x1440] =	vst v3;
	v3 =	vand.u32 $0xFFFF, v4;
	v4 =	vshra.s32 v4, $0x10  }
0x99: {  	[tilespmem:s29+$0x1450] =	vst v4;
	v4 =	vand.u32 $0xFFFF, v7;
	v7 =	vshra.s32 v7, $0x10  }
0x9a: {  	[tilespmem:s29+$0x1460] =	vst v7;
	v7 =	vand.u32 $0xFFFF, v9;
	v9 =	vshra.s32 v9, $0x10  }
0x9b: {  	[tilespmem:s29+$0x1470] =	vst v9  }
0x9c: {  	[tilespmem:s29+$0x0] =	vst v1  }
0x9d: {  	s31 =	sshra.s32 s30, $0x2;
	[tilespmem:s29+$0x10] =	vst v2  }
0x9e: {  	v2 =	vld [tilespmem:s31+$0x1400];
	[tilespmem:s29+$0x20] =	vst v8  }
0x9f: {  	v8 =	vld [tilespmem:s31+$0x1410];
	[tilespmem:s29+$0x30] =	vst v6  }
.Ltmp7:
0xa0: {  	v6 =	vld [tilespmem:s31+$0x1420];
	[tilespmem:s29+$0x40] =	vst v5;
	(pc) =	sbr.rel @p1 .LBB2_6-.Ltmp7, $4  }
0xa1: {  	v5 =	vld [tilespmem:s31+$0x1430];
	[tilespmem:s29+$0x50] =	vst v3  }
0xa2: {  	v3 =	vld [tilespmem:s31+$0x1440];
	[tilespmem:s29+$0x60] =	vst v4  }
0xa3: {  	v1 =	vand.u32 $0xFFFF, v2;
	v2 =	vshra.s32 v2, $0x10;
	v4 =	vld [tilespmem:s31+$0x1450];
	[tilespmem:s29+$0x70] =	vst v7;
	s29 =	smov.u32 s31  }
0xa4: {  	s30 =	sadd.s32 $0x200, s30;
	[tilespmem:s29+$0x1400] =	vst v2;
	v2 =	vand.u32 $0xFFFF, v8;
	v8 =	vshra.s32 v8, $0x10;
	v7 =	vld [tilespmem:s29+$0x1460]  }
0xa5: {  	[tilespmem:s29+$0x1410] =	vst v8  }
0xa6: {  	[tilespmem:s29+$0x0] =	vst v1  }
0xa7: {  	v58 =	vshra.s32 v6, $0x10;
	[tilespmem:s29+$0x10] =	vst v2  }
0xa8: {  	v1 =	vand.u32 $0xFFFF, v6;
	[tilespmem:s29+$0x1420] =	vst v58  }
0xa9: {  	v59 =	vshra.s32 v5, $0x10;
	[tilespmem:s29+$0x20] =	vst v1  }
0xaa: {  	v2 =	vand.u32 $0xFFFF, v5;
	[tilespmem:s29+$0x1430] =	vst v59  }
0xab: {  	v60 =	vshra.s32 v3, $0x10;
	[tilespmem:s29+$0x30] =	vst v2  }
0xac: {  	v9 =	vld [tilespmem:s29+$0x1470];
	v1 =	vand.u32 $0xFFFF, v3;
	[tilespmem:s29+$0x1440] =	vst v60  }
0xad: {  	v61 =	vshra.s32 v4, $0x10;
	[tilespmem:s29+$0x40] =	vst v1  }
0xae: {  	v2 =	vand.u32 $0xFFFF, v4;
	[tilespmem:s29+$0x1450] =	vst v61  }
.Ltmp8:
0xaf: {  	v62 =	vshra.s32 v7, $0x10;
	[tilespmem:s29+$0x50] =	vst v2;
	(pc) =	sbr.rel .LBB2_9-.Ltmp8, $4  }
0xb0: {  	v1 =	vand.u32 $0xFFFF, v7;
	[tilespmem:s29+$0x1460] =	vst v62  }
0xb1: {  	v63 =	vshra.s32 v9, $0x10;
	[tilespmem:s29+$0x60] =	vst v1  }
0xb2: {  	v2 =	vand.u32 $0xFFFF, v9;
	[tilespmem:s29+$0x1470] =	vst v63  }
0xb3: {  	[tilespmem:s29+$0x70] =	vst v2;
	s29 =	sand.u32 $0x1, s26  }
.LBB2_12:
0xb4: {  	_ =	sfence.sel $0x180000  }
0xb5: {  	[bflag:$0x0] =	sbarrier.arrive $0xFFFF  }
0xb6: {  	p0 =	sne.s32 s4, $0x0;
	_ =	strace $0x9000004A  }
0xb7: {  	s0 =	sadd.s32 @!p0 $0x100000, s0;
	[bflag:$0x2] =	sbarrier.arrive $0xFFFF  }
0xb8: {  	[sflag:s0] =	ssyncadd.tile.s32 @!p0 $0x1;
	_ =	shalt  }
.Lfunc_end2:
_tile_overlayer_lowered:
.L_overlay_start_2:
0xb9: {  	(tag) =	ssettag $0x2  }
0xba: {  	s0 =	rddreg [dreg:$0x0];
	s2 =	stileid.u32  }
0xbb: {  	s1 =	rddreg [dreg:$0x1];
	p0 =	sne.s32 s2, $0x0  }
0xbc: {  	s3 =	rddreg [dreg:$0x2];
	[bflag:$0x3] =	sbarrier.arrive $0xFFFF;
	s2 =	simm.s32 @!p0 $0x1C03  }
0xbd: {  	[timem:s3], [sflag:s2] =	dma.local @!p0 [hbm:s0], s1  }
0xbe: {  	s0 =	simm.s32 @!p0 $0x3  }
0xbf: {  	_ =	swait.ge @!p0 [sflag:s0], s1  }
0xc0: {  	s1 =	ssub.s32 @!p0 $0x0, s1;
	[sflag:s0] =	ssyncset.done @!p0 $0x0  }
0xc1: {  	[sflag:s0] =	ssyncadd.s32 @!p0 s1  }
0xc2: {  	[bflag:$0x3] =	sbarrier.arrive $0xFFFF  }
0xc3: {  	_ =	shalt  }

</sc_bundles>
